<compile_context>
chip_gen: v7x
topology: tpu7x:2x2x1
jax: 0.10.2.dev20260603
libtpu: 0.0.44.dev20260713+nightly
codegen_flags: <defaults>
</compile_context>

<pallas_src>
import functools

import jax
import jax.numpy as jnp
from jax import lax
from jax.experimental import pallas as pl
from jax.experimental.pallas import tpu as pltpu
from jax.experimental.pallas import tpu_sc as plsc

N_NODES = 10000
HID = 128
N_EDGES = 320000

N_PAD = 10112
ROWS_PER_TILE = N_PAD // 16
CHUNK = 128
E_PAD = 327680
EDGES_PER_TILE = E_PAD // 16
CHUNKS_PER_TILE = EDGES_PER_TILE // CHUNK


def _pre_body(h_ref, w1a_ref, w1b_ref, b1_ref, w2_ref, b2_ref, iw_ref,
              ib_ref, a_ref, t_ref):
    hv = h_ref[...]
    b1 = b1_ref[...]
    w2 = w2_ref[...]
    b2 = b2_ref[...]
    iw = iw_ref[...]
    ib = ib_ref[...]
    fa = jnp.dot(jax.nn.relu(jnp.dot(hv, w1a_ref[...],
                                     preferred_element_type=jnp.float32) + b1),
                 w2, preferred_element_type=jnp.float32) + b2
    fb = jnp.dot(jax.nn.relu(jnp.dot(hv, w1b_ref[...],
                                     preferred_element_type=jnp.float32) + b1),
                 w2, preferred_element_type=jnp.float32) + b2
    sa = jax.nn.sigmoid(jnp.dot(fa, iw, preferred_element_type=jnp.float32) + ib)
    sb = jax.nn.sigmoid(jnp.dot(fb, iw, preferred_element_type=jnp.float32) + ib)
    a_ref[...] = fa * sa
    t_ref[...] = fb * sb


def _tc_pre(h2, w1a, w1b, b1, w2, b2, iw, ib, blk=1000):
    grid = N_NODES // blk
    full = lambda s: pl.BlockSpec(s, lambda i: (0,) * len(s))
    return pl.pallas_call(
        _pre_body,
        grid=(grid,),
        in_specs=[
            pl.BlockSpec((blk, HID), lambda i: (i, 0)),
            full((HID, HID)), full((HID, HID)), full((1, HID)),
            full((HID, HID)), full((1, HID)), full((HID, 1)), full((1, 1)),
        ],
        out_specs=[
            pl.BlockSpec((blk, HID), lambda i: (i, 0)),
            pl.BlockSpec((blk, HID), lambda i: (i, 0)),
        ],
        out_shape=[
            jax.ShapeDtypeStruct((N_NODES, HID), jnp.float32),
            jax.ShapeDtypeStruct((N_NODES, HID), jnp.float32),
        ],
    )(h2, w1a, w1b, b1, w2, b2, iw, ib)


NBUF = 2
PASS_CHUNKS = 40
N_CHUNKS = E_PAD // CHUNK
K0 = 120
K1 = 40
DEG_CHUNKS = N_CHUNKS // 16
DEG_RING = 8


def _sc_body(gidx_hbm, sidx_hbm, tabs_hbm, z2d_hbm, ones_hbm, acc_out,
             g_idx, s_idx, rows0, rows1, acc_sh, gs0, gs1, ss0, ss1):
    cid = lax.axis_index("c")
    sid = lax.axis_index("s")
    bufs = (rows0, rows1)
    gsems = (gs0, gs1)
    ssems = (ss0, ss1)
    myrows = pl.ds(sid * ROWS_PER_TILE, ROWS_PER_TILE)

    pltpu.sync_copy(z2d_hbm.at[myrows], acc_sh.at[myrows])
    plsc.subcore_barrier()

    @pl.when(cid == 1)
    def _():
      with jax.named_scope("deg_phase"):
        pltpu.sync_copy(ones_hbm, rows0)
        for p in range(DEG_CHUNKS // PASS_CHUNKS):
            pltpu.sync_copy(
                sidx_hbm.at[pl.ds(DEG_CHUNKS * sid + PASS_CHUNKS * p,
                                  PASS_CHUNKS)], s_idx)

            def dgroup(i, carry):
                descs = []
                for j in range(DEG_RING):
                    descs.append(pltpu.async_copy(
                        rows0, acc_sh.at[s_idx.at[DEG_RING * i + j]],
                        ssems[j % 2], add=True))
                for j in range(DEG_RING):
                    descs[j].wait()
                return carry

            lax.fori_loop(0, PASS_CHUNKS // DEG_RING, dgroup, 0)
        plsc.subcore_barrier()
        pltpu.sync_copy(acc_sh.at[myrows],
                        acc_out.at[pl.ds(N_PAD + sid * ROWS_PER_TILE,
                                         ROWS_PER_TILE)])
        pltpu.sync_copy(z2d_hbm.at[myrows], acc_sh.at[myrows])
        plsc.subcore_barrier()

    base = jnp.where(cid == 0, K0 * sid, 16 * K0 + K1 * sid)

    def gather(c, b):
        return pltpu.async_copy(tabs_hbm.at[g_idx.at[c]], bufs[b], gsems[b])

    def run_pass(p):
        row0 = base + PASS_CHUNKS * p
        pltpu.sync_copy(gidx_hbm.at[pl.ds(row0, PASS_CHUNKS)], g_idx)
        pltpu.sync_copy(sidx_hbm.at[pl.ds(row0, PASS_CHUNKS)], s_idx)
        for b in range(NBUF):
            gather(b, b)

        def group(i, carry):
            descs = []
            for b in range(NBUF):
                c = NBUF * i + b
                pltpu.make_async_copy(tabs_hbm.at[g_idx.at[c]], bufs[b],
                                      gsems[b]).wait()
                descs.append(pltpu.async_copy(
                    bufs[b], acc_sh.at[s_idx.at[c]], ssems[b], add=True))
            for b in range(NBUF):
                nxt = NBUF * i + b + NBUF

                @pl.when(nxt < PASS_CHUNKS)
                def _():
                    descs[b].wait()
                    gather(nxt, b)
            return carry

        lax.fori_loop(0, PASS_CHUNKS // NBUF, group, 0)
        for b in range(NBUF):
            pltpu.make_async_copy(
                bufs[b], acc_sh.at[s_idx.at[PASS_CHUNKS - NBUF + b]],
                ssems[b]).wait()

    with jax.named_scope("t_phase_shared"):
        for p in range(K1 // PASS_CHUNKS):
            run_pass(p)
    with jax.named_scope("t_phase_extra"):
        for p in range(K1 // PASS_CHUNKS, K0 // PASS_CHUNKS):

            @pl.when(cid == 0)
            def _():
                run_pass(p)

    plsc.subcore_barrier()
    pltpu.sync_copy(
        acc_sh.at[myrows],
        acc_out.at[pl.ds(2 * N_PAD * cid + sid * ROWS_PER_TILE,
                         ROWS_PER_TILE)])


def _sc_scatter(gidx, sidx, tabs, z2d, ones2d):
    mesh = plsc.VectorSubcoreMesh(core_axis_name="c", subcore_axis_name="s")
    f = pl.kernel(
        _sc_body,
        mesh=mesh,
        out_type=[
            jax.ShapeDtypeStruct((3 * N_PAD, HID), jnp.float32),
        ],
        scratch_types=[
            pltpu.VMEM((PASS_CHUNKS, CHUNK), jnp.int32),
            pltpu.VMEM((PASS_CHUNKS, CHUNK), jnp.int32),
            pltpu.VMEM((CHUNK, HID), jnp.float32),
            pltpu.VMEM((CHUNK, HID), jnp.float32),
            pltpu.VMEM_SHARED((N_PAD, HID), jnp.float32),
            pltpu.SemaphoreType.DMA,
            pltpu.SemaphoreType.DMA,
            pltpu.SemaphoreType.DMA,
            pltpu.SemaphoreType.DMA,
        ],
    )
    return f(gidx, sidx, tabs, z2d, ones2d)


def _post_body(h_ref, a_ref, accT0_ref, accT1_ref, deg_ref, nw1a_ref,
               nw1b_ref, nb1_ref, nw2_ref, nb2_ref, out_ref):
    hv = h_ref[...]
    nb1 = nb1_ref[...]
    nw2 = nw2_ref[...]
    nb2 = nb2_ref[...]
    mi1 = accT0_ref[...] + accT1_ref[...]
    mi0 = a_ref[...] * deg_ref[...][:, 0:1]

    def mlp(v, w1):
        return jnp.dot(jax.nn.relu(
            jnp.dot(v, w1, preferred_element_type=jnp.float32) + nb1),
            nw2, preferred_element_type=jnp.float32) + nb2

    u0 = hv + mlp(mi0, nw1a_ref[...])
    u1 = hv + mlp(mi1, nw1a_ref[...])
    u2 = hv + mlp(hv, nw1b_ref[...])
    out_ref[...] = jnp.concatenate(
        [u0[:, None, :], u1[:, None, :], u2[:, None, :]], axis=1)


def _tc_post(h2, a, accT0, accT1, deg, nw1a, nw1b, nb1, nw2, nb2, blk=1000):
    grid = N_NODES // blk
    full = lambda s: pl.BlockSpec(s, lambda i: (0,) * len(s))
    return pl.pallas_call(
        _post_body,
        grid=(grid,),
        in_specs=[
            pl.BlockSpec((blk, HID), lambda i: (i, 0)),
            pl.BlockSpec((blk, HID), lambda i: (i, 0)),
            pl.BlockSpec((blk, HID), lambda i: (i, 0)),
            pl.BlockSpec((blk, HID), lambda i: (i, 0)),
            pl.BlockSpec((blk, HID), lambda i: (i, 0)),
            full((HID, HID)), full((HID, HID)), full((1, HID)),
            full((HID, HID)), full((1, HID)),
        ],
        out_specs=pl.BlockSpec((blk, 3, HID), lambda i: (i, 0, 0)),
        out_shape=jax.ShapeDtypeStruct((N_NODES, 3, HID), jnp.float32),
    )(h2, a, accT0, accT1, deg, nw1a, nw1b, nb1, nw2, nb2)


def kernel(h, x, edge_index, edge_W1, edge_b1, edge_W2, edge_b2, inf_W,
           inf_b, node_W1, node_b1, node_W2, node_b2):
    h2 = h[:, 0, :]
    a_tab, t_tab = _tc_pre(
        h2, edge_W1[:HID], edge_W1[HID:], edge_b1[None, :], edge_W2,
        edge_b2[None, :], inf_W, inf_b[None, :])

    src = edge_index[0]
    dst = edge_index[1]
    pad = E_PAD - N_EDGES
    gpad = jnp.arange(pad, dtype=jnp.int32) % N_NODES
    gidx = jnp.concatenate([src, gpad]).reshape(
        N_CHUNKS, CHUNK)
    dump = N_NODES + jnp.arange(pad, dtype=jnp.int32) % (N_PAD - N_NODES)
    sidx = jnp.concatenate([dst, dump]).reshape(
        N_CHUNKS, CHUNK)
    z2d = jnp.zeros((N_PAD, HID), jnp.float32)
    ones2d = jnp.ones((CHUNK, HID), jnp.float32)

    (acc_flat,) = _sc_scatter(gidx, sidx, t_tab, z2d, ones2d)
    accT0 = acc_flat[:N_NODES]
    deg = acc_flat[N_PAD:N_PAD + N_NODES]
    accT1 = acc_flat[2 * N_PAD:2 * N_PAD + N_NODES]

    h_new = _tc_post(h2, a_tab, accT0, accT1, deg, node_W1[:HID],
                     node_W1[HID:], node_b1[None, :], node_W2,
                     node_b2[None, :])
    return (h_new, x)

# --- scband reference (transcript-rebuilt; emitter-appended) ---
"""Pipeline reference for scband-en-base-layer-7782480740764 (READ-ONLY COPY).

The authoritative reference and input builder live on the scoring server;
editing this copy changes nothing except your own understanding.
"""

import jax, jax.numpy as jnp
import numpy as np

HID = 128
N_NODES = 10000
N_EDGES = 320000

def _feature_joint(a, b):
    za = jnp.zeros((a.shape[0], a.shape[1], b.shape[2]), dtype=a.dtype)
    zb = jnp.zeros((b.shape[0], b.shape[1], a.shape[2]), dtype=b.dtype)
    a_exp = jnp.concatenate([a, za], axis=2)
    b_exp = jnp.concatenate([zb, b], axis=2)
    return jnp.concatenate([a_exp, b_exp], axis=1)

def _mlp(x, W1, b1, W2, b2):
    return jax.nn.relu(x @ W1 + b1) @ W2 + b2

def setup_inputs(seed: int = 0):
    key = jax.random.key(seed)
    ks = jax.random.split(key, 16)
    def lin(k, fan_in, fan_out):
        return jax.random.normal(k, (fan_in, fan_out), dtype=jnp.float32) * (1.0 / np.sqrt(fan_in))
    inp = {}
    inp['h'] = jax.random.normal(ks[0], (N_NODES, 1, HID), dtype=jnp.float32)
    inp['x'] = jax.random.normal(ks[1], (N_NODES, 3), dtype=jnp.float32)
    inp['edge_index'] = jax.random.randint(ks[2], (2, N_EDGES), 0, N_NODES, dtype=jnp.int32)
    inp['edge_W1'] = lin(ks[3], 2 * HID, HID); inp['edge_b1'] = jnp.zeros((HID,), dtype=jnp.float32)
    inp['edge_W2'] = lin(ks[4], HID, HID); inp['edge_b2'] = jnp.zeros((HID,), dtype=jnp.float32)
    inp['inf_W'] = lin(ks[5], HID, 1); inp['inf_b'] = jnp.zeros((1,), dtype=jnp.float32)
    inp['node_W1'] = lin(ks[6], 2 * HID, HID); inp['node_b1'] = jnp.zeros((HID,), dtype=jnp.float32)
    inp['node_W2'] = lin(ks[7], HID, HID); inp['node_b2'] = jnp.zeros((HID,), dtype=jnp.float32)
    return inp

def reference(h, x, edge_index, edge_W1, edge_b1, edge_W2, edge_b2, inf_W, inf_b, node_W1, node_b1, node_W2, node_b2):
    src = edge_index[0]
    dst = edge_index[1]
    hi = jnp.take(h, dst, axis=0)
    hj = jnp.take(h, src, axis=0)
    mij = _mlp(_feature_joint(hi, hj), edge_W1, edge_b1, edge_W2, edge_b2)
    eij = jax.nn.sigmoid(mij @ inf_W + inf_b)
    mi = jax.ops.segment_sum(mij * eij, dst, num_segments=h.shape[0])
    h_new = h + _mlp(_feature_joint(mi, h), node_W1, node_b1, node_W2, node_b2)
    return (h_new, x)

if __name__ == "__main__":
    import jax
    _d = setup_inputs()
    print(jax.jit(kernel)(*tuple(_d.values())))

</pallas_src>

<mosaic_0001>
#map = affine_map<(d0, d1) -> (0, 0)>
module attributes {stable_mosaic.version = 14 : i64} {
  func.func @_sc_body(%arg0: i32, %arg1: i32, %arg2: memref<2560x128xi32, #tpu.memory_space<hbm>>, %arg3: memref<2560x128xi32, #tpu.memory_space<hbm>>, %arg4: memref<10000x128xf32, #tpu.memory_space<hbm>>, %arg5: memref<10112x128xf32, #tpu.memory_space<hbm>>, %arg6: memref<128x128xf32, #tpu.memory_space<hbm>>, %arg7: memref<30336x128xf32, #tpu.memory_space<hbm>>, %arg8: memref<40x128xi32, #tpu.memory_space<vmem>>, %arg9: memref<40x128xi32, #tpu.memory_space<vmem>>, %arg10: memref<128x128xf32, #tpu.memory_space<vmem>>, %arg11: memref<128x128xf32, #tpu.memory_space<vmem>>, %arg12: memref<10112x128xf32, #tpu.memory_space<vmem_shared>>, %arg13: memref<!tpu.dma_semaphore, #tpu.memory_space<semaphore_mem>>, %arg14: memref<!tpu.dma_semaphore, #tpu.memory_space<semaphore_mem>>, %arg15: memref<!tpu.dma_semaphore, #tpu.memory_space<semaphore_mem>>, %arg16: memref<!tpu.dma_semaphore, #tpu.memory_space<semaphore_mem>>) attributes {dimension_semantics = [#tpu.dimension_semantics<core_parallel>, #tpu.dimension_semantics<subcore_parallel>], iteration_bounds = array<i64: 2, 16>, scalar_prefetch = 0 : i64, scratch_operands = 9 : i64, tpu.core_type = #tpu.core_type<sc_vector_subcore>, window_params = [{transform_indices = #map}, {transform_indices = #map}, {transform_indices = #map}, {transform_indices = #map}, {transform_indices = #map}, {transform_indices = #map}]} {
    %mul3A = arith.constant 632 : i32
    %mul3A_0 = arith.muli %arg1, %mul3A : i32
    "tpu.region"() ({
      %run_scoped3A = tpu.sem_alloc : memref<!tpu.dma_semaphore, #tpu.memory_space<semaphore_mem>>
      %dma_start3A_59 = arith.constant 0 : i32
      %dma_start3A_60 = tpu.memref_slice %arg12[%mul3A_0, %dma_start3A_59] : memref<10112x128xf32, #tpu.memory_space<vmem_shared>> -> memref<632x128xf32, #tpu.memory_space<vmem_shared>>
      %dma_start3A_61 = arith.constant 0 : i32
      %dma_start3A_62 = tpu.memref_slice %arg5[%mul3A_0, %dma_start3A_61] : memref<10112x128xf32, #tpu.memory_space<hbm>> -> memref<632x128xf32, #tpu.memory_space<hbm>>
      tpu.enqueue_dma source(%dma_start3A_62 : memref<632x128xf32, #tpu.memory_space<hbm>>) target(%dma_start3A_60 : memref<632x128xf32, #tpu.memory_space<vmem_shared>>) target_semaphore(%run_scoped3A : memref<!tpu.dma_semaphore, #tpu.memory_space<semaphore_mem>>)
      %dma_wait3A_63 = arith.constant 0 : i32
      %dma_wait3A_64 = tpu.memref_slice %arg12[%mul3A_0, %dma_wait3A_63] : memref<10112x128xf32, #tpu.memory_space<vmem_shared>> -> memref<632x128xf32, #tpu.memory_space<vmem_shared>>
      %dma_wait3A_65 = arith.constant 0 : i32
      %dma_wait3A_66 = tpu.memref_slice %arg5[%mul3A_0, %dma_wait3A_65] : memref<10112x128xf32, #tpu.memory_space<hbm>> -> memref<632x128xf32, #tpu.memory_space<hbm>>
      tpu.wait_dma2 semaphore(%run_scoped3A : memref<!tpu.dma_semaphore, #tpu.memory_space<semaphore_mem>>) src(%dma_wait3A_66 : memref<632x128xf32, #tpu.memory_space<hbm>>) dst(%dma_wait3A_64 : memref<632x128xf32, #tpu.memory_space<vmem_shared>>)
      tpu.yield
    }) : () -> ()
    %barrier3A = arith.constant 0 : index
    tpu.barrier barrier_id(%barrier3A)
    %eq3A = arith.constant 1 : i32
    %eq3A_1 = arith.cmpi eq, %arg0, %eq3A : i32
    %convert_element_type3A = arith.extui %eq3A_1 : i1 to i32
    %cond3A = arith.constant 0 : i32
    %cond3A_2 = arith.cmpi ne, %convert_element_type3A, %cond3A : i32
    scf.if %cond3A_2 {
      "tpu.trace_start"() <{level = 10 : i32, message = "deg_phase"}> : () -> ()
      "tpu.region"() ({
        %run_scoped3A = tpu.sem_alloc : memref<!tpu.dma_semaphore, #tpu.memory_space<semaphore_mem>>
        tpu.enqueue_dma source(%arg6 : memref<128x128xf32, #tpu.memory_space<hbm>>) target(%arg10 : memref<128x128xf32, #tpu.memory_space<vmem>>) target_semaphore(%run_scoped3A : memref<!tpu.dma_semaphore, #tpu.memory_space<semaphore_mem>>)
        tpu.wait_dma2 semaphore(%run_scoped3A : memref<!tpu.dma_semaphore, #tpu.memory_space<semaphore_mem>>) src(%arg6 : memref<128x128xf32, #tpu.memory_space<hbm>>) dst(%arg10 : memref<128x128xf32, #tpu.memory_space<vmem>>)
        tpu.yield
      }) : () -> ()
      %mul3A_59 = arith.constant 160 : i32
      %mul3A_60 = arith.muli %mul3A_59, %arg1 : i32
      %add3A_61 = arith.constant 0 : i32
      %add3A_62 = arith.addi %mul3A_60, %add3A_61 : i32
      "tpu.region"() ({
        %run_scoped3A = tpu.sem_alloc : memref<!tpu.dma_semaphore, #tpu.memory_space<semaphore_mem>>
        %dma_start3A_105 = arith.constant 0 : i32
        %dma_start3A_106 = tpu.memref_slice %arg3[%add3A_62, %dma_start3A_105] : memref<2560x128xi32, #tpu.memory_space<hbm>> -> memref<40x128xi32, #tpu.memory_space<hbm>>
        %dma_start3A_107 = arith.constant 0 : i32
        %dma_start3A_108 = tpu.memref_slice %arg3[%add3A_62, %dma_start3A_107] : memref<2560x128xi32, #tpu.memory_space<hbm>> -> memref<40x128xi32, #tpu.memory_space<hbm>>
        tpu.enqueue_dma source(%dma_start3A_108 : memref<40x128xi32, #tpu.memory_space<hbm>>) target(%arg9 : memref<40x128xi32, #tpu.memory_space<vmem>>) target_semaphore(%run_scoped3A : memref<!tpu.dma_semaphore, #tpu.memory_space<semaphore_mem>>)
        %dma_wait3A_109 = arith.constant 0 : i32
        %dma_wait3A_110 = tpu.memref_slice %arg3[%add3A_62, %dma_wait3A_109] : memref<2560x128xi32, #tpu.memory_space<hbm>> -> memref<40x128xi32, #tpu.memory_space<hbm>>
        %dma_wait3A_111 = arith.constant 0 : i32
        %dma_wait3A_112 = tpu.memref_slice %arg3[%add3A_62, %dma_wait3A_111] : memref<2560x128xi32, #tpu.memory_space<hbm>> -> memref<40x128xi32, #tpu.memory_space<hbm>>
        tpu.wait_dma2 semaphore(%run_scoped3A : memref<!tpu.dma_semaphore, #tpu.memory_space<semaphore_mem>>) src(%dma_wait3A_112 : memref<40x128xi32, #tpu.memory_space<hbm>>) dst(%arg9 : memref<40x128xi32, #tpu.memory_space<vmem>>)
        tpu.yield
      }) : () -> ()
      %scan3A_63 = arith.constant 0 : i32
      %scan3A_64 = arith.constant 0 : i32
      %scan3A_65 = arith.constant 5 : i32
      %scan3A_66 = arith.addi %scan3A_64, %scan3A_65 : i32
      %scan3A_67 = arith.constant 1 : i32
      scf.for %scan3A_105 = %scan3A_64 to %scan3A_66 step %scan3A_67  : i32 {
        %mul3A_106 = arith.constant 8 : i32
        %mul3A_107 = arith.muli %mul3A_106, %scan3A_105 : i32
        %add3A_108 = arith.constant 0 : i32
        %add3A_109 = arith.addi %mul3A_107, %add3A_108 : i32
        %dma_start3A_110 = arith.constant 0 : i32
        %dma_start3A_111 = tpu.memref_slice %arg9[%add3A_109, %dma_start3A_110] : memref<40x128xi32, #tpu.memory_space<vmem>> -> memref<1x128xi32, #tpu.memory_space<vmem>>
        %dma_start3A_112 = tpu.memref_squeeze %dma_start3A_111 : memref<1x128xi32, #tpu.memory_space<vmem>> -> memref<128xi32, #tpu.memory_space<vmem>>
        %dma_start3A_113 = arith.constant 0 : i32
        %dma_start3A_114 = arith.constant 0 : i32
        %dma_start3A_115 = tpu.memref_slice %arg12[%dma_start3A_113, %dma_start3A_114] : memref<10112x128xf32, #tpu.memory_space<vmem_shared>> -> memref<10112x128xf32, #tpu.memory_space<vmem_shared>>
        tpu.enqueue_indirect_dma source(%arg10 : memref<128x128xf32, #tpu.memory_space<vmem>>) target(%dma_start3A_115 : memref<10112x128xf32, #tpu.memory_space<vmem_shared>>) offsets(%dma_start3A_112 : memref<128xi32, #tpu.memory_space<vmem>>) semaphore(%arg15 : memref<!tpu.dma_semaphore, #tpu.memory_space<semaphore_mem>>) {add = true}
        %mul3A_116 = arith.constant 8 : i32
        %mul3A_117 = arith.muli %mul3A_116, %scan3A_105 : i32
        %add3A_118 = arith.constant 1 : i32
        %add3A_119 = arith.addi %mul3A_117, %add3A_118 : i32
        %dma_start3A_120 = arith.constant 0 : i32
        %dma_start3A_121 = tpu.memref_slice %arg9[%add3A_119, %dma_start3A_120] : memref<40x128xi32, #tpu.memory_space<vmem>> -> memref<1x128xi32, #tpu.memory_space<vmem>>
        %dma_start3A_122 = tpu.memref_squeeze %dma_start3A_121 : memref<1x128xi32, #tpu.memory_space<vmem>> -> memref<128xi32, #tpu.memory_space<vmem>>
        %dma_start3A_123 = arith.constant 0 : i32
        %dma_start3A_124 = arith.constant 0 : i32
        %dma_start3A_125 = tpu.memref_slice %arg12[%dma_start3A_123, %dma_start3A_124] : memref<10112x128xf32, #tpu.memory_space<vmem_shared>> -> memref<10112x128xf32, #tpu.memory_space<vmem_shared>>
        tpu.enqueue_indirect_dma source(%arg10 : memref<128x128xf32, #tpu.memory_space<vmem>>) target(%dma_start3A_125 : memref<10112x128xf32, #tpu.memory_space<vmem_shared>>) offsets(%dma_start3A_122 : memref<128xi32, #tpu.memory_space<vmem>>) semaphore(%arg16 : memref<!tpu.dma_semaphore, #tpu.memory_space<semaphore_mem>>) {add = true}
        %mul3A_126 = arith.constant 8 : i32
        %mul3A_127 = arith.muli %mul3A_126, %scan3A_105 : i32
        %add3A_128 = arith.constant 2 : i32
        %add3A_129 = arith.addi %mul3A_127, %add3A_128 : i32
        %dma_start3A_130 = arith.constant 0 : i32
        %dma_start3A_131 = tpu.memref_slice %arg9[%add3A_129, %dma_start3A_130] : memref<40x128xi32, #tpu.memory_space<vmem>> -> memref<1x128xi32, #tpu.memory_space<vmem>>
        %dma_start3A_132 = tpu.memref_squeeze %dma_start3A_131 : memref<1x128xi32, #tpu.memory_space<vmem>> -> memref<128xi32, #tpu.memory_space<vmem>>
        %dma_start3A_133 = arith.constant 0 : i32
        %dma_start3A_134 = arith.constant 0 : i32
        %dma_start3A_135 = tpu.memref_slice %arg12[%dma_start3A_133, %dma_start3A_134] : memref<10112x128xf32, #tpu.memory_space<vmem_shared>> -> memref<10112x128xf32, #tpu.memory_space<vmem_shared>>
        tpu.enqueue_indirect_dma source(%arg10 : memref<128x128xf32, #tpu.memory_space<vmem>>) target(%dma_start3A_135 : memref<10112x128xf32, #tpu.memory_space<vmem_shared>>) offsets(%dma_start3A_132 : memref<128xi32, #tpu.memory_space<vmem>>) semaphore(%arg15 : memref<!tpu.dma_semaphore, #tpu.memory_space<semaphore_mem>>) {add = true}
        %mul3A_136 = arith.constant 8 : i32
        %mul3A_137 = arith.muli %mul3A_136, %scan3A_105 : i32
        %add3A_138 = arith.constant 3 : i32
        %add3A_139 = arith.addi %mul3A_137, %add3A_138 : i32
        %dma_start3A_140 = arith.constant 0 : i32
        %dma_start3A_141 = tpu.memref_slice %arg9[%add3A_139, %dma_start3A_140] : memref<40x128xi32, #tpu.memory_space<vmem>> -> memref<1x128xi32, #tpu.memory_space<vmem>>
        %dma_start3A_142 = tpu.memref_squeeze %dma_start3A_141 : memref<1x128xi32, #tpu.memory_space<vmem>> -> memref<128xi32, #tpu.memory_space<vmem>>
        %dma_start3A_143 = arith.constant 0 : i32
        %dma_start3A_144 = arith.constant 0 : i32
        %dma_start3A_145 = tpu.memref_slice %arg12[%dma_start3A_143, %dma_start3A_144] : memref<10112x128xf32, #tpu.memory_space<vmem_shared>> -> memref<10112x128xf32, #tpu.memory_space<vmem_shared>>
        tpu.enqueue_indirect_dma source(%arg10 : memref<128x128xf32, #tpu.memory_space<vmem>>) target(%dma_start3A_145 : memref<10112x128xf32, #tpu.memory_space<vmem_shared>>) offsets(%dma_start3A_142 : memref<128xi32, #tpu.memory_space<vmem>>) semaphore(%arg16 : memref<!tpu.dma_semaphore, #tpu.memory_space<semaphore_mem>>) {add = true}
        %mul3A_146 = arith.constant 8 : i32
        %mul3A_147 = arith.muli %mul3A_146, %scan3A_105 : i32
        %add3A_148 = arith.constant 4 : i32
        %add3A_149 = arith.addi %mul3A_147, %add3A_148 : i32
        %dma_start3A_150 = arith.constant 0 : i32
        %dma_start3A_151 = tpu.memref_slice %arg9[%add3A_149, %dma_start3A_150] : memref<40x128xi32, #tpu.memory_space<vmem>> -> memref<1x128xi32, #tpu.memory_space<vmem>>
        %dma_start3A_152 = tpu.memref_squeeze %dma_start3A_151 : memref<1x128xi32, #tpu.memory_space<vmem>> -> memref<128xi32, #tpu.memory_space<vmem>>
        %dma_start3A_153 = arith.constant 0 : i32
        %dma_start3A_154 = arith.constant 0 : i32
        %dma_start3A_155 = tpu.memref_slice %arg12[%dma_start3A_153, %dma_start3A_154] : memref<10112x128xf32, #tpu.memory_space<vmem_shared>> -> memref<10112x128xf32, #tpu.memory_space<vmem_shared>>
        tpu.enqueue_indirect_dma source(%arg10 : memref<128x128xf32, #tpu.memory_space<vmem>>) target(%dma_start3A_155 : memref<10112x128xf32, #tpu.memory_space<vmem_shared>>) offsets(%dma_start3A_152 : memref<128xi32, #tpu.memory_space<vmem>>) semaphore(%arg15 : memref<!tpu.dma_semaphore, #tpu.memory_space<semaphore_mem>>) {add = true}
        %mul3A_156 = arith.constant 8 : i32
        %mul3A_157 = arith.muli %mul3A_156, %scan3A_105 : i32
        %add3A_158 = arith.constant 5 : i32
        %add3A_159 = arith.addi %mul3A_157, %add3A_158 : i32
        %dma_start3A_160 = arith.constant 0 : i32
        %dma_start3A_161 = tpu.memref_slice %arg9[%add3A_159, %dma_start3A_160] : memref<40x128xi32, #tpu.memory_space<vmem>> -> memref<1x128xi32, #tpu.memory_space<vmem>>
        %dma_start3A_162 = tpu.memref_squeeze %dma_start3A_161 : memref<1x128xi32, #tpu.memory_space<vmem>> -> memref<128xi32, #tpu.memory_space<vmem>>
        %dma_start3A_163 = arith.constant 0 : i32
        %dma_start3A_164 = arith.constant 0 : i32
        %dma_start3A_165 = tpu.memref_slice %arg12[%dma_start3A_163, %dma_start3A_164] : memref<10112x128xf32, #tpu.memory_space<vmem_shared>> -> memref<10112x128xf32, #tpu.memory_space<vmem_shared>>
        tpu.enqueue_indirect_dma source(%arg10 : memref<128x128xf32, #tpu.memory_space<vmem>>) target(%dma_start3A_165 : memref<10112x128xf32, #tpu.memory_space<vmem_shared>>) offsets(%dma_start3A_162 : memref<128xi32, #tpu.memory_space<vmem>>) semaphore(%arg16 : memref<!tpu.dma_semaphore, #tpu.memory_space<semaphore_mem>>) {add = true}
        %mul3A_166 = arith.constant 8 : i32
        %mul3A_167 = arith.muli %mul3A_166, %scan3A_105 : i32
        %add3A_168 = arith.constant 6 : i32
        %add3A_169 = arith.addi %mul3A_167, %add3A_168 : i32
        %dma_start3A_170 = arith.constant 0 : i32
        %dma_start3A_171 = tpu.memref_slice %arg9[%add3A_169, %dma_start3A_170] : memref<40x128xi32, #tpu.memory_space<vmem>> -> memref<1x128xi32, #tpu.memory_space<vmem>>
        %dma_start3A_172 = tpu.memref_squeeze %dma_start3A_171 : memref<1x128xi32, #tpu.memory_space<vmem>> -> memref<128xi32, #tpu.memory_space<vmem>>
        %dma_start3A_173 = arith.constant 0 : i32
        %dma_start3A_174 = arith.constant 0 : i32
        %dma_start3A_175 = tpu.memref_slice %arg12[%dma_start3A_173, %dma_start3A_174] : memref<10112x128xf32, #tpu.memory_space<vmem_shared>> -> memref<10112x128xf32, #tpu.memory_space<vmem_shared>>
        tpu.enqueue_indirect_dma source(%arg10 : memref<128x128xf32, #tpu.memory_space<vmem>>) target(%dma_start3A_175 : memref<10112x128xf32, #tpu.memory_space<vmem_shared>>) offsets(%dma_start3A_172 : memref<128xi32, #tpu.memory_space<vmem>>) semaphore(%arg15 : memref<!tpu.dma_semaphore, #tpu.memory_space<semaphore_mem>>) {add = true}
        %mul3A_176 = arith.constant 8 : i32
        %mul3A_177 = arith.muli %mul3A_176, %scan3A_105 : i32
        %add3A_178 = arith.constant 7 : i32
        %add3A_179 = arith.addi %mul3A_177, %add3A_178 : i32
        %dma_start3A_180 = arith.constant 0 : i32
        %dma_start3A_181 = tpu.memref_slice %arg9[%add3A_179, %dma_start3A_180] : memref<40x128xi32, #tpu.memory_space<vmem>> -> memref<1x128xi32, #tpu.memory_space<vmem>>
        %dma_start3A_182 = tpu.memref_squeeze %dma_start3A_181 : memref<1x128xi32, #tpu.memory_space<vmem>> -> memref<128xi32, #tpu.memory_space<vmem>>
        %dma_start3A_183 = arith.constant 0 : i32
        %dma_start3A_184 = arith.constant 0 : i32
        %dma_start3A_185 = tpu.memref_slice %arg12[%dma_start3A_183, %dma_start3A_184] : memref<10112x128xf32, #tpu.memory_space<vmem_shared>> -> memref<10112x128xf32, #tpu.memory_space<vmem_shared>>
        tpu.enqueue_indirect_dma source(%arg10 : memref<128x128xf32, #tpu.memory_space<vmem>>) target(%dma_start3A_185 : memref<10112x128xf32, #tpu.memory_space<vmem_shared>>) offsets(%dma_start3A_182 : memref<128xi32, #tpu.memory_space<vmem>>) semaphore(%arg16 : memref<!tpu.dma_semaphore, #tpu.memory_space<semaphore_mem>>) {add = true}
        %dma_wait3A_186 = arith.constant 0 : i32
        %dma_wait3A_187 = tpu.memref_slice %arg9[%add3A_109, %dma_wait3A_186] : memref<40x128xi32, #tpu.memory_space<vmem>> -> memref<1x128xi32, #tpu.memory_space<vmem>>
        %dma_wait3A_188 = tpu.memref_squeeze %dma_wait3A_187 : memref<1x128xi32, #tpu.memory_space<vmem>> -> memref<128xi32, #tpu.memory_space<vmem>>
        %dma_wait3A_189 = arith.constant 0 : i32
        %dma_wait3A_190 = arith.constant 0 : i32
        %dma_wait3A_191 = tpu.memref_slice %arg12[%dma_wait3A_189, %dma_wait3A_190] : memref<10112x128xf32, #tpu.memory_space<vmem_shared>> -> memref<10112x128xf32, #tpu.memory_space<vmem_shared>>
        tpu.wait_indirect_dma semaphore(%arg15 : memref<!tpu.dma_semaphore, #tpu.memory_space<semaphore_mem>>) src(%arg10 : memref<128x128xf32, #tpu.memory_space<vmem>>) dst(%dma_wait3A_191 : memref<10112x128xf32, #tpu.memory_space<vmem_shared>>)
        %dma_wait3A_192 = arith.constant 0 : i32
        %dma_wait3A_193 = tpu.memref_slice %arg9[%add3A_119, %dma_wait3A_192] : memref<40x128xi32, #tpu.memory_space<vmem>> -> memref<1x128xi32, #tpu.memory_space<vmem>>
        %dma_wait3A_194 = tpu.memref_squeeze %dma_wait3A_193 : memref<1x128xi32, #tpu.memory_space<vmem>> -> memref<128xi32, #tpu.memory_space<vmem>>
        %dma_wait3A_195 = arith.constant 0 : i32
        %dma_wait3A_196 = arith.constant 0 : i32
        %dma_wait3A_197 = tpu.memref_slice %arg12[%dma_wait3A_195, %dma_wait3A_196] : memref<10112x128xf32, #tpu.memory_space<vmem_shared>> -> memref<10112x128xf32, #tpu.memory_space<vmem_shared>>
        tpu.wait_indirect_dma semaphore(%arg16 : memref<!tpu.dma_semaphore, #tpu.memory_space<semaphore_mem>>) src(%arg10 : memref<128x128xf32, #tpu.memory_space<vmem>>) dst(%dma_wait3A_197 : memref<10112x128xf32, #tpu.memory_space<vmem_shared>>)
        %dma_wait3A_198 = arith.constant 0 : i32
        %dma_wait3A_199 = tpu.memref_slice %arg9[%add3A_129, %dma_wait3A_198] : memref<40x128xi32, #tpu.memory_space<vmem>> -> memref<1x128xi32, #tpu.memory_space<vmem>>
        %dma_wait3A_200 = tpu.memref_squeeze %dma_wait3A_199 : memref<1x128xi32, #tpu.memory_space<vmem>> -> memref<128xi32, #tpu.memory_space<vmem>>
        %dma_wait3A_201 = arith.constant 0 : i32
        %dma_wait3A_202 = arith.constant 0 : i32
        %dma_wait3A_203 = tpu.memref_slice %arg12[%dma_wait3A_201, %dma_wait3A_202] : memref<10112x128xf32, #tpu.memory_space<vmem_shared>> -> memref<10112x128xf32, #tpu.memory_space<vmem_shared>>
        tpu.wait_indirect_dma semaphore(%arg15 : memref<!tpu.dma_semaphore, #tpu.memory_space<semaphore_mem>>) src(%arg10 : memref<128x128xf32, #tpu.memory_space<vmem>>) dst(%dma_wait3A_203 : memref<10112x128xf32, #tpu.memory_space<vmem_shared>>)
        %dma_wait3A_204 = arith.constant 0 : i32
        %dma_wait3A_205 = tpu.memref_slice %arg9[%add3A_139, %dma_wait3A_204] : memref<40x128xi32, #tpu.memory_space<vmem>> -> memref<1x128xi32, #tpu.memory_space<vmem>>
        %dma_wait3A_206 = tpu.memref_squeeze %dma_wait3A_205 : memref<1x128xi32, #tpu.memory_space<vmem>> -> memref<128xi32, #tpu.memory_space<vmem>>
        %dma_wait3A_207 = arith.constant 0 : i32
        %dma_wait3A_208 = arith.constant 0 : i32
        %dma_wait3A_209 = tpu.memref_slice %arg12[%dma_wait3A_207, %dma_wait3A_208] : memref<10112x128xf32, #tpu.memory_space<vmem_shared>> -> memref<10112x128xf32, #tpu.memory_space<vmem_shared>>
        tpu.wait_indirect_dma semaphore(%arg16 : memref<!tpu.dma_semaphore, #tpu.memory_space<semaphore_mem>>) src(%arg10 : memref<128x128xf32, #tpu.memory_space<vmem>>) dst(%dma_wait3A_209 : memref<10112x128xf32, #tpu.memory_space<vmem_shared>>)
        %dma_wait3A_210 = arith.constant 0 : i32
        %dma_wait3A_211 = tpu.memref_slice %arg9[%add3A_149, %dma_wait3A_210] : memref<40x128xi32, #tpu.memory_space<vmem>> -> memref<1x128xi32, #tpu.memory_space<vmem>>
        %dma_wait3A_212 = tpu.memref_squeeze %dma_wait3A_211 : memref<1x128xi32, #tpu.memory_space<vmem>> -> memref<128xi32, #tpu.memory_space<vmem>>
        %dma_wait3A_213 = arith.constant 0 : i32
        %dma_wait3A_214 = arith.constant 0 : i32
        %dma_wait3A_215 = tpu.memref_slice %arg12[%dma_wait3A_213, %dma_wait3A_214] : memref<10112x128xf32, #tpu.memory_space<vmem_shared>> -> memref<10112x128xf32, #tpu.memory_space<vmem_shared>>
        tpu.wait_indirect_dma semaphore(%arg15 : memref<!tpu.dma_semaphore, #tpu.memory_space<semaphore_mem>>) src(%arg10 : memref<128x128xf32, #tpu.memory_space<vmem>>) dst(%dma_wait3A_215 : memref<10112x128xf32, #tpu.memory_space<vmem_shared>>)
        %dma_wait3A_216 = arith.constant 0 : i32
        %dma_wait3A_217 = tpu.memref_slice %arg9[%add3A_159, %dma_wait3A_216] : memref<40x128xi32, #tpu.memory_space<vmem>> -> memref<1x128xi32, #tpu.memory_space<vmem>>
        %dma_wait3A_218 = tpu.memref_squeeze %dma_wait3A_217 : memref<1x128xi32, #tpu.memory_space<vmem>> -> memref<128xi32, #tpu.memory_space<vmem>>
        %dma_wait3A_219 = arith.constant 0 : i32
        %dma_wait3A_220 = arith.constant 0 : i32
        %dma_wait3A_221 = tpu.memref_slice %arg12[%dma_wait3A_219, %dma_wait3A_220] : memref<10112x128xf32, #tpu.memory_space<vmem_shared>> -> memref<10112x128xf32, #tpu.memory_space<vmem_shared>>
        tpu.wait_indirect_dma semaphore(%arg16 : memref<!tpu.dma_semaphore, #tpu.memory_space<semaphore_mem>>) src(%arg10 : memref<128x128xf32, #tpu.memory_space<vmem>>) dst(%dma_wait3A_221 : memref<10112x128xf32, #tpu.memory_space<vmem_shared>>)
        %dma_wait3A_222 = arith.constant 0 : i32
        %dma_wait3A_223 = tpu.memref_slice %arg9[%add3A_169, %dma_wait3A_222] : memref<40x128xi32, #tpu.memory_space<vmem>> -> memref<1x128xi32, #tpu.memory_space<vmem>>
        %dma_wait3A_224 = tpu.memref_squeeze %dma_wait3A_223 : memref<1x128xi32, #tpu.memory_space<vmem>> -> memref<128xi32, #tpu.memory_space<vmem>>
        %dma_wait3A_225 = arith.constant 0 : i32
        %dma_wait3A_226 = arith.constant 0 : i32
        %dma_wait3A_227 = tpu.memref_slice %arg12[%dma_wait3A_225, %dma_wait3A_226] : memref<10112x128xf32, #tpu.memory_space<vmem_shared>> -> memref<10112x128xf32, #tpu.memory_space<vmem_shared>>
        tpu.wait_indirect_dma semaphore(%arg15 : memref<!tpu.dma_semaphore, #tpu.memory_space<semaphore_mem>>) src(%arg10 : memref<128x128xf32, #tpu.memory_space<vmem>>) dst(%dma_wait3A_227 : memref<10112x128xf32, #tpu.memory_space<vmem_shared>>)
        %dma_wait3A_228 = arith.constant 0 : i32
        %dma_wait3A_229 = tpu.memref_slice %arg9[%add3A_179, %dma_wait3A_228] : memref<40x128xi32, #tpu.memory_space<vmem>> -> memref<1x128xi32, #tpu.memory_space<vmem>>
        %dma_wait3A_230 = tpu.memref_squeeze %dma_wait3A_229 : memref<1x128xi32, #tpu.memory_space<vmem>> -> memref<128xi32, #tpu.memory_space<vmem>>
        %dma_wait3A_231 = arith.constant 0 : i32
        %dma_wait3A_232 = arith.constant 0 : i32
        %dma_wait3A_233 = tpu.memref_slice %arg12[%dma_wait3A_231, %dma_wait3A_232] : memref<10112x128xf32, #tpu.memory_space<vmem_shared>> -> memref<10112x128xf32, #tpu.memory_space<vmem_shared>>
        tpu.wait_indirect_dma semaphore(%arg16 : memref<!tpu.dma_semaphore, #tpu.memory_space<semaphore_mem>>) src(%arg10 : memref<128x128xf32, #tpu.memory_space<vmem>>) dst(%dma_wait3A_233 : memref<10112x128xf32, #tpu.memory_space<vmem_shared>>)
      }
      %scan3A_68 = arith.constant 5 : i32
      %mul3A_69 = arith.constant 160 : i32
      %mul3A_70 = arith.muli %mul3A_69, %arg1 : i32
      %add3A_71 = arith.constant 40 : i32
      %add3A_72 = arith.addi %mul3A_70, %add3A_71 : i32
      "tpu.region"() ({
        %run_scoped3A = tpu.sem_alloc : memref<!tpu.dma_semaphore, #tpu.memory_space<semaphore_mem>>
        %dma_start3A_105 = arith.constant 0 : i32
        %dma_start3A_106 = tpu.memref_slice %arg3[%add3A_72, %dma_start3A_105] : memref<2560x128xi32, #tpu.memory_space<hbm>> -> memref<40x128xi32, #tpu.memory_space<hbm>>
        %dma_start3A_107 = arith.constant 0 : i32
        %dma_start3A_108 = tpu.memref_slice %arg3[%add3A_72, %dma_start3A_107] : memref<2560x128xi32, #tpu.memory_space<hbm>> -> memref<40x128xi32, #tpu.memory_space<hbm>>
        tpu.enqueue_dma source(%dma_start3A_108 : memref<40x128xi32, #tpu.memory_space<hbm>>) target(%arg9 : memref<40x128xi32, #tpu.memory_space<vmem>>) target_semaphore(%run_scoped3A : memref<!tpu.dma_semaphore, #tpu.memory_space<semaphore_mem>>)
        %dma_wait3A_109 = arith.constant 0 : i32
        %dma_wait3A_110 = tpu.memref_slice %arg3[%add3A_72, %dma_wait3A_109] : memref<2560x128xi32, #tpu.memory_space<hbm>> -> memref<40x128xi32, #tpu.memory_space<hbm>>
        %dma_wait3A_111 = arith.constant 0 : i32
        %dma_wait3A_112 = tpu.memref_slice %arg3[%add3A_72, %dma_wait3A_111] : memref<2560x128xi32, #tpu.memory_space<hbm>> -> memref<40x128xi32, #tpu.memory_space<hbm>>
        tpu.wait_dma2 semaphore(%run_scoped3A : memref<!tpu.dma_semaphore, #tpu.memory_space<semaphore_mem>>) src(%dma_wait3A_112 : memref<40x128xi32, #tpu.memory_space<hbm>>) dst(%arg9 : memref<40x128xi32, #tpu.memory_space<vmem>>)
        tpu.yield
      }) : () -> ()
      %scan3A_73 = arith.constant 0 : i32
      %scan3A_74 = arith.constant 0 : i32
      %scan3A_75 = arith.constant 5 : i32
      %scan3A_76 = arith.addi %scan3A_74, %scan3A_75 : i32
      %scan3A_77 = arith.constant 1 : i32
      scf.for %scan3A_105 = %scan3A_74 to %scan3A_76 step %scan3A_77  : i32 {
        %mul3A_106 = arith.constant 8 : i32
        %mul3A_107 = arith.muli %mul3A_106, %scan3A_105 : i32
        %add3A_108 = arith.constant 0 : i32
        %add3A_109 = arith.addi %mul3A_107, %add3A_108 : i32
        %dma_start3A_110 = arith.constant 0 : i32
        %dma_start3A_111 = tpu.memref_slice %arg9[%add3A_109, %dma_start3A_110] : memref<40x128xi32, #tpu.memory_space<vmem>> -> memref<1x128xi32, #tpu.memory_space<vmem>>
        %dma_start3A_112 = tpu.memref_squeeze %dma_start3A_111 : memref<1x128xi32, #tpu.memory_space<vmem>> -> memref<128xi32, #tpu.memory_space<vmem>>
        %dma_start3A_113 = arith.constant 0 : i32
        %dma_start3A_114 = arith.constant 0 : i32
        %dma_start3A_115 = tpu.memref_slice %arg12[%dma_start3A_113, %dma_start3A_114] : memref<10112x128xf32, #tpu.memory_space<vmem_shared>> -> memref<10112x128xf32, #tpu.memory_space<vmem_shared>>
        tpu.enqueue_indirect_dma source(%arg10 : memref<128x128xf32, #tpu.memory_space<vmem>>) target(%dma_start3A_115 : memref<10112x128xf32, #tpu.memory_space<vmem_shared>>) offsets(%dma_start3A_112 : memref<128xi32, #tpu.memory_space<vmem>>) semaphore(%arg15 : memref<!tpu.dma_semaphore, #tpu.memory_space<semaphore_mem>>) {add = true}
        %mul3A_116 = arith.constant 8 : i32
        %mul3A_117 = arith.muli %mul3A_116, %scan3A_105 : i32
        %add3A_118 = arith.constant 1 : i32
        %add3A_119 = arith.addi %mul3A_117, %add3A_118 : i32
        %dma_start3A_120 = arith.constant 0 : i32
        %dma_start3A_121 = tpu.memref_slice %arg9[%add3A_119, %dma_start3A_120] : memref<40x128xi32, #tpu.memory_space<vmem>> -> memref<1x128xi32, #tpu.memory_space<vmem>>
        %dma_start3A_122 = tpu.memref_squeeze %dma_start3A_121 : memref<1x128xi32, #tpu.memory_space<vmem>> -> memref<128xi32, #tpu.memory_space<vmem>>
        %dma_start3A_123 = arith.constant 0 : i32
        %dma_start3A_124 = arith.constant 0 : i32
        %dma_start3A_125 = tpu.memref_slice %arg12[%dma_start3A_123, %dma_start3A_124] : memref<10112x128xf32, #tpu.memory_space<vmem_shared>> -> memref<10112x128xf32, #tpu.memory_space<vmem_shared>>
        tpu.enqueue_indirect_dma source(%arg10 : memref<128x128xf32, #tpu.memory_space<vmem>>) target(%dma_start3A_125 : memref<10112x128xf32, #tpu.memory_space<vmem_shared>>) offsets(%dma_start3A_122 : memref<128xi32, #tpu.memory_space<vmem>>) semaphore(%arg16 : memref<!tpu.dma_semaphore, #tpu.memory_space<semaphore_mem>>) {add = true}
        %mul3A_126 = arith.constant 8 : i32
        %mul3A_127 = arith.muli %mul3A_126, %scan3A_105 : i32
        %add3A_128 = arith.constant 2 : i32
        %add3A_129 = arith.addi %mul3A_127, %add3A_128 : i32
        %dma_start3A_130 = arith.constant 0 : i32
        %dma_start3A_131 = tpu.memref_slice %arg9[%add3A_129, %dma_start3A_130] : memref<40x128xi32, #tpu.memory_space<vmem>> -> memref<1x128xi32, #tpu.memory_space<vmem>>
        %dma_start3A_132 = tpu.memref_squeeze %dma_start3A_131 : memref<1x128xi32, #tpu.memory_space<vmem>> -> memref<128xi32, #tpu.memory_space<vmem>>
        %dma_start3A_133 = arith.constant 0 : i32
        %dma_start3A_134 = arith.constant 0 : i32
        %dma_start3A_135 = tpu.memref_slice %arg12[%dma_start3A_133, %dma_start3A_134] : memref<10112x128xf32, #tpu.memory_space<vmem_shared>> -> memref<10112x128xf32, #tpu.memory_space<vmem_shared>>
        tpu.enqueue_indirect_dma source(%arg10 : memref<128x128xf32, #tpu.memory_space<vmem>>) target(%dma_start3A_135 : memref<10112x128xf32, #tpu.memory_space<vmem_shared>>) offsets(%dma_start3A_132 : memref<128xi32, #tpu.memory_space<vmem>>) semaphore(%arg15 : memref<!tpu.dma_semaphore, #tpu.memory_space<semaphore_mem>>) {add = true}
        %mul3A_136 = arith.constant 8 : i32
        %mul3A_137 = arith.muli %mul3A_136, %scan3A_105 : i32
        %add3A_138 = arith.constant 3 : i32
        %add3A_139 = arith.addi %mul3A_137, %add3A_138 : i32
        %dma_start3A_140 = arith.constant 0 : i32
        %dma_start3A_141 = tpu.memref_slice %arg9[%add3A_139, %dma_start3A_140] : memref<40x128xi32, #tpu.memory_space<vmem>> -> memref<1x128xi32, #tpu.memory_space<vmem>>
        %dma_start3A_142 = tpu.memref_squeeze %dma_start3A_141 : memref<1x128xi32, #tpu.memory_space<vmem>> -> memref<128xi32, #tpu.memory_space<vmem>>
        %dma_start3A_143 = arith.constant 0 : i32
        %dma_start3A_144 = arith.constant 0 : i32
        %dma_start3A_145 = tpu.memref_slice %arg12[%dma_start3A_143, %dma_start3A_144] : memref<10112x128xf32, #tpu.memory_space<vmem_shared>> -> memref<10112x128xf32, #tpu.memory_space<vmem_shared>>
        tpu.enqueue_indirect_dma source(%arg10 : memref<128x128xf32, #tpu.memory_space<vmem>>) target(%dma_start3A_145 : memref<10112x128xf32, #tpu.memory_space<vmem_shared>>) offsets(%dma_start3A_142 : memref<128xi32, #tpu.memory_space<vmem>>) semaphore(%arg16 : memref<!tpu.dma_semaphore, #tpu.memory_space<semaphore_mem>>) {add = true}
        %mul3A_146 = arith.constant 8 : i32
        %mul3A_147 = arith.muli %mul3A_146, %scan3A_105 : i32
        %add3A_148 = arith.constant 4 : i32
        %add3A_149 = arith.addi %mul3A_147, %add3A_148 : i32
        %dma_start3A_150 = arith.constant 0 : i32
        %dma_start3A_151 = tpu.memref_slice %arg9[%add3A_149, %dma_start3A_150] : memref<40x128xi32, #tpu.memory_space<vmem>> -> memref<1x128xi32, #tpu.memory_space<vmem>>
        %dma_start3A_152 = tpu.memref_squeeze %dma_start3A_151 : memref<1x128xi32, #tpu.memory_space<vmem>> -> memref<128xi32, #tpu.memory_space<vmem>>
        %dma_start3A_153 = arith.constant 0 : i32
        %dma_start3A_154 = arith.constant 0 : i32
        %dma_start3A_155 = tpu.memref_slice %arg12[%dma_start3A_153, %dma_start3A_154] : memref<10112x128xf32, #tpu.memory_space<vmem_shared>> -> memref<10112x128xf32, #tpu.memory_space<vmem_shared>>
        tpu.enqueue_indirect_dma source(%arg10 : memref<128x128xf32, #tpu.memory_space<vmem>>) target(%dma_start3A_155 : memref<10112x128xf32, #tpu.memory_space<vmem_shared>>) offsets(%dma_start3A_152 : memref<128xi32, #tpu.memory_space<vmem>>) semaphore(%arg15 : memref<!tpu.dma_semaphore, #tpu.memory_space<semaphore_mem>>) {add = true}
        %mul3A_156 = arith.constant 8 : i32
        %mul3A_157 = arith.muli %mul3A_156, %scan3A_105 : i32
        %add3A_158 = arith.constant 5 : i32
        %add3A_159 = arith.addi %mul3A_157, %add3A_158 : i32
        %dma_start3A_160 = arith.constant 0 : i32
        %dma_start3A_161 = tpu.memref_slice %arg9[%add3A_159, %dma_start3A_160] : memref<40x128xi32, #tpu.memory_space<vmem>> -> memref<1x128xi32, #tpu.memory_space<vmem>>
        %dma_start3A_162 = tpu.memref_squeeze %dma_start3A_161 : memref<1x128xi32, #tpu.memory_space<vmem>> -> memref<128xi32, #tpu.memory_space<vmem>>
        %dma_start3A_163 = arith.constant 0 : i32
        %dma_start3A_164 = arith.constant 0 : i32
        %dma_start3A_165 = tpu.memref_slice %arg12[%dma_start3A_163, %dma_start3A_164] : memref<10112x128xf32, #tpu.memory_space<vmem_shared>> -> memref<10112x128xf32, #tpu.memory_space<vmem_shared>>
        tpu.enqueue_indirect_dma source(%arg10 : memref<128x128xf32, #tpu.memory_space<vmem>>) target(%dma_start3A_165 : memref<10112x128xf32, #tpu.memory_space<vmem_shared>>) offsets(%dma_start3A_162 : memref<128xi32, #tpu.memory_space<vmem>>) semaphore(%arg16 : memref<!tpu.dma_semaphore, #tpu.memory_space<semaphore_mem>>) {add = true}
        %mul3A_166 = arith.constant 8 : i32
        %mul3A_167 = arith.muli %mul3A_166, %scan3A_105 : i32
        %add3A_168 = arith.constant 6 : i32
        %add3A_169 = arith.addi %mul3A_167, %add3A_168 : i32
        %dma_start3A_170 = arith.constant 0 : i32
        %dma_start3A_171 = tpu.memref_slice %arg9[%add3A_169, %dma_start3A_170] : memref<40x128xi32, #tpu.memory_space<vmem>> -> memref<1x128xi32, #tpu.memory_space<vmem>>
        %dma_start3A_172 = tpu.memref_squeeze %dma_start3A_171 : memref<1x128xi32, #tpu.memory_space<vmem>> -> memref<128xi32, #tpu.memory_space<vmem>>
        %dma_start3A_173 = arith.constant 0 : i32
        %dma_start3A_174 = arith.constant 0 : i32
        %dma_start3A_175 = tpu.memref_slice %arg12[%dma_start3A_173, %dma_start3A_174] : memref<10112x128xf32, #tpu.memory_space<vmem_shared>> -> memref<10112x128xf32, #tpu.memory_space<vmem_shared>>
        tpu.enqueue_indirect_dma source(%arg10 : memref<128x128xf32, #tpu.memory_space<vmem>>) target(%dma_start3A_175 : memref<10112x128xf32, #tpu.memory_space<vmem_shared>>) offsets(%dma_start3A_172 : memref<128xi32, #tpu.memory_space<vmem>>) semaphore(%arg15 : memref<!tpu.dma_semaphore, #tpu.memory_space<semaphore_mem>>) {add = true}
        %mul3A_176 = arith.constant 8 : i32
        %mul3A_177 = arith.muli %mul3A_176, %scan3A_105 : i32
        %add3A_178 = arith.constant 7 : i32
        %add3A_179 = arith.addi %mul3A_177, %add3A_178 : i32
        %dma_start3A_180 = arith.constant 0 : i32
        %dma_start3A_181 = tpu.memref_slice %arg9[%add3A_179, %dma_start3A_180] : memref<40x128xi32, #tpu.memory_space<vmem>> -> memref<1x128xi32, #tpu.memory_space<vmem>>
        %dma_start3A_182 = tpu.memref_squeeze %dma_start3A_181 : memref<1x128xi32, #tpu.memory_space<vmem>> -> memref<128xi32, #tpu.memory_space<vmem>>
        %dma_start3A_183 = arith.constant 0 : i32
        %dma_start3A_184 = arith.constant 0 : i32
        %dma_start3A_185 = tpu.memref_slice %arg12[%dma_start3A_183, %dma_start3A_184] : memref<10112x128xf32, #tpu.memory_space<vmem_shared>> -> memref<10112x128xf32, #tpu.memory_space<vmem_shared>>
        tpu.enqueue_indirect_dma source(%arg10 : memref<128x128xf32, #tpu.memory_space<vmem>>) target(%dma_start3A_185 : memref<10112x128xf32, #tpu.memory_space<vmem_shared>>) offsets(%dma_start3A_182 : memref<128xi32, #tpu.memory_space<vmem>>) semaphore(%arg16 : memref<!tpu.dma_semaphore, #tpu.memory_space<semaphore_mem>>) {add = true}
        %dma_wait3A_186 = arith.constant 0 : i32
        %dma_wait3A_187 = tpu.memref_slice %arg9[%add3A_109, %dma_wait3A_186] : memref<40x128xi32, #tpu.memory_space<vmem>> -> memref<1x128xi32, #tpu.memory_space<vmem>>
        %dma_wait3A_188 = tpu.memref_squeeze %dma_wait3A_187 : memref<1x128xi32, #tpu.memory_space<vmem>> -> memref<128xi32, #tpu.memory_space<vmem>>
        %dma_wait3A_189 = arith.constant 0 : i32
        %dma_wait3A_190 = arith.constant 0 : i32
        %dma_wait3A_191 = tpu.memref_slice %arg12[%dma_wait3A_189, %dma_wait3A_190] : memref<10112x128xf32, #tpu.memory_space<vmem_shared>> -> memref<10112x128xf32, #tpu.memory_space<vmem_shared>>
        tpu.wait_indirect_dma semaphore(%arg15 : memref<!tpu.dma_semaphore, #tpu.memory_space<semaphore_mem>>) src(%arg10 : memref<128x128xf32, #tpu.memory_space<vmem>>) dst(%dma_wait3A_191 : memref<10112x128xf32, #tpu.memory_space<vmem_shared>>)
        %dma_wait3A_192 = arith.constant 0 : i32
        %dma_wait3A_193 = tpu.memref_slice %arg9[%add3A_119, %dma_wait3A_192] : memref<40x128xi32, #tpu.memory_space<vmem>> -> memref<1x128xi32, #tpu.memory_space<vmem>>
        %dma_wait3A_194 = tpu.memref_squeeze %dma_wait3A_193 : memref<1x128xi32, #tpu.memory_space<vmem>> -> memref<128xi32, #tpu.memory_space<vmem>>
        %dma_wait3A_195 = arith.constant 0 : i32
        %dma_wait3A_196 = arith.constant 0 : i32
        %dma_wait3A_197 = tpu.memref_slice %arg12[%dma_wait3A_195, %dma_wait3A_196] : memref<10112x128xf32, #tpu.memory_space<vmem_shared>> -> memref<10112x128xf32, #tpu.memory_space<vmem_shared>>
        tpu.wait_indirect_dma semaphore(%arg16 : memref<!tpu.dma_semaphore, #tpu.memory_space<semaphore_mem>>) src(%arg10 : memref<128x128xf32, #tpu.memory_space<vmem>>) dst(%dma_wait3A_197 : memref<10112x128xf32, #tpu.memory_space<vmem_shared>>)
        %dma_wait3A_198 = arith.constant 0 : i32
        %dma_wait3A_199 = tpu.memref_slice %arg9[%add3A_129, %dma_wait3A_198] : memref<40x128xi32, #tpu.memory_space<vmem>> -> memref<1x128xi32, #tpu.memory_space<vmem>>
        %dma_wait3A_200 = tpu.memref_squeeze %dma_wait3A_199 : memref<1x128xi32, #tpu.memory_space<vmem>> -> memref<128xi32, #tpu.memory_space<vmem>>
        %dma_wait3A_201 = arith.constant 0 : i32
        %dma_wait3A_202 = arith.constant 0 : i32
        %dma_wait3A_203 = tpu.memref_slice %arg12[%dma_wait3A_201, %dma_wait3A_202] : memref<10112x128xf32, #tpu.memory_space<vmem_shared>> -> memref<10112x128xf32, #tpu.memory_space<vmem_shared>>
        tpu.wait_indirect_dma semaphore(%arg15 : memref<!tpu.dma_semaphore, #tpu.memory_space<semaphore_mem>>) src(%arg10 : memref<128x128xf32, #tpu.memory_space<vmem>>) dst(%dma_wait3A_203 : memref<10112x128xf32, #tpu.memory_space<vmem_shared>>)
        %dma_wait3A_204 = arith.constant 0 : i32
        %dma_wait3A_205 = tpu.memref_slice %arg9[%add3A_139, %dma_wait3A_204] : memref<40x128xi32, #tpu.memory_space<vmem>> -> memref<1x128xi32, #tpu.memory_space<vmem>>
        %dma_wait3A_206 = tpu.memref_squeeze %dma_wait3A_205 : memref<1x128xi32, #tpu.memory_space<vmem>> -> memref<128xi32, #tpu.memory_space<vmem>>
        %dma_wait3A_207 = arith.constant 0 : i32
        %dma_wait3A_208 = arith.constant 0 : i32
        %dma_wait3A_209 = tpu.memref_slice %arg12[%dma_wait3A_207, %dma_wait3A_208] : memref<10112x128xf32, #tpu.memory_space<vmem_shared>> -> memref<10112x128xf32, #tpu.memory_space<vmem_shared>>
        tpu.wait_indirect_dma semaphore(%arg16 : memref<!tpu.dma_semaphore, #tpu.memory_space<semaphore_mem>>) src(%arg10 : memref<128x128xf32, #tpu.memory_space<vmem>>) dst(%dma_wait3A_209 : memref<10112x128xf32, #tpu.memory_space<vmem_shared>>)
        %dma_wait3A_210 = arith.constant 0 : i32
        %dma_wait3A_211 = tpu.memref_slice %arg9[%add3A_149, %dma_wait3A_210] : memref<40x128xi32, #tpu.memory_space<vmem>> -> memref<1x128xi32, #tpu.memory_space<vmem>>
        %dma_wait3A_212 = tpu.memref_squeeze %dma_wait3A_211 : memref<1x128xi32, #tpu.memory_space<vmem>> -> memref<128xi32, #tpu.memory_space<vmem>>
        %dma_wait3A_213 = arith.constant 0 : i32
        %dma_wait3A_214 = arith.constant 0 : i32
        %dma_wait3A_215 = tpu.memref_slice %arg12[%dma_wait3A_213, %dma_wait3A_214] : memref<10112x128xf32, #tpu.memory_space<vmem_shared>> -> memref<10112x128xf32, #tpu.memory_space<vmem_shared>>
        tpu.wait_indirect_dma semaphore(%arg15 : memref<!tpu.dma_semaphore, #tpu.memory_space<semaphore_mem>>) src(%arg10 : memref<128x128xf32, #tpu.memory_space<vmem>>) dst(%dma_wait3A_215 : memref<10112x128xf32, #tpu.memory_space<vmem_shared>>)
        %dma_wait3A_216 = arith.constant 0 : i32
        %dma_wait3A_217 = tpu.memref_slice %arg9[%add3A_159, %dma_wait3A_216] : memref<40x128xi32, #tpu.memory_space<vmem>> -> memref<1x128xi32, #tpu.memory_space<vmem>>
        %dma_wait3A_218 = tpu.memref_squeeze %dma_wait3A_217 : memref<1x128xi32, #tpu.memory_space<vmem>> -> memref<128xi32, #tpu.memory_space<vmem>>
        %dma_wait3A_219 = arith.constant 0 : i32
        %dma_wait3A_220 = arith.constant 0 : i32
        %dma_wait3A_221 = tpu.memref_slice %arg12[%dma_wait3A_219, %dma_wait3A_220] : memref<10112x128xf32, #tpu.memory_space<vmem_shared>> -> memref<10112x128xf32, #tpu.memory_space<vmem_shared>>
        tpu.wait_indirect_dma semaphore(%arg16 : memref<!tpu.dma_semaphore, #tpu.memory_space<semaphore_mem>>) src(%arg10 : memref<128x128xf32, #tpu.memory_space<vmem>>) dst(%dma_wait3A_221 : memref<10112x128xf32, #tpu.memory_space<vmem_shared>>)
        %dma_wait3A_222 = arith.constant 0 : i32
        %dma_wait3A_223 = tpu.memref_slice %arg9[%add3A_169, %dma_wait3A_222] : memref<40x128xi32, #tpu.memory_space<vmem>> -> memref<1x128xi32, #tpu.memory_space<vmem>>
        %dma_wait3A_224 = tpu.memref_squeeze %dma_wait3A_223 : memref<1x128xi32, #tpu.memory_space<vmem>> -> memref<128xi32, #tpu.memory_space<vmem>>
        %dma_wait3A_225 = arith.constant 0 : i32
        %dma_wait3A_226 = arith.constant 0 : i32
        %dma_wait3A_227 = tpu.memref_slice %arg12[%dma_wait3A_225, %dma_wait3A_226] : memref<10112x128xf32, #tpu.memory_space<vmem_shared>> -> memref<10112x128xf32, #tpu.memory_space<vmem_shared>>
        tpu.wait_indirect_dma semaphore(%arg15 : memref<!tpu.dma_semaphore, #tpu.memory_space<semaphore_mem>>) src(%arg10 : memref<128x128xf32, #tpu.memory_space<vmem>>) dst(%dma_wait3A_227 : memref<10112x128xf32, #tpu.memory_space<vmem_shared>>)
        %dma_wait3A_228 = arith.constant 0 : i32
        %dma_wait3A_229 = tpu.memref_slice %arg9[%add3A_179, %dma_wait3A_228] : memref<40x128xi32, #tpu.memory_space<vmem>> -> memref<1x128xi32, #tpu.memory_space<vmem>>
        %dma_wait3A_230 = tpu.memref_squeeze %dma_wait3A_229 : memref<1x128xi32, #tpu.memory_space<vmem>> -> memref<128xi32, #tpu.memory_space<vmem>>
        %dma_wait3A_231 = arith.constant 0 : i32
        %dma_wait3A_232 = arith.constant 0 : i32
        %dma_wait3A_233 = tpu.memref_slice %arg12[%dma_wait3A_231, %dma_wait3A_232] : memref<10112x128xf32, #tpu.memory_space<vmem_shared>> -> memref<10112x128xf32, #tpu.memory_space<vmem_shared>>
        tpu.wait_indirect_dma semaphore(%arg16 : memref<!tpu.dma_semaphore, #tpu.memory_space<semaphore_mem>>) src(%arg10 : memref<128x128xf32, #tpu.memory_space<vmem>>) dst(%dma_wait3A_233 : memref<10112x128xf32, #tpu.memory_space<vmem_shared>>)
      }
      %scan3A_78 = arith.constant 5 : i32
      %mul3A_79 = arith.constant 160 : i32
      %mul3A_80 = arith.muli %mul3A_79, %arg1 : i32
      %add3A_81 = arith.constant 80 : i32
      %add3A_82 = arith.addi %mul3A_80, %add3A_81 : i32
      "tpu.region"() ({
        %run_scoped3A = tpu.sem_alloc : memref<!tpu.dma_semaphore, #tpu.memory_space<semaphore_mem>>
        %dma_start3A_105 = arith.constant 0 : i32
        %dma_start3A_106 = tpu.memref_slice %arg3[%add3A_82, %dma_start3A_105] : memref<2560x128xi32, #tpu.memory_space<hbm>> -> memref<40x128xi32, #tpu.memory_space<hbm>>
        %dma_start3A_107 = arith.constant 0 : i32
        %dma_start3A_108 = tpu.memref_slice %arg3[%add3A_82, %dma_start3A_107] : memref<2560x128xi32, #tpu.memory_space<hbm>> -> memref<40x128xi32, #tpu.memory_space<hbm>>
        tpu.enqueue_dma source(%dma_start3A_108 : memref<40x128xi32, #tpu.memory_space<hbm>>) target(%arg9 : memref<40x128xi32, #tpu.memory_space<vmem>>) target_semaphore(%run_scoped3A : memref<!tpu.dma_semaphore, #tpu.memory_space<semaphore_mem>>)
        %dma_wait3A_109 = arith.constant 0 : i32
        %dma_wait3A_110 = tpu.memref_slice %arg3[%add3A_82, %dma_wait3A_109] : memref<2560x128xi32, #tpu.memory_space<hbm>> -> memref<40x128xi32, #tpu.memory_space<hbm>>
        %dma_wait3A_111 = arith.constant 0 : i32
        %dma_wait3A_112 = tpu.memref_slice %arg3[%add3A_82, %dma_wait3A_111] : memref<2560x128xi32, #tpu.memory_space<hbm>> -> memref<40x128xi32, #tpu.memory_space<hbm>>
        tpu.wait_dma2 semaphore(%run_scoped3A : memref<!tpu.dma_semaphore, #tpu.memory_space<semaphore_mem>>) src(%dma_wait3A_112 : memref<40x128xi32, #tpu.memory_space<hbm>>) dst(%arg9 : memref<40x128xi32, #tpu.memory_space<vmem>>)
        tpu.yield
      }) : () -> ()
      %scan3A_83 = arith.constant 0 : i32
      %scan3A_84 = arith.constant 0 : i32
      %scan3A_85 = arith.constant 5 : i32
      %scan3A_86 = arith.addi %scan3A_84, %scan3A_85 : i32
      %scan3A_87 = arith.constant 1 : i32
      scf.for %scan3A_105 = %scan3A_84 to %scan3A_86 step %scan3A_87  : i32 {
        %mul3A_106 = arith.constant 8 : i32
        %mul3A_107 = arith.muli %mul3A_106, %scan3A_105 : i32
        %add3A_108 = arith.constant 0 : i32
        %add3A_109 = arith.addi %mul3A_107, %add3A_108 : i32
        %dma_start3A_110 = arith.constant 0 : i32
        %dma_start3A_111 = tpu.memref_slice %arg9[%add3A_109, %dma_start3A_110] : memref<40x128xi32, #tpu.memory_space<vmem>> -> memref<1x128xi32, #tpu.memory_space<vmem>>
        %dma_start3A_112 = tpu.memref_squeeze %dma_start3A_111 : memref<1x128xi32, #tpu.memory_space<vmem>> -> memref<128xi32, #tpu.memory_space<vmem>>
        %dma_start3A_113 = arith.constant 0 : i32
        %dma_start3A_114 = arith.constant 0 : i32
        %dma_start3A_115 = tpu.memref_slice %arg12[%dma_start3A_113, %dma_start3A_114] : memref<10112x128xf32, #tpu.memory_space<vmem_shared>> -> memref<10112x128xf32, #tpu.memory_space<vmem_shared>>
        tpu.enqueue_indirect_dma source(%arg10 : memref<128x128xf32, #tpu.memory_space<vmem>>) target(%dma_start3A_115 : memref<10112x128xf32, #tpu.memory_space<vmem_shared>>) offsets(%dma_start3A_112 : memref<128xi32, #tpu.memory_space<vmem>>) semaphore(%arg15 : memref<!tpu.dma_semaphore, #tpu.memory_space<semaphore_mem>>) {add = true}
        %mul3A_116 = arith.constant 8 : i32
        %mul3A_117 = arith.muli %mul3A_116, %scan3A_105 : i32
        %add3A_118 = arith.constant 1 : i32
        %add3A_119 = arith.addi %mul3A_117, %add3A_118 : i32
        %dma_start3A_120 = arith.constant 0 : i32
        %dma_start3A_121 = tpu.memref_slice %arg9[%add3A_119, %dma_start3A_120] : memref<40x128xi32, #tpu.memory_space<vmem>> -> memref<1x128xi32, #tpu.memory_space<vmem>>
        %dma_start3A_122 = tpu.memref_squeeze %dma_start3A_121 : memref<1x128xi32, #tpu.memory_space<vmem>> -> memref<128xi32, #tpu.memory_space<vmem>>
        %dma_start3A_123 = arith.constant 0 : i32
        %dma_start3A_124 = arith.constant 0 : i32
        %dma_start3A_125 = tpu.memref_slice %arg12[%dma_start3A_123, %dma_start3A_124] : memref<10112x128xf32, #tpu.memory_space<vmem_shared>> -> memref<10112x128xf32, #tpu.memory_space<vmem_shared>>
        tpu.enqueue_indirect_dma source(%arg10 : memref<128x128xf32, #tpu.memory_space<vmem>>) target(%dma_start3A_125 : memref<10112x128xf32, #tpu.memory_space<vmem_shared>>) offsets(%dma_start3A_122 : memref<128xi32, #tpu.memory_space<vmem>>) semaphore(%arg16 : memref<!tpu.dma_semaphore, #tpu.memory_space<semaphore_mem>>) {add = true}
        %mul3A_126 = arith.constant 8 : i32
        %mul3A_127 = arith.muli %mul3A_126, %scan3A_105 : i32
        %add3A_128 = arith.constant 2 : i32
        %add3A_129 = arith.addi %mul3A_127, %add3A_128 : i32
        %dma_start3A_130 = arith.constant 0 : i32
        %dma_start3A_131 = tpu.memref_slice %arg9[%add3A_129, %dma_start3A_130] : memref<40x128xi32, #tpu.memory_space<vmem>> -> memref<1x128xi32, #tpu.memory_space<vmem>>
        %dma_start3A_132 = tpu.memref_squeeze %dma_start3A_131 : memref<1x128xi32, #tpu.memory_space<vmem>> -> memref<128xi32, #tpu.memory_space<vmem>>
        %dma_start3A_133 = arith.constant 0 : i32
        %dma_start3A_134 = arith.constant 0 : i32
        %dma_start3A_135 = tpu.memref_slice %arg12[%dma_start3A_133, %dma_start3A_134] : memref<10112x128xf32, #tpu.memory_space<vmem_shared>> -> memref<10112x128xf32, #tpu.memory_space<vmem_shared>>
        tpu.enqueue_indirect_dma source(%arg10 : memref<128x128xf32, #tpu.memory_space<vmem>>) target(%dma_start3A_135 : memref<10112x128xf32, #tpu.memory_space<vmem_shared>>) offsets(%dma_start3A_132 : memref<128xi32, #tpu.memory_space<vmem>>) semaphore(%arg15 : memref<!tpu.dma_semaphore, #tpu.memory_space<semaphore_mem>>) {add = true}
        %mul3A_136 = arith.constant 8 : i32
        %mul3A_137 = arith.muli %mul3A_136, %scan3A_105 : i32
        %add3A_138 = arith.constant 3 : i32
        %add3A_139 = arith.addi %mul3A_137, %add3A_138 : i32
        %dma_start3A_140 = arith.constant 0 : i32
        %dma_start3A_141 = tpu.memref_slice %arg9[%add3A_139, %dma_start3A_140] : memref<40x128xi32, #tpu.memory_space<vmem>> -> memref<1x128xi32, #tpu.memory_space<vmem>>
        %dma_start3A_142 = tpu.memref_squeeze %dma_start3A_141 : memref<1x128xi32, #tpu.memory_space<vmem>> -> memref<128xi32, #tpu.memory_space<vmem>>
        %dma_start3A_143 = arith.constant 0 : i32
        %dma_start3A_144 = arith.constant 0 : i32
        %dma_start3A_145 = tpu.memref_slice %arg12[%dma_start3A_143, %dma_start3A_144] : memref<10112x128xf32, #tpu.memory_space<vmem_shared>> -> memref<10112x128xf32, #tpu.memory_space<vmem_shared>>
        tpu.enqueue_indirect_dma source(%arg10 : memref<128x128xf32, #tpu.memory_space<vmem>>) target(%dma_start3A_145 : memref<10112x128xf32, #tpu.memory_space<vmem_shared>>) offsets(%dma_start3A_142 : memref<128xi32, #tpu.memory_space<vmem>>) semaphore(%arg16 : memref<!tpu.dma_semaphore, #tpu.memory_space<semaphore_mem>>) {add = true}
        %mul3A_146 = arith.constant 8 : i32
        %mul3A_147 = arith.muli %mul3A_146, %scan3A_105 : i32
        %add3A_148 = arith.constant 4 : i32
        %add3A_149 = arith.addi %mul3A_147, %add3A_148 : i32
        %dma_start3A_150 = arith.constant 0 : i32
        %dma_start3A_151 = tpu.memref_slice %arg9[%add3A_149, %dma_start3A_150] : memref<40x128xi32, #tpu.memory_space<vmem>> -> memref<1x128xi32, #tpu.memory_space<vmem>>
        %dma_start3A_152 = tpu.memref_squeeze %dma_start3A_151 : memref<1x128xi32, #tpu.memory_space<vmem>> -> memref<128xi32, #tpu.memory_space<vmem>>
        %dma_start3A_153 = arith.constant 0 : i32
        %dma_start3A_154 = arith.constant 0 : i32
        %dma_start3A_155 = tpu.memref_slice %arg12[%dma_start3A_153, %dma_start3A_154] : memref<10112x128xf32, #tpu.memory_space<vmem_shared>> -> memref<10112x128xf32, #tpu.memory_space<vmem_shared>>
        tpu.enqueue_indirect_dma source(%arg10 : memref<128x128xf32, #tpu.memory_space<vmem>>) target(%dma_start3A_155 : memref<10112x128xf32, #tpu.memory_space<vmem_shared>>) offsets(%dma_start3A_152 : memref<128xi32, #tpu.memory_space<vmem>>) semaphore(%arg15 : memref<!tpu.dma_semaphore, #tpu.memory_space<semaphore_mem>>) {add = true}
        %mul3A_156 = arith.constant 8 : i32
        %mul3A_157 = arith.muli %mul3A_156, %scan3A_105 : i32
        %add3A_158 = arith.constant 5 : i32
        %add3A_159 = arith.addi %mul3A_157, %add3A_158 : i32
        %dma_start3A_160 = arith.constant 0 : i32
        %dma_start3A_161 = tpu.memref_slice %arg9[%add3A_159, %dma_start3A_160] : memref<40x128xi32, #tpu.memory_space<vmem>> -> memref<1x128xi32, #tpu.memory_space<vmem>>
        %dma_start3A_162 = tpu.memref_squeeze %dma_start3A_161 : memref<1x128xi32, #tpu.memory_space<vmem>> -> memref<128xi32, #tpu.memory_space<vmem>>
        %dma_start3A_163 = arith.constant 0 : i32
        %dma_start3A_164 = arith.constant 0 : i32
        %dma_start3A_165 = tpu.memref_slice %arg12[%dma_start3A_163, %dma_start3A_164] : memref<10112x128xf32, #tpu.memory_space<vmem_shared>> -> memref<10112x128xf32, #tpu.memory_space<vmem_shared>>
        tpu.enqueue_indirect_dma source(%arg10 : memref<128x128xf32, #tpu.memory_space<vmem>>) target(%dma_start3A_165 : memref<10112x128xf32, #tpu.memory_space<vmem_shared>>) offsets(%dma_start3A_162 : memref<128xi32, #tpu.memory_space<vmem>>) semaphore(%arg16 : memref<!tpu.dma_semaphore, #tpu.memory_space<semaphore_mem>>) {add = true}
        %mul3A_166 = arith.constant 8 : i32
        %mul3A_167 = arith.muli %mul3A_166, %scan3A_105 : i32
        %add3A_168 = arith.constant 6 : i32
        %add3A_169 = arith.addi %mul3A_167, %add3A_168 : i32
        %dma_start3A_170 = arith.constant 0 : i32
        %dma_start3A_171 = tpu.memref_slice %arg9[%add3A_169, %dma_start3A_170] : memref<40x128xi32, #tpu.memory_space<vmem>> -> memref<1x128xi32, #tpu.memory_space<vmem>>
        %dma_start3A_172 = tpu.memref_squeeze %dma_start3A_171 : memref<1x128xi32, #tpu.memory_space<vmem>> -> memref<128xi32, #tpu.memory_space<vmem>>
        %dma_start3A_173 = arith.constant 0 : i32
        %dma_start3A_174 = arith.constant 0 : i32
        %dma_start3A_175 = tpu.memref_slice %arg12[%dma_start3A_173, %dma_start3A_174] : memref<10112x128xf32, #tpu.memory_space<vmem_shared>> -> memref<10112x128xf32, #tpu.memory_space<vmem_shared>>
        tpu.enqueue_indirect_dma source(%arg10 : memref<128x128xf32, #tpu.memory_space<vmem>>) target(%dma_start3A_175 : memref<10112x128xf32, #tpu.memory_space<vmem_shared>>) offsets(%dma_start3A_172 : memref<128xi32, #tpu.memory_space<vmem>>) semaphore(%arg15 : memref<!tpu.dma_semaphore, #tpu.memory_space<semaphore_mem>>) {add = true}
        %mul3A_176 = arith.constant 8 : i32
        %mul3A_177 = arith.muli %mul3A_176, %scan3A_105 : i32
        %add3A_178 = arith.constant 7 : i32
        %add3A_179 = arith.addi %mul3A_177, %add3A_178 : i32
        %dma_start3A_180 = arith.constant 0 : i32
        %dma_start3A_181 = tpu.memref_slice %arg9[%add3A_179, %dma_start3A_180] : memref<40x128xi32, #tpu.memory_space<vmem>> -> memref<1x128xi32, #tpu.memory_space<vmem>>
        %dma_start3A_182 = tpu.memref_squeeze %dma_start3A_181 : memref<1x128xi32, #tpu.memory_space<vmem>> -> memref<128xi32, #tpu.memory_space<vmem>>
        %dma_start3A_183 = arith.constant 0 : i32
        %dma_start3A_184 = arith.constant 0 : i32
        %dma_start3A_185 = tpu.memref_slice %arg12[%dma_start3A_183, %dma_start3A_184] : memref<10112x128xf32, #tpu.memory_space<vmem_shared>> -> memref<10112x128xf32, #tpu.memory_space<vmem_shared>>
        tpu.enqueue_indirect_dma source(%arg10 : memref<128x128xf32, #tpu.memory_space<vmem>>) target(%dma_start3A_185 : memref<10112x128xf32, #tpu.memory_space<vmem_shared>>) offsets(%dma_start3A_182 : memref<128xi32, #tpu.memory_space<vmem>>) semaphore(%arg16 : memref<!tpu.dma_semaphore, #tpu.memory_space<semaphore_mem>>) {add = true}
        %dma_wait3A_186 = arith.constant 0 : i32
        %dma_wait3A_187 = tpu.memref_slice %arg9[%add3A_109, %dma_wait3A_186] : memref<40x128xi32, #tpu.memory_space<vmem>> -> memref<1x128xi32, #tpu.memory_space<vmem>>
        %dma_wait3A_188 = tpu.memref_squeeze %dma_wait3A_187 : memref<1x128xi32, #tpu.memory_space<vmem>> -> memref<128xi32, #tpu.memory_space<vmem>>
        %dma_wait3A_189 = arith.constant 0 : i32
        %dma_wait3A_190 = arith.constant 0 : i32
        %dma_wait3A_191 = tpu.memref_slice %arg12[%dma_wait3A_189, %dma_wait3A_190] : memref<10112x128xf32, #tpu.memory_space<vmem_shared>> -> memref<10112x128xf32, #tpu.memory_space<vmem_shared>>
        tpu.wait_indirect_dma semaphore(%arg15 : memref<!tpu.dma_semaphore, #tpu.memory_space<semaphore_mem>>) src(%arg10 : memref<128x128xf32, #tpu.memory_space<vmem>>) dst(%dma_wait3A_191 : memref<10112x128xf32, #tpu.memory_space<vmem_shared>>)
        %dma_wait3A_192 = arith.constant 0 : i32
        %dma_wait3A_193 = tpu.memref_slice %arg9[%add3A_119, %dma_wait3A_192] : memref<40x128xi32, #tpu.memory_space<vmem>> -> memref<1x128xi32, #tpu.memory_space<vmem>>
        %dma_wait3A_194 = tpu.memref_squeeze %dma_wait3A_193 : memref<1x128xi32, #tpu.memory_space<vmem>> -> memref<128xi32, #tpu.memory_space<vmem>>
        %dma_wait3A_195 = arith.constant 0 : i32
        %dma_wait3A_196 = arith.constant 0 : i32
        %dma_wait3A_197 = tpu.memref_slice %arg12[%dma_wait3A_195, %dma_wait3A_196] : memref<10112x128xf32, #tpu.memory_space<vmem_shared>> -> memref<10112x128xf32, #tpu.memory_space<vmem_shared>>
        tpu.wait_indirect_dma semaphore(%arg16 : memref<!tpu.dma_semaphore, #tpu.memory_space<semaphore_mem>>) src(%arg10 : memref<128x128xf32, #tpu.memory_space<vmem>>) dst(%dma_wait3A_197 : memref<10112x128xf32, #tpu.memory_space<vmem_shared>>)
        %dma_wait3A_198 = arith.constant 0 : i32
        %dma_wait3A_199 = tpu.memref_slice %arg9[%add3A_129, %dma_wait3A_198] : memref<40x128xi32, #tpu.memory_space<vmem>> -> memref<1x128xi32, #tpu.memory_space<vmem>>
        %dma_wait3A_200 = tpu.memref_squeeze %dma_wait3A_199 : memref<1x128xi32, #tpu.memory_space<vmem>> -> memref<128xi32, #tpu.memory_space<vmem>>
        %dma_wait3A_201 = arith.constant 0 : i32
        %dma_wait3A_202 = arith.constant 0 : i32
        %dma_wait3A_203 = tpu.memref_slice %arg12[%dma_wait3A_201, %dma_wait3A_202] : memref<10112x128xf32, #tpu.memory_space<vmem_shared>> -> memref<10112x128xf32, #tpu.memory_space<vmem_shared>>
        tpu.wait_indirect_dma semaphore(%arg15 : memref<!tpu.dma_semaphore, #tpu.memory_space<semaphore_mem>>) src(%arg10 : memref<128x128xf32, #tpu.memory_space<vmem>>) dst(%dma_wait3A_203 : memref<10112x128xf32, #tpu.memory_space<vmem_shared>>)
        %dma_wait3A_204 = arith.constant 0 : i32
        %dma_wait3A_205 = tpu.memref_slice %arg9[%add3A_139, %dma_wait3A_204] : memref<40x128xi32, #tpu.memory_space<vmem>> -> memref<1x128xi32, #tpu.memory_space<vmem>>
        %dma_wait3A_206 = tpu.memref_squeeze %dma_wait3A_205 : memref<1x128xi32, #tpu.memory_space<vmem>> -> memref<128xi32, #tpu.memory_space<vmem>>
        %dma_wait3A_207 = arith.constant 0 : i32
        %dma_wait3A_208 = arith.constant 0 : i32
        %dma_wait3A_209 = tpu.memref_slice %arg12[%dma_wait3A_207, %dma_wait3A_208] : memref<10112x128xf32, #tpu.memory_space<vmem_shared>> -> memref<10112x128xf32, #tpu.memory_space<vmem_shared>>
        tpu.wait_indirect_dma semaphore(%arg16 : memref<!tpu.dma_semaphore, #tpu.memory_space<semaphore_mem>>) src(%arg10 : memref<128x128xf32, #tpu.memory_space<vmem>>) dst(%dma_wait3A_209 : memref<10112x128xf32, #tpu.memory_space<vmem_shared>>)
        %dma_wait3A_210 = arith.constant 0 : i32
        %dma_wait3A_211 = tpu.memref_slice %arg9[%add3A_149, %dma_wait3A_210] : memref<40x128xi32, #tpu.memory_space<vmem>> -> memref<1x128xi32, #tpu.memory_space<vmem>>
        %dma_wait3A_212 = tpu.memref_squeeze %dma_wait3A_211 : memref<1x128xi32, #tpu.memory_space<vmem>> -> memref<128xi32, #tpu.memory_space<vmem>>
        %dma_wait3A_213 = arith.constant 0 : i32
        %dma_wait3A_214 = arith.constant 0 : i32
        %dma_wait3A_215 = tpu.memref_slice %arg12[%dma_wait3A_213, %dma_wait3A_214] : memref<10112x128xf32, #tpu.memory_space<vmem_shared>> -> memref<10112x128xf32, #tpu.memory_space<vmem_shared>>
        tpu.wait_indirect_dma semaphore(%arg15 : memref<!tpu.dma_semaphore, #tpu.memory_space<semaphore_mem>>) src(%arg10 : memref<128x128xf32, #tpu.memory_space<vmem>>) dst(%dma_wait3A_215 : memref<10112x128xf32, #tpu.memory_space<vmem_shared>>)
        %dma_wait3A_216 = arith.constant 0 : i32
        %dma_wait3A_217 = tpu.memref_slice %arg9[%add3A_159, %dma_wait3A_216] : memref<40x128xi32, #tpu.memory_space<vmem>> -> memref<1x128xi32, #tpu.memory_space<vmem>>
        %dma_wait3A_218 = tpu.memref_squeeze %dma_wait3A_217 : memref<1x128xi32, #tpu.memory_space<vmem>> -> memref<128xi32, #tpu.memory_space<vmem>>
        %dma_wait3A_219 = arith.constant 0 : i32
        %dma_wait3A_220 = arith.constant 0 : i32
        %dma_wait3A_221 = tpu.memref_slice %arg12[%dma_wait3A_219, %dma_wait3A_220] : memref<10112x128xf32, #tpu.memory_space<vmem_shared>> -> memref<10112x128xf32, #tpu.memory_space<vmem_shared>>
        tpu.wait_indirect_dma semaphore(%arg16 : memref<!tpu.dma_semaphore, #tpu.memory_space<semaphore_mem>>) src(%arg10 : memref<128x128xf32, #tpu.memory_space<vmem>>) dst(%dma_wait3A_221 : memref<10112x128xf32, #tpu.memory_space<vmem_shared>>)
        %dma_wait3A_222 = arith.constant 0 : i32
        %dma_wait3A_223 = tpu.memref_slice %arg9[%add3A_169, %dma_wait3A_222] : memref<40x128xi32, #tpu.memory_space<vmem>> -> memref<1x128xi32, #tpu.memory_space<vmem>>
        %dma_wait3A_224 = tpu.memref_squeeze %dma_wait3A_223 : memref<1x128xi32, #tpu.memory_space<vmem>> -> memref<128xi32, #tpu.memory_space<vmem>>
        %dma_wait3A_225 = arith.constant 0 : i32
        %dma_wait3A_226 = arith.constant 0 : i32
        %dma_wait3A_227 = tpu.memref_slice %arg12[%dma_wait3A_225, %dma_wait3A_226] : memref<10112x128xf32, #tpu.memory_space<vmem_shared>> -> memref<10112x128xf32, #tpu.memory_space<vmem_shared>>
        tpu.wait_indirect_dma semaphore(%arg15 : memref<!tpu.dma_semaphore, #tpu.memory_space<semaphore_mem>>) src(%arg10 : memref<128x128xf32, #tpu.memory_space<vmem>>) dst(%dma_wait3A_227 : memref<10112x128xf32, #tpu.memory_space<vmem_shared>>)
        %dma_wait3A_228 = arith.constant 0 : i32
        %dma_wait3A_229 = tpu.memref_slice %arg9[%add3A_179, %dma_wait3A_228] : memref<40x128xi32, #tpu.memory_space<vmem>> -> memref<1x128xi32, #tpu.memory_space<vmem>>
        %dma_wait3A_230 = tpu.memref_squeeze %dma_wait3A_229 : memref<1x128xi32, #tpu.memory_space<vmem>> -> memref<128xi32, #tpu.memory_space<vmem>>
        %dma_wait3A_231 = arith.constant 0 : i32
        %dma_wait3A_232 = arith.constant 0 : i32
        %dma_wait3A_233 = tpu.memref_slice %arg12[%dma_wait3A_231, %dma_wait3A_232] : memref<10112x128xf32, #tpu.memory_space<vmem_shared>> -> memref<10112x128xf32, #tpu.memory_space<vmem_shared>>
        tpu.wait_indirect_dma semaphore(%arg16 : memref<!tpu.dma_semaphore, #tpu.memory_space<semaphore_mem>>) src(%arg10 : memref<128x128xf32, #tpu.memory_space<vmem>>) dst(%dma_wait3A_233 : memref<10112x128xf32, #tpu.memory_space<vmem_shared>>)
      }
      %scan3A_88 = arith.constant 5 : i32
      %mul3A_89 = arith.constant 160 : i32
      %mul3A_90 = arith.muli %mul3A_89, %arg1 : i32
      %add3A_91 = arith.constant 120 : i32
      %add3A_92 = arith.addi %mul3A_90, %add3A_91 : i32
      "tpu.region"() ({
        %run_scoped3A = tpu.sem_alloc : memref<!tpu.dma_semaphore, #tpu.memory_space<semaphore_mem>>
        %dma_start3A_105 = arith.constant 0 : i32
        %dma_start3A_106 = tpu.memref_slice %arg3[%add3A_92, %dma_start3A_105] : memref<2560x128xi32, #tpu.memory_space<hbm>> -> memref<40x128xi32, #tpu.memory_space<hbm>>
        %dma_start3A_107 = arith.constant 0 : i32
        %dma_start3A_108 = tpu.memref_slice %arg3[%add3A_92, %dma_start3A_107] : memref<2560x128xi32, #tpu.memory_space<hbm>> -> memref<40x128xi32, #tpu.memory_space<hbm>>
        tpu.enqueue_dma source(%dma_start3A_108 : memref<40x128xi32, #tpu.memory_space<hbm>>) target(%arg9 : memref<40x128xi32, #tpu.memory_space<vmem>>) target_semaphore(%run_scoped3A : memref<!tpu.dma_semaphore, #tpu.memory_space<semaphore_mem>>)
        %dma_wait3A_109 = arith.constant 0 : i32
        %dma_wait3A_110 = tpu.memref_slice %arg3[%add3A_92, %dma_wait3A_109] : memref<2560x128xi32, #tpu.memory_space<hbm>> -> memref<40x128xi32, #tpu.memory_space<hbm>>
        %dma_wait3A_111 = arith.constant 0 : i32
        %dma_wait3A_112 = tpu.memref_slice %arg3[%add3A_92, %dma_wait3A_111] : memref<2560x128xi32, #tpu.memory_space<hbm>> -> memref<40x128xi32, #tpu.memory_space<hbm>>
        tpu.wait_dma2 semaphore(%run_scoped3A : memref<!tpu.dma_semaphore, #tpu.memory_space<semaphore_mem>>) src(%dma_wait3A_112 : memref<40x128xi32, #tpu.memory_space<hbm>>) dst(%arg9 : memref<40x128xi32, #tpu.memory_space<vmem>>)
        tpu.yield
      }) : () -> ()
      %scan3A_93 = arith.constant 0 : i32
      %scan3A_94 = arith.constant 0 : i32
      %scan3A_95 = arith.constant 5 : i32
      %scan3A_96 = arith.addi %scan3A_94, %scan3A_95 : i32
      %scan3A_97 = arith.constant 1 : i32
      scf.for %scan3A_105 = %scan3A_94 to %scan3A_96 step %scan3A_97  : i32 {
        %mul3A_106 = arith.constant 8 : i32
        %mul3A_107 = arith.muli %mul3A_106, %scan3A_105 : i32
        %add3A_108 = arith.constant 0 : i32
        %add3A_109 = arith.addi %mul3A_107, %add3A_108 : i32
        %dma_start3A_110 = arith.constant 0 : i32
        %dma_start3A_111 = tpu.memref_slice %arg9[%add3A_109, %dma_start3A_110] : memref<40x128xi32, #tpu.memory_space<vmem>> -> memref<1x128xi32, #tpu.memory_space<vmem>>
        %dma_start3A_112 = tpu.memref_squeeze %dma_start3A_111 : memref<1x128xi32, #tpu.memory_space<vmem>> -> memref<128xi32, #tpu.memory_space<vmem>>
        %dma_start3A_113 = arith.constant 0 : i32
        %dma_start3A_114 = arith.constant 0 : i32
        %dma_start3A_115 = tpu.memref_slice %arg12[%dma_start3A_113, %dma_start3A_114] : memref<10112x128xf32, #tpu.memory_space<vmem_shared>> -> memref<10112x128xf32, #tpu.memory_space<vmem_shared>>
        tpu.enqueue_indirect_dma source(%arg10 : memref<128x128xf32, #tpu.memory_space<vmem>>) target(%dma_start3A_115 : memref<10112x128xf32, #tpu.memory_space<vmem_shared>>) offsets(%dma_start3A_112 : memref<128xi32, #tpu.memory_space<vmem>>) semaphore(%arg15 : memref<!tpu.dma_semaphore, #tpu.memory_space<semaphore_mem>>) {add = true}
        %mul3A_116 = arith.constant 8 : i32
        %mul3A_117 = arith.muli %mul3A_116, %scan3A_105 : i32
        %add3A_118 = arith.constant 1 : i32
        %add3A_119 = arith.addi %mul3A_117, %add3A_118 : i32
        %dma_start3A_120 = arith.constant 0 : i32
        %dma_start3A_121 = tpu.memref_slice %arg9[%add3A_119, %dma_start3A_120] : memref<40x128xi32, #tpu.memory_space<vmem>> -> memref<1x128xi32, #tpu.memory_space<vmem>>
        %dma_start3A_122 = tpu.memref_squeeze %dma_start3A_121 : memref<1x128xi32, #tpu.memory_space<vmem>> -> memref<128xi32, #tpu.memory_space<vmem>>
        %dma_start3A_123 = arith.constant 0 : i32
        %dma_start3A_124 = arith.constant 0 : i32
        %dma_start3A_125 = tpu.memref_slice %arg12[%dma_start3A_123, %dma_start3A_124] : memref<10112x128xf32, #tpu.memory_space<vmem_shared>> -> memref<10112x128xf32, #tpu.memory_space<vmem_shared>>
        tpu.enqueue_indirect_dma source(%arg10 : memref<128x128xf32, #tpu.memory_space<vmem>>) target(%dma_start3A_125 : memref<10112x128xf32, #tpu.memory_space<vmem_shared>>) offsets(%dma_start3A_122 : memref<128xi32, #tpu.memory_space<vmem>>) semaphore(%arg16 : memref<!tpu.dma_semaphore, #tpu.memory_space<semaphore_mem>>) {add = true}
        %mul3A_126 = arith.constant 8 : i32
        %mul3A_127 = arith.muli %mul3A_126, %scan3A_105 : i32
        %add3A_128 = arith.constant 2 : i32
        %add3A_129 = arith.addi %mul3A_127, %add3A_128 : i32
        %dma_start3A_130 = arith.constant 0 : i32
        %dma_start3A_131 = tpu.memref_slice %arg9[%add3A_129, %dma_start3A_130] : memref<40x128xi32, #tpu.memory_space<vmem>> -> memref<1x128xi32, #tpu.memory_space<vmem>>
        %dma_start3A_132 = tpu.memref_squeeze %dma_start3A_131 : memref<1x128xi32, #tpu.memory_space<vmem>> -> memref<128xi32, #tpu.memory_space<vmem>>
        %dma_start3A_133 = arith.constant 0 : i32
        %dma_start3A_134 = arith.constant 0 : i32
        %dma_start3A_135 = tpu.memref_slice %arg12[%dma_start3A_133, %dma_start3A_134] : memref<10112x128xf32, #tpu.memory_space<vmem_shared>> -> memref<10112x128xf32, #tpu.memory_space<vmem_shared>>
        tpu.enqueue_indirect_dma source(%arg10 : memref<128x128xf32, #tpu.memory_space<vmem>>) target(%dma_start3A_135 : memref<10112x128xf32, #tpu.memory_space<vmem_shared>>) offsets(%dma_start3A_132 : memref<128xi32, #tpu.memory_space<vmem>>) semaphore(%arg15 : memref<!tpu.dma_semaphore, #tpu.memory_space<semaphore_mem>>) {add = true}
        %mul3A_136 = arith.constant 8 : i32
        %mul3A_137 = arith.muli %mul3A_136, %scan3A_105 : i32
        %add3A_138 = arith.constant 3 : i32
        %add3A_139 = arith.addi %mul3A_137, %add3A_138 : i32
        %dma_start3A_140 = arith.constant 0 : i32
        %dma_start3A_141 = tpu.memref_slice %arg9[%add3A_139, %dma_start3A_140] : memref<40x128xi32, #tpu.memory_space<vmem>> -> memref<1x128xi32, #tpu.memory_space<vmem>>
        %dma_start3A_142 = tpu.memref_squeeze %dma_start3A_141 : memref<1x128xi32, #tpu.memory_space<vmem>> -> memref<128xi32, #tpu.memory_space<vmem>>
        %dma_start3A_143 = arith.constant 0 : i32
        %dma_start3A_144 = arith.constant 0 : i32
        %dma_start3A_145 = tpu.memref_slice %arg12[%dma_start3A_143, %dma_start3A_144] : memref<10112x128xf32, #tpu.memory_space<vmem_shared>> -> memref<10112x128xf32, #tpu.memory_space<vmem_shared>>
        tpu.enqueue_indirect_dma source(%arg10 : memref<128x128xf32, #tpu.memory_space<vmem>>) target(%dma_start3A_145 : memref<10112x128xf32, #tpu.memory_space<vmem_shared>>) offsets(%dma_start3A_142 : memref<128xi32, #tpu.memory_space<vmem>>) semaphore(%arg16 : memref<!tpu.dma_semaphore, #tpu.memory_space<semaphore_mem>>) {add = true}
        %mul3A_146 = arith.constant 8 : i32
        %mul3A_147 = arith.muli %mul3A_146, %scan3A_105 : i32
        %add3A_148 = arith.constant 4 : i32
        %add3A_149 = arith.addi %mul3A_147, %add3A_148 : i32
        %dma_start3A_150 = arith.constant 0 : i32
        %dma_start3A_151 = tpu.memref_slice %arg9[%add3A_149, %dma_start3A_150] : memref<40x128xi32, #tpu.memory_space<vmem>> -> memref<1x128xi32, #tpu.memory_space<vmem>>
        %dma_start3A_152 = tpu.memref_squeeze %dma_start3A_151 : memref<1x128xi32, #tpu.memory_space<vmem>> -> memref<128xi32, #tpu.memory_space<vmem>>
        %dma_start3A_153 = arith.constant 0 : i32
        %dma_start3A_154 = arith.constant 0 : i32
        %dma_start3A_155 = tpu.memref_slice %arg12[%dma_start3A_153, %dma_start3A_154] : memref<10112x128xf32, #tpu.memory_space<vmem_shared>> -> memref<10112x128xf32, #tpu.memory_space<vmem_shared>>
        tpu.enqueue_indirect_dma source(%arg10 : memref<128x128xf32, #tpu.memory_space<vmem>>) target(%dma_start3A_155 : memref<10112x128xf32, #tpu.memory_space<vmem_shared>>) offsets(%dma_start3A_152 : memref<128xi32, #tpu.memory_space<vmem>>) semaphore(%arg15 : memref<!tpu.dma_semaphore, #tpu.memory_space<semaphore_mem>>) {add = true}
        %mul3A_156 = arith.constant 8 : i32
        %mul3A_157 = arith.muli %mul3A_156, %scan3A_105 : i32
        %add3A_158 = arith.constant 5 : i32
        %add3A_159 = arith.addi %mul3A_157, %add3A_158 : i32
        %dma_start3A_160 = arith.constant 0 : i32
        %dma_start3A_161 = tpu.memref_slice %arg9[%add3A_159, %dma_start3A_160] : memref<40x128xi32, #tpu.memory_space<vmem>> -> memref<1x128xi32, #tpu.memory_space<vmem>>
        %dma_start3A_162 = tpu.memref_squeeze %dma_start3A_161 : memref<1x128xi32, #tpu.memory_space<vmem>> -> memref<128xi32, #tpu.memory_space<vmem>>
        %dma_start3A_163 = arith.constant 0 : i32
        %dma_start3A_164 = arith.constant 0 : i32
        %dma_start3A_165 = tpu.memref_slice %arg12[%dma_start3A_163, %dma_start3A_164] : memref<10112x128xf32, #tpu.memory_space<vmem_shared>> -> memref<10112x128xf32, #tpu.memory_space<vmem_shared>>
        tpu.enqueue_indirect_dma source(%arg10 : memref<128x128xf32, #tpu.memory_space<vmem>>) target(%dma_start3A_165 : memref<10112x128xf32, #tpu.memory_space<vmem_shared>>) offsets(%dma_start3A_162 : memref<128xi32, #tpu.memory_space<vmem>>) semaphore(%arg16 : memref<!tpu.dma_semaphore, #tpu.memory_space<semaphore_mem>>) {add = true}
        %mul3A_166 = arith.constant 8 : i32
        %mul3A_167 = arith.muli %mul3A_166, %scan3A_105 : i32
        %add3A_168 = arith.constant 6 : i32
        %add3A_169 = arith.addi %mul3A_167, %add3A_168 : i32
        %dma_start3A_170 = arith.constant 0 : i32
        %dma_start3A_171 = tpu.memref_slice %arg9[%add3A_169, %dma_start3A_170] : memref<40x128xi32, #tpu.memory_space<vmem>> -> memref<1x128xi32, #tpu.memory_space<vmem>>
        %dma_start3A_172 = tpu.memref_squeeze %dma_start3A_171 : memref<1x128xi32, #tpu.memory_space<vmem>> -> memref<128xi32, #tpu.memory_space<vmem>>
        %dma_start3A_173 = arith.constant 0 : i32
        %dma_start3A_174 = arith.constant 0 : i32
        %dma_start3A_175 = tpu.memref_slice %arg12[%dma_start3A_173, %dma_start3A_174] : memref<10112x128xf32, #tpu.memory_space<vmem_shared>> -> memref<10112x128xf32, #tpu.memory_space<vmem_shared>>
        tpu.enqueue_indirect_dma source(%arg10 : memref<128x128xf32, #tpu.memory_space<vmem>>) target(%dma_start3A_175 : memref<10112x128xf32, #tpu.memory_space<vmem_shared>>) offsets(%dma_start3A_172 : memref<128xi32, #tpu.memory_space<vmem>>) semaphore(%arg15 : memref<!tpu.dma_semaphore, #tpu.memory_space<semaphore_mem>>) {add = true}
        %mul3A_176 = arith.constant 8 : i32
        %mul3A_177 = arith.muli %mul3A_176, %scan3A_105 : i32
        %add3A_178 = arith.constant 7 : i32
        %add3A_179 = arith.addi %mul3A_177, %add3A_178 : i32
        %dma_start3A_180 = arith.constant 0 : i32
        %dma_start3A_181 = tpu.memref_slice %arg9[%add3A_179, %dma_start3A_180] : memref<40x128xi32, #tpu.memory_space<vmem>> -> memref<1x128xi32, #tpu.memory_space<vmem>>
        %dma_start3A_182 = tpu.memref_squeeze %dma_start3A_181 : memref<1x128xi32, #tpu.memory_space<vmem>> -> memref<128xi32, #tpu.memory_space<vmem>>
        %dma_start3A_183 = arith.constant 0 : i32
        %dma_start3A_184 = arith.constant 0 : i32
        %dma_start3A_185 = tpu.memref_slice %arg12[%dma_start3A_183, %dma_start3A_184] : memref<10112x128xf32, #tpu.memory_space<vmem_shared>> -> memref<10112x128xf32, #tpu.memory_space<vmem_shared>>
        tpu.enqueue_indirect_dma source(%arg10 : memref<128x128xf32, #tpu.memory_space<vmem>>) target(%dma_start3A_185 : memref<10112x128xf32, #tpu.memory_space<vmem_shared>>) offsets(%dma_start3A_182 : memref<128xi32, #tpu.memory_space<vmem>>) semaphore(%arg16 : memref<!tpu.dma_semaphore, #tpu.memory_space<semaphore_mem>>) {add = true}
        %dma_wait3A_186 = arith.constant 0 : i32
        %dma_wait3A_187 = tpu.memref_slice %arg9[%add3A_109, %dma_wait3A_186] : memref<40x128xi32, #tpu.memory_space<vmem>> -> memref<1x128xi32, #tpu.memory_space<vmem>>
        %dma_wait3A_188 = tpu.memref_squeeze %dma_wait3A_187 : memref<1x128xi32, #tpu.memory_space<vmem>> -> memref<128xi32, #tpu.memory_space<vmem>>
        %dma_wait3A_189 = arith.constant 0 : i32
        %dma_wait3A_190 = arith.constant 0 : i32
        %dma_wait3A_191 = tpu.memref_slice %arg12[%dma_wait3A_189, %dma_wait3A_190] : memref<10112x128xf32, #tpu.memory_space<vmem_shared>> -> memref<10112x128xf32, #tpu.memory_space<vmem_shared>>
        tpu.wait_indirect_dma semaphore(%arg15 : memref<!tpu.dma_semaphore, #tpu.memory_space<semaphore_mem>>) src(%arg10 : memref<128x128xf32, #tpu.memory_space<vmem>>) dst(%dma_wait3A_191 : memref<10112x128xf32, #tpu.memory_space<vmem_shared>>)
        %dma_wait3A_192 = arith.constant 0 : i32
        %dma_wait3A_193 = tpu.memref_slice %arg9[%add3A_119, %dma_wait3A_192] : memref<40x128xi32, #tpu.memory_space<vmem>> -> memref<1x128xi32, #tpu.memory_space<vmem>>
        %dma_wait3A_194 = tpu.memref_squeeze %dma_wait3A_193 : memref<1x128xi32, #tpu.memory_space<vmem>> -> memref<128xi32, #tpu.memory_space<vmem>>
        %dma_wait3A_195 = arith.constant 0 : i32
        %dma_wait3A_196 = arith.constant 0 : i32
        %dma_wait3A_197 = tpu.memref_slice %arg12[%dma_wait3A_195, %dma_wait3A_196] : memref<10112x128xf32, #tpu.memory_space<vmem_shared>> -> memref<10112x128xf32, #tpu.memory_space<vmem_shared>>
        tpu.wait_indirect_dma semaphore(%arg16 : memref<!tpu.dma_semaphore, #tpu.memory_space<semaphore_mem>>) src(%arg10 : memref<128x128xf32, #tpu.memory_space<vmem>>) dst(%dma_wait3A_197 : memref<10112x128xf32, #tpu.memory_space<vmem_shared>>)
        %dma_wait3A_198 = arith.constant 0 : i32
        %dma_wait3A_199 = tpu.memref_slice %arg9[%add3A_129, %dma_wait3A_198] : memref<40x128xi32, #tpu.memory_space<vmem>> -> memref<1x128xi32, #tpu.memory_space<vmem>>
        %dma_wait3A_200 = tpu.memref_squeeze %dma_wait3A_199 : memref<1x128xi32, #tpu.memory_space<vmem>> -> memref<128xi32, #tpu.memory_space<vmem>>
        %dma_wait3A_201 = arith.constant 0 : i32
        %dma_wait3A_202 = arith.constant 0 : i32
        %dma_wait3A_203 = tpu.memref_slice %arg12[%dma_wait3A_201, %dma_wait3A_202] : memref<10112x128xf32, #tpu.memory_space<vmem_shared>> -> memref<10112x128xf32, #tpu.memory_space<vmem_shared>>
        tpu.wait_indirect_dma semaphore(%arg15 : memref<!tpu.dma_semaphore, #tpu.memory_space<semaphore_mem>>) src(%arg10 : memref<128x128xf32, #tpu.memory_space<vmem>>) dst(%dma_wait3A_203 : memref<10112x128xf32, #tpu.memory_space<vmem_shared>>)
        %dma_wait3A_204 = arith.constant 0 : i32
        %dma_wait3A_205 = tpu.memref_slice %arg9[%add3A_139, %dma_wait3A_204] : memref<40x128xi32, #tpu.memory_space<vmem>> -> memref<1x128xi32, #tpu.memory_space<vmem>>
        %dma_wait3A_206 = tpu.memref_squeeze %dma_wait3A_205 : memref<1x128xi32, #tpu.memory_space<vmem>> -> memref<128xi32, #tpu.memory_space<vmem>>
        %dma_wait3A_207 = arith.constant 0 : i32
        %dma_wait3A_208 = arith.constant 0 : i32
        %dma_wait3A_209 = tpu.memref_slice %arg12[%dma_wait3A_207, %dma_wait3A_208] : memref<10112x128xf32, #tpu.memory_space<vmem_shared>> -> memref<10112x128xf32, #tpu.memory_space<vmem_shared>>
        tpu.wait_indirect_dma semaphore(%arg16 : memref<!tpu.dma_semaphore, #tpu.memory_space<semaphore_mem>>) src(%arg10 : memref<128x128xf32, #tpu.memory_space<vmem>>) dst(%dma_wait3A_209 : memref<10112x128xf32, #tpu.memory_space<vmem_shared>>)
        %dma_wait3A_210 = arith.constant 0 : i32
        %dma_wait3A_211 = tpu.memref_slice %arg9[%add3A_149, %dma_wait3A_210] : memref<40x128xi32, #tpu.memory_space<vmem>> -> memref<1x128xi32, #tpu.memory_space<vmem>>
        %dma_wait3A_212 = tpu.memref_squeeze %dma_wait3A_211 : memref<1x128xi32, #tpu.memory_space<vmem>> -> memref<128xi32, #tpu.memory_space<vmem>>
        %dma_wait3A_213 = arith.constant 0 : i32
        %dma_wait3A_214 = arith.constant 0 : i32
        %dma_wait3A_215 = tpu.memref_slice %arg12[%dma_wait3A_213, %dma_wait3A_214] : memref<10112x128xf32, #tpu.memory_space<vmem_shared>> -> memref<10112x128xf32, #tpu.memory_space<vmem_shared>>
        tpu.wait_indirect_dma semaphore(%arg15 : memref<!tpu.dma_semaphore, #tpu.memory_space<semaphore_mem>>) src(%arg10 : memref<128x128xf32, #tpu.memory_space<vmem>>) dst(%dma_wait3A_215 : memref<10112x128xf32, #tpu.memory_space<vmem_shared>>)
        %dma_wait3A_216 = arith.constant 0 : i32
        %dma_wait3A_217 = tpu.memref_slice %arg9[%add3A_159, %dma_wait3A_216] : memref<40x128xi32, #tpu.memory_space<vmem>> -> memref<1x128xi32, #tpu.memory_space<vmem>>
        %dma_wait3A_218 = tpu.memref_squeeze %dma_wait3A_217 : memref<1x128xi32, #tpu.memory_space<vmem>> -> memref<128xi32, #tpu.memory_space<vmem>>
        %dma_wait3A_219 = arith.constant 0 : i32
        %dma_wait3A_220 = arith.constant 0 : i32
        %dma_wait3A_221 = tpu.memref_slice %arg12[%dma_wait3A_219, %dma_wait3A_220] : memref<10112x128xf32, #tpu.memory_space<vmem_shared>> -> memref<10112x128xf32, #tpu.memory_space<vmem_shared>>
        tpu.wait_indirect_dma semaphore(%arg16 : memref<!tpu.dma_semaphore, #tpu.memory_space<semaphore_mem>>) src(%arg10 : memref<128x128xf32, #tpu.memory_space<vmem>>) dst(%dma_wait3A_221 : memref<10112x128xf32, #tpu.memory_space<vmem_shared>>)
        %dma_wait3A_222 = arith.constant 0 : i32
        %dma_wait3A_223 = tpu.memref_slice %arg9[%add3A_169, %dma_wait3A_222] : memref<40x128xi32, #tpu.memory_space<vmem>> -> memref<1x128xi32, #tpu.memory_space<vmem>>
        %dma_wait3A_224 = tpu.memref_squeeze %dma_wait3A_223 : memref<1x128xi32, #tpu.memory_space<vmem>> -> memref<128xi32, #tpu.memory_space<vmem>>
        %dma_wait3A_225 = arith.constant 0 : i32
        %dma_wait3A_226 = arith.constant 0 : i32
        %dma_wait3A_227 = tpu.memref_slice %arg12[%dma_wait3A_225, %dma_wait3A_226] : memref<10112x128xf32, #tpu.memory_space<vmem_shared>> -> memref<10112x128xf32, #tpu.memory_space<vmem_shared>>
        tpu.wait_indirect_dma semaphore(%arg15 : memref<!tpu.dma_semaphore, #tpu.memory_space<semaphore_mem>>) src(%arg10 : memref<128x128xf32, #tpu.memory_space<vmem>>) dst(%dma_wait3A_227 : memref<10112x128xf32, #tpu.memory_space<vmem_shared>>)
        %dma_wait3A_228 = arith.constant 0 : i32
        %dma_wait3A_229 = tpu.memref_slice %arg9[%add3A_179, %dma_wait3A_228] : memref<40x128xi32, #tpu.memory_space<vmem>> -> memref<1x128xi32, #tpu.memory_space<vmem>>
        %dma_wait3A_230 = tpu.memref_squeeze %dma_wait3A_229 : memref<1x128xi32, #tpu.memory_space<vmem>> -> memref<128xi32, #tpu.memory_space<vmem>>
        %dma_wait3A_231 = arith.constant 0 : i32
        %dma_wait3A_232 = arith.constant 0 : i32
        %dma_wait3A_233 = tpu.memref_slice %arg12[%dma_wait3A_231, %dma_wait3A_232] : memref<10112x128xf32, #tpu.memory_space<vmem_shared>> -> memref<10112x128xf32, #tpu.memory_space<vmem_shared>>
        tpu.wait_indirect_dma semaphore(%arg16 : memref<!tpu.dma_semaphore, #tpu.memory_space<semaphore_mem>>) src(%arg10 : memref<128x128xf32, #tpu.memory_space<vmem>>) dst(%dma_wait3A_233 : memref<10112x128xf32, #tpu.memory_space<vmem_shared>>)
      }
      %scan3A_98 = arith.constant 5 : i32
      %barrier3A_99 = arith.constant 0 : index
      tpu.barrier barrier_id(%barrier3A_99)
      %mul3A_100 = arith.constant 632 : i32
      %mul3A_101 = arith.muli %arg1, %mul3A_100 : i32
      %add3A_102 = arith.constant 10112 : i32
      %add3A_103 = arith.addi %add3A_102, %mul3A_101 : i32
      "tpu.region"() ({
        %run_scoped3A = tpu.sem_alloc : memref<!tpu.dma_semaphore, #tpu.memory_space<semaphore_mem>>
        %dma_start3A_105 = arith.constant 0 : i32
        %dma_start3A_106 = tpu.memref_slice %arg7[%add3A_103, %dma_start3A_105] : memref<30336x128xf32, #tpu.memory_space<hbm>> -> memref<632x128xf32, #tpu.memory_space<hbm>>
        %dma_start3A_107 = arith.constant 0 : i32
        %dma_start3A_108 = tpu.memref_slice %arg12[%mul3A_0, %dma_start3A_107] : memref<10112x128xf32, #tpu.memory_space<vmem_shared>> -> memref<632x128xf32, #tpu.memory_space<vmem_shared>>
        tpu.enqueue_dma source(%dma_start3A_108 : memref<632x128xf32, #tpu.memory_space<vmem_shared>>) target(%dma_start3A_106 : memref<632x128xf32, #tpu.memory_space<hbm>>) target_semaphore(%run_scoped3A : memref<!tpu.dma_semaphore, #tpu.memory_space<semaphore_mem>>)
        %dma_wait3A_109 = arith.constant 0 : i32
        %dma_wait3A_110 = tpu.memref_slice %arg7[%add3A_103, %dma_wait3A_109] : memref<30336x128xf32, #tpu.memory_space<hbm>> -> memref<632x128xf32, #tpu.memory_space<hbm>>
        %dma_wait3A_111 = arith.constant 0 : i32
        %dma_wait3A_112 = tpu.memref_slice %arg12[%mul3A_0, %dma_wait3A_111] : memref<10112x128xf32, #tpu.memory_space<vmem_shared>> -> memref<632x128xf32, #tpu.memory_space<vmem_shared>>
        tpu.wait_dma2 semaphore(%run_scoped3A : memref<!tpu.dma_semaphore, #tpu.memory_space<semaphore_mem>>) src(%dma_wait3A_112 : memref<632x128xf32, #tpu.memory_space<vmem_shared>>) dst(%dma_wait3A_110 : memref<632x128xf32, #tpu.memory_space<hbm>>)
        tpu.yield
      }) : () -> ()
      "tpu.region"() ({
        %run_scoped3A = tpu.sem_alloc : memref<!tpu.dma_semaphore, #tpu.memory_space<semaphore_mem>>
        %dma_start3A_105 = arith.constant 0 : i32
        %dma_start3A_106 = tpu.memref_slice %arg12[%mul3A_0, %dma_start3A_105] : memref<10112x128xf32, #tpu.memory_space<vmem_shared>> -> memref<632x128xf32, #tpu.memory_space<vmem_shared>>
        %dma_start3A_107 = arith.constant 0 : i32
        %dma_start3A_108 = tpu.memref_slice %arg5[%mul3A_0, %dma_start3A_107] : memref<10112x128xf32, #tpu.memory_space<hbm>> -> memref<632x128xf32, #tpu.memory_space<hbm>>
        tpu.enqueue_dma source(%dma_start3A_108 : memref<632x128xf32, #tpu.memory_space<hbm>>) target(%dma_start3A_106 : memref<632x128xf32, #tpu.memory_space<vmem_shared>>) target_semaphore(%run_scoped3A : memref<!tpu.dma_semaphore, #tpu.memory_space<semaphore_mem>>)
        %dma_wait3A_109 = arith.constant 0 : i32
        %dma_wait3A_110 = tpu.memref_slice %arg12[%mul3A_0, %dma_wait3A_109] : memref<10112x128xf32, #tpu.memory_space<vmem_shared>> -> memref<632x128xf32, #tpu.memory_space<vmem_shared>>
        %dma_wait3A_111 = arith.constant 0 : i32
        %dma_wait3A_112 = tpu.memref_slice %arg5[%mul3A_0, %dma_wait3A_111] : memref<10112x128xf32, #tpu.memory_space<hbm>> -> memref<632x128xf32, #tpu.memory_space<hbm>>
        tpu.wait_dma2 semaphore(%run_scoped3A : memref<!tpu.dma_semaphore, #tpu.memory_space<semaphore_mem>>) src(%dma_wait3A_112 : memref<632x128xf32, #tpu.memory_space<hbm>>) dst(%dma_wait3A_110 : memref<632x128xf32, #tpu.memory_space<vmem_shared>>)
        tpu.yield
      }) : () -> ()
      %barrier3A_104 = arith.constant 0 : index
      tpu.barrier barrier_id(%barrier3A_104)
      "tpu.trace_stop"() : () -> ()
    } else {
    }
    %eq3A_3 = arith.constant 0 : i32
    %eq3A_4 = arith.cmpi eq, %arg0, %eq3A_3 : i32
    %mul3A_5 = arith.constant 120 : i32
    %mul3A_6 = arith.muli %mul3A_5, %arg1 : i32
    %mul3A_7 = arith.constant 40 : i32
    %mul3A_8 = arith.muli %mul3A_7, %arg1 : i32
    %add3A = arith.constant 1920 : i32
    %add3A_9 = arith.addi %add3A, %mul3A_8 : i32
    %select_n3A = arith.select %eq3A_4, %mul3A_6, %add3A_9 : i32
    "tpu.trace_start"() <{level = 10 : i32, message = "t_phase_shared"}> : () -> ()
    %add3A_10 = arith.constant 0 : i32
    %add3A_11 = arith.addi %select_n3A, %add3A_10 : i32
    "tpu.region"() ({
      %run_scoped3A = tpu.sem_alloc : memref<!tpu.dma_semaphore, #tpu.memory_space<semaphore_mem>>
      %dma_start3A_59 = arith.constant 0 : i32
      %dma_start3A_60 = tpu.memref_slice %arg2[%add3A_11, %dma_start3A_59] : memref<2560x128xi32, #tpu.memory_space<hbm>> -> memref<40x128xi32, #tpu.memory_space<hbm>>
      %dma_start3A_61 = arith.constant 0 : i32
      %dma_start3A_62 = tpu.memref_slice %arg2[%add3A_11, %dma_start3A_61] : memref<2560x128xi32, #tpu.memory_space<hbm>> -> memref<40x128xi32, #tpu.memory_space<hbm>>
      tpu.enqueue_dma source(%dma_start3A_62 : memref<40x128xi32, #tpu.memory_space<hbm>>) target(%arg8 : memref<40x128xi32, #tpu.memory_space<vmem>>) target_semaphore(%run_scoped3A : memref<!tpu.dma_semaphore, #tpu.memory_space<semaphore_mem>>)
      %dma_wait3A_63 = arith.constant 0 : i32
      %dma_wait3A_64 = tpu.memref_slice %arg2[%add3A_11, %dma_wait3A_63] : memref<2560x128xi32, #tpu.memory_space<hbm>> -> memref<40x128xi32, #tpu.memory_space<hbm>>
      %dma_wait3A_65 = arith.constant 0 : i32
      %dma_wait3A_66 = tpu.memref_slice %arg2[%add3A_11, %dma_wait3A_65] : memref<2560x128xi32, #tpu.memory_space<hbm>> -> memref<40x128xi32, #tpu.memory_space<hbm>>
      tpu.wait_dma2 semaphore(%run_scoped3A : memref<!tpu.dma_semaphore, #tpu.memory_space<semaphore_mem>>) src(%dma_wait3A_66 : memref<40x128xi32, #tpu.memory_space<hbm>>) dst(%arg8 : memref<40x128xi32, #tpu.memory_space<vmem>>)
      tpu.yield
    }) : () -> ()
    "tpu.region"() ({
      %run_scoped3A = tpu.sem_alloc : memref<!tpu.dma_semaphore, #tpu.memory_space<semaphore_mem>>
      %dma_start3A_59 = arith.constant 0 : i32
      %dma_start3A_60 = tpu.memref_slice %arg3[%add3A_11, %dma_start3A_59] : memref<2560x128xi32, #tpu.memory_space<hbm>> -> memref<40x128xi32, #tpu.memory_space<hbm>>
      %dma_start3A_61 = arith.constant 0 : i32
      %dma_start3A_62 = tpu.memref_slice %arg3[%add3A_11, %dma_start3A_61] : memref<2560x128xi32, #tpu.memory_space<hbm>> -> memref<40x128xi32, #tpu.memory_space<hbm>>
      tpu.enqueue_dma source(%dma_start3A_62 : memref<40x128xi32, #tpu.memory_space<hbm>>) target(%arg9 : memref<40x128xi32, #tpu.memory_space<vmem>>) target_semaphore(%run_scoped3A : memref<!tpu.dma_semaphore, #tpu.memory_space<semaphore_mem>>)
      %dma_wait3A_63 = arith.constant 0 : i32
      %dma_wait3A_64 = tpu.memref_slice %arg3[%add3A_11, %dma_wait3A_63] : memref<2560x128xi32, #tpu.memory_space<hbm>> -> memref<40x128xi32, #tpu.memory_space<hbm>>
      %dma_wait3A_65 = arith.constant 0 : i32
      %dma_wait3A_66 = tpu.memref_slice %arg3[%add3A_11, %dma_wait3A_65] : memref<2560x128xi32, #tpu.memory_space<hbm>> -> memref<40x128xi32, #tpu.memory_space<hbm>>
      tpu.wait_dma2 semaphore(%run_scoped3A : memref<!tpu.dma_semaphore, #tpu.memory_space<semaphore_mem>>) src(%dma_wait3A_66 : memref<40x128xi32, #tpu.memory_space<hbm>>) dst(%arg9 : memref<40x128xi32, #tpu.memory_space<vmem>>)
      tpu.yield
    }) : () -> ()
    %dma_start3A = arith.constant 0 : i32
    %dma_start3A_12 = arith.constant 0 : i32
    %dma_start3A_13 = tpu.memref_slice %arg8[%dma_start3A, %dma_start3A_12] : memref<40x128xi32, #tpu.memory_space<vmem>> -> memref<1x128xi32, #tpu.memory_space<vmem>>
    %dma_start3A_14 = tpu.memref_squeeze %dma_start3A_13 : memref<1x128xi32, #tpu.memory_space<vmem>> -> memref<128xi32, #tpu.memory_space<vmem>>
    %dma_start3A_15 = arith.constant 0 : i32
    %dma_start3A_16 = arith.constant 0 : i32
    %dma_start3A_17 = tpu.memref_slice %arg4[%dma_start3A_15, %dma_start3A_16] : memref<10000x128xf32, #tpu.memory_space<hbm>> -> memref<10000x128xf32, #tpu.memory_space<hbm>>
    tpu.enqueue_indirect_dma source(%dma_start3A_17 : memref<10000x128xf32, #tpu.memory_space<hbm>>) target(%arg10 : memref<128x128xf32, #tpu.memory_space<vmem>>) offsets(%dma_start3A_14 : memref<128xi32, #tpu.memory_space<vmem>>) semaphore(%arg13 : memref<!tpu.dma_semaphore, #tpu.memory_space<semaphore_mem>>)
    %dma_start3A_18 = arith.constant 1 : i32
    %dma_start3A_19 = arith.constant 0 : i32
    %dma_start3A_20 = tpu.memref_slice %arg8[%dma_start3A_18, %dma_start3A_19] : memref<40x128xi32, #tpu.memory_space<vmem>> -> memref<1x128xi32, #tpu.memory_space<vmem>>
    %dma_start3A_21 = tpu.memref_squeeze %dma_start3A_20 : memref<1x128xi32, #tpu.memory_space<vmem>> -> memref<128xi32, #tpu.memory_space<vmem>>
    %dma_start3A_22 = arith.constant 0 : i32
    %dma_start3A_23 = arith.constant 0 : i32
    %dma_start3A_24 = tpu.memref_slice %arg4[%dma_start3A_22, %dma_start3A_23] : memref<10000x128xf32, #tpu.memory_space<hbm>> -> memref<10000x128xf32, #tpu.memory_space<hbm>>
    tpu.enqueue_indirect_dma source(%dma_start3A_24 : memref<10000x128xf32, #tpu.memory_space<hbm>>) target(%arg11 : memref<128x128xf32, #tpu.memory_space<vmem>>) offsets(%dma_start3A_21 : memref<128xi32, #tpu.memory_space<vmem>>) semaphore(%arg14 : memref<!tpu.dma_semaphore, #tpu.memory_space<semaphore_mem>>)
    %scan3A = arith.constant 0 : i32
    %scan3A_25 = arith.constant 0 : i32
    %scan3A_26 = arith.constant 20 : i32
    %scan3A_27 = arith.addi %scan3A_25, %scan3A_26 : i32
    %scan3A_28 = arith.constant 1 : i32
    scf.for %scan3A_59 = %scan3A_25 to %scan3A_27 step %scan3A_28  : i32 {
      %mul3A_60 = arith.constant 2 : i32
      %mul3A_61 = arith.muli %mul3A_60, %scan3A_59 : i32
      %add3A_62 = arith.constant 0 : i32
      %add3A_63 = arith.addi %mul3A_61, %add3A_62 : i32
      %dma_wait3A_64 = arith.constant 0 : i32
      %dma_wait3A_65 = tpu.memref_slice %arg8[%add3A_63, %dma_wait3A_64] : memref<40x128xi32, #tpu.memory_space<vmem>> -> memref<1x128xi32, #tpu.memory_space<vmem>>
      %dma_wait3A_66 = tpu.memref_squeeze %dma_wait3A_65 : memref<1x128xi32, #tpu.memory_space<vmem>> -> memref<128xi32, #tpu.memory_space<vmem>>
      %dma_wait3A_67 = arith.constant 0 : i32
      %dma_wait3A_68 = arith.constant 0 : i32
      %dma_wait3A_69 = tpu.memref_slice %arg4[%dma_wait3A_67, %dma_wait3A_68] : memref<10000x128xf32, #tpu.memory_space<hbm>> -> memref<10000x128xf32, #tpu.memory_space<hbm>>
      tpu.wait_indirect_dma semaphore(%arg13 : memref<!tpu.dma_semaphore, #tpu.memory_space<semaphore_mem>>) src(%dma_wait3A_69 : memref<10000x128xf32, #tpu.memory_space<hbm>>) dst(%arg10 : memref<128x128xf32, #tpu.memory_space<vmem>>)
      %dma_start3A_70 = arith.constant 0 : i32
      %dma_start3A_71 = tpu.memref_slice %arg9[%add3A_63, %dma_start3A_70] : memref<40x128xi32, #tpu.memory_space<vmem>> -> memref<1x128xi32, #tpu.memory_space<vmem>>
      %dma_start3A_72 = tpu.memref_squeeze %dma_start3A_71 : memref<1x128xi32, #tpu.memory_space<vmem>> -> memref<128xi32, #tpu.memory_space<vmem>>
      %dma_start3A_73 = arith.constant 0 : i32
      %dma_start3A_74 = arith.constant 0 : i32
      %dma_start3A_75 = tpu.memref_slice %arg12[%dma_start3A_73, %dma_start3A_74] : memref<10112x128xf32, #tpu.memory_space<vmem_shared>> -> memref<10112x128xf32, #tpu.memory_space<vmem_shared>>
      tpu.enqueue_indirect_dma source(%arg10 : memref<128x128xf32, #tpu.memory_space<vmem>>) target(%dma_start3A_75 : memref<10112x128xf32, #tpu.memory_space<vmem_shared>>) offsets(%dma_start3A_72 : memref<128xi32, #tpu.memory_space<vmem>>) semaphore(%arg15 : memref<!tpu.dma_semaphore, #tpu.memory_space<semaphore_mem>>) {add = true}
      %mul3A_76 = arith.constant 2 : i32
      %mul3A_77 = arith.muli %mul3A_76, %scan3A_59 : i32
      %add3A_78 = arith.constant 1 : i32
      %add3A_79 = arith.addi %mul3A_77, %add3A_78 : i32
      %dma_wait3A_80 = arith.constant 0 : i32
      %dma_wait3A_81 = tpu.memref_slice %arg8[%add3A_79, %dma_wait3A_80] : memref<40x128xi32, #tpu.memory_space<vmem>> -> memref<1x128xi32, #tpu.memory_space<vmem>>
      %dma_wait3A_82 = tpu.memref_squeeze %dma_wait3A_81 : memref<1x128xi32, #tpu.memory_space<vmem>> -> memref<128xi32, #tpu.memory_space<vmem>>
      %dma_wait3A_83 = arith.constant 0 : i32
      %dma_wait3A_84 = arith.constant 0 : i32
      %dma_wait3A_85 = tpu.memref_slice %arg4[%dma_wait3A_83, %dma_wait3A_84] : memref<10000x128xf32, #tpu.memory_space<hbm>> -> memref<10000x128xf32, #tpu.memory_space<hbm>>
      tpu.wait_indirect_dma semaphore(%arg14 : memref<!tpu.dma_semaphore, #tpu.memory_space<semaphore_mem>>) src(%dma_wait3A_85 : memref<10000x128xf32, #tpu.memory_space<hbm>>) dst(%arg11 : memref<128x128xf32, #tpu.memory_space<vmem>>)
      %dma_start3A_86 = arith.constant 0 : i32
      %dma_start3A_87 = tpu.memref_slice %arg9[%add3A_79, %dma_start3A_86] : memref<40x128xi32, #tpu.memory_space<vmem>> -> memref<1x128xi32, #tpu.memory_space<vmem>>
      %dma_start3A_88 = tpu.memref_squeeze %dma_start3A_87 : memref<1x128xi32, #tpu.memory_space<vmem>> -> memref<128xi32, #tpu.memory_space<vmem>>
      %dma_start3A_89 = arith.constant 0 : i32
      %dma_start3A_90 = arith.constant 0 : i32
      %dma_start3A_91 = tpu.memref_slice %arg12[%dma_start3A_89, %dma_start3A_90] : memref<10112x128xf32, #tpu.memory_space<vmem_shared>> -> memref<10112x128xf32, #tpu.memory_space<vmem_shared>>
      tpu.enqueue_indirect_dma source(%arg11 : memref<128x128xf32, #tpu.memory_space<vmem>>) target(%dma_start3A_91 : memref<10112x128xf32, #tpu.memory_space<vmem_shared>>) offsets(%dma_start3A_88 : memref<128xi32, #tpu.memory_space<vmem>>) semaphore(%arg16 : memref<!tpu.dma_semaphore, #tpu.memory_space<semaphore_mem>>) {add = true}
      %mul3A_92 = arith.constant 2 : i32
      %mul3A_93 = arith.muli %mul3A_92, %scan3A_59 : i32
      %add3A_94 = arith.constant 0 : i32
      %add3A_95 = arith.addi %mul3A_93, %add3A_94 : i32
      %add3A_96 = arith.constant 2 : i32
      %add3A_97 = arith.addi %add3A_95, %add3A_96 : i32
      %lt3A = arith.constant 40 : i32
      %lt3A_98 = arith.cmpi slt, %add3A_97, %lt3A : i32
      %convert_element_type3A_99 = arith.extui %lt3A_98 : i1 to i32
      %cond3A_100 = arith.constant 0 : i32
      %cond3A_101 = arith.cmpi ne, %convert_element_type3A_99, %cond3A_100 : i32
      scf.if %cond3A_101 {
        %dma_wait3A_113 = arith.constant 0 : i32
        %dma_wait3A_114 = tpu.memref_slice %arg9[%add3A_63, %dma_wait3A_113] : memref<40x128xi32, #tpu.memory_space<vmem>> -> memref<1x128xi32, #tpu.memory_space<vmem>>
        %dma_wait3A_115 = tpu.memref_squeeze %dma_wait3A_114 : memref<1x128xi32, #tpu.memory_space<vmem>> -> memref<128xi32, #tpu.memory_space<vmem>>
        %dma_wait3A_116 = arith.constant 0 : i32
        %dma_wait3A_117 = arith.constant 0 : i32
        %dma_wait3A_118 = tpu.memref_slice %arg12[%dma_wait3A_116, %dma_wait3A_117] : memref<10112x128xf32, #tpu.memory_space<vmem_shared>> -> memref<10112x128xf32, #tpu.memory_space<vmem_shared>>
        tpu.wait_indirect_dma semaphore(%arg15 : memref<!tpu.dma_semaphore, #tpu.memory_space<semaphore_mem>>) src(%arg10 : memref<128x128xf32, #tpu.memory_space<vmem>>) dst(%dma_wait3A_118 : memref<10112x128xf32, #tpu.memory_space<vmem_shared>>)
        %dma_start3A_119 = arith.constant 0 : i32
        %dma_start3A_120 = tpu.memref_slice %arg8[%add3A_97, %dma_start3A_119] : memref<40x128xi32, #tpu.memory_space<vmem>> -> memref<1x128xi32, #tpu.memory_space<vmem>>
        %dma_start3A_121 = tpu.memref_squeeze %dma_start3A_120 : memref<1x128xi32, #tpu.memory_space<vmem>> -> memref<128xi32, #tpu.memory_space<vmem>>
        %dma_start3A_122 = arith.constant 0 : i32
        %dma_start3A_123 = arith.constant 0 : i32
        %dma_start3A_124 = tpu.memref_slice %arg4[%dma_start3A_122, %dma_start3A_123] : memref<10000x128xf32, #tpu.memory_space<hbm>> -> memref<10000x128xf32, #tpu.memory_space<hbm>>
        tpu.enqueue_indirect_dma source(%dma_start3A_124 : memref<10000x128xf32, #tpu.memory_space<hbm>>) target(%arg10 : memref<128x128xf32, #tpu.memory_space<vmem>>) offsets(%dma_start3A_121 : memref<128xi32, #tpu.memory_space<vmem>>) semaphore(%arg13 : memref<!tpu.dma_semaphore, #tpu.memory_space<semaphore_mem>>)
      } else {
      }
      %mul3A_102 = arith.constant 2 : i32
      %mul3A_103 = arith.muli %mul3A_102, %scan3A_59 : i32
      %add3A_104 = arith.constant 1 : i32
      %add3A_105 = arith.addi %mul3A_103, %add3A_104 : i32
      %add3A_106 = arith.constant 2 : i32
      %add3A_107 = arith.addi %add3A_105, %add3A_106 : i32
      %lt3A_108 = arith.constant 40 : i32
      %lt3A_109 = arith.cmpi slt, %add3A_107, %lt3A_108 : i32
      %convert_element_type3A_110 = arith.extui %lt3A_109 : i1 to i32
      %cond3A_111 = arith.constant 0 : i32
      %cond3A_112 = arith.cmpi ne, %convert_element_type3A_110, %cond3A_111 : i32
      scf.if %cond3A_112 {
        %dma_wait3A_113 = arith.constant 0 : i32
        %dma_wait3A_114 = tpu.memref_slice %arg9[%add3A_79, %dma_wait3A_113] : memref<40x128xi32, #tpu.memory_space<vmem>> -> memref<1x128xi32, #tpu.memory_space<vmem>>
        %dma_wait3A_115 = tpu.memref_squeeze %dma_wait3A_114 : memref<1x128xi32, #tpu.memory_space<vmem>> -> memref<128xi32, #tpu.memory_space<vmem>>
        %dma_wait3A_116 = arith.constant 0 : i32
        %dma_wait3A_117 = arith.constant 0 : i32
        %dma_wait3A_118 = tpu.memref_slice %arg12[%dma_wait3A_116, %dma_wait3A_117] : memref<10112x128xf32, #tpu.memory_space<vmem_shared>> -> memref<10112x128xf32, #tpu.memory_space<vmem_shared>>
        tpu.wait_indirect_dma semaphore(%arg16 : memref<!tpu.dma_semaphore, #tpu.memory_space<semaphore_mem>>) src(%arg11 : memref<128x128xf32, #tpu.memory_space<vmem>>) dst(%dma_wait3A_118 : memref<10112x128xf32, #tpu.memory_space<vmem_shared>>)
        %dma_start3A_119 = arith.constant 0 : i32
        %dma_start3A_120 = tpu.memref_slice %arg8[%add3A_107, %dma_start3A_119] : memref<40x128xi32, #tpu.memory_space<vmem>> -> memref<1x128xi32, #tpu.memory_space<vmem>>
        %dma_start3A_121 = tpu.memref_squeeze %dma_start3A_120 : memref<1x128xi32, #tpu.memory_space<vmem>> -> memref<128xi32, #tpu.memory_space<vmem>>
        %dma_start3A_122 = arith.constant 0 : i32
        %dma_start3A_123 = arith.constant 0 : i32
        %dma_start3A_124 = tpu.memref_slice %arg4[%dma_start3A_122, %dma_start3A_123] : memref<10000x128xf32, #tpu.memory_space<hbm>> -> memref<10000x128xf32, #tpu.memory_space<hbm>>
        tpu.enqueue_indirect_dma source(%dma_start3A_124 : memref<10000x128xf32, #tpu.memory_space<hbm>>) target(%arg11 : memref<128x128xf32, #tpu.memory_space<vmem>>) offsets(%dma_start3A_121 : memref<128xi32, #tpu.memory_space<vmem>>) semaphore(%arg14 : memref<!tpu.dma_semaphore, #tpu.memory_space<semaphore_mem>>)
      } else {
      }
    }
    %scan3A_29 = arith.constant 20 : i32
    %dma_wait3A = arith.constant 38 : i32
    %dma_wait3A_30 = arith.constant 0 : i32
    %dma_wait3A_31 = tpu.memref_slice %arg9[%dma_wait3A, %dma_wait3A_30] : memref<40x128xi32, #tpu.memory_space<vmem>> -> memref<1x128xi32, #tpu.memory_space<vmem>>
    %dma_wait3A_32 = tpu.memref_squeeze %dma_wait3A_31 : memref<1x128xi32, #tpu.memory_space<vmem>> -> memref<128xi32, #tpu.memory_space<vmem>>
    %dma_wait3A_33 = arith.constant 0 : i32
    %dma_wait3A_34 = arith.constant 0 : i32
    %dma_wait3A_35 = tpu.memref_slice %arg12[%dma_wait3A_33, %dma_wait3A_34] : memref<10112x128xf32, #tpu.memory_space<vmem_shared>> -> memref<10112x128xf32, #tpu.memory_space<vmem_shared>>
    tpu.wait_indirect_dma semaphore(%arg15 : memref<!tpu.dma_semaphore, #tpu.memory_space<semaphore_mem>>) src(%arg10 : memref<128x128xf32, #tpu.memory_space<vmem>>) dst(%dma_wait3A_35 : memref<10112x128xf32, #tpu.memory_space<vmem_shared>>)
    %dma_wait3A_36 = arith.constant 39 : i32
    %dma_wait3A_37 = arith.constant 0 : i32
    %dma_wait3A_38 = tpu.memref_slice %arg9[%dma_wait3A_36, %dma_wait3A_37] : memref<40x128xi32, #tpu.memory_space<vmem>> -> memref<1x128xi32, #tpu.memory_space<vmem>>
    %dma_wait3A_39 = tpu.memref_squeeze %dma_wait3A_38 : memref<1x128xi32, #tpu.memory_space<vmem>> -> memref<128xi32, #tpu.memory_space<vmem>>
    %dma_wait3A_40 = arith.constant 0 : i32
    %dma_wait3A_41 = arith.constant 0 : i32
    %dma_wait3A_42 = tpu.memref_slice %arg12[%dma_wait3A_40, %dma_wait3A_41] : memref<10112x128xf32, #tpu.memory_space<vmem_shared>> -> memref<10112x128xf32, #tpu.memory_space<vmem_shared>>
    tpu.wait_indirect_dma semaphore(%arg16 : memref<!tpu.dma_semaphore, #tpu.memory_space<semaphore_mem>>) src(%arg11 : memref<128x128xf32, #tpu.memory_space<vmem>>) dst(%dma_wait3A_42 : memref<10112x128xf32, #tpu.memory_space<vmem_shared>>)
    %eq3A_43 = arith.constant 0 : i32
    "tpu.trace_stop"() : () -> ()
    "tpu.trace_start"() <{level = 10 : i32, message = "t_phase_extra"}> : () -> ()
    %eq3A_44 = arith.cmpi eq, %arg0, %eq3A_43 : i32
    %convert_element_type3A_45 = arith.extui %eq3A_44 : i1 to i32
    %cond3A_46 = arith.constant 0 : i32
    %cond3A_47 = arith.cmpi ne, %convert_element_type3A_45, %cond3A_46 : i32
    scf.if %cond3A_47 {
      %add3A_59 = arith.constant 40 : i32
      %add3A_60 = arith.addi %select_n3A, %add3A_59 : i32
      "tpu.region"() ({
        %run_scoped3A = tpu.sem_alloc : memref<!tpu.dma_semaphore, #tpu.memory_space<semaphore_mem>>
        %dma_start3A_95 = arith.constant 0 : i32
        %dma_start3A_96 = tpu.memref_slice %arg2[%add3A_60, %dma_start3A_95] : memref<2560x128xi32, #tpu.memory_space<hbm>> -> memref<40x128xi32, #tpu.memory_space<hbm>>
        %dma_start3A_97 = arith.constant 0 : i32
        %dma_start3A_98 = tpu.memref_slice %arg2[%add3A_60, %dma_start3A_97] : memref<2560x128xi32, #tpu.memory_space<hbm>> -> memref<40x128xi32, #tpu.memory_space<hbm>>
        tpu.enqueue_dma source(%dma_start3A_98 : memref<40x128xi32, #tpu.memory_space<hbm>>) target(%arg8 : memref<40x128xi32, #tpu.memory_space<vmem>>) target_semaphore(%run_scoped3A : memref<!tpu.dma_semaphore, #tpu.memory_space<semaphore_mem>>)
        %dma_wait3A_99 = arith.constant 0 : i32
        %dma_wait3A_100 = tpu.memref_slice %arg2[%add3A_60, %dma_wait3A_99] : memref<2560x128xi32, #tpu.memory_space<hbm>> -> memref<40x128xi32, #tpu.memory_space<hbm>>
        %dma_wait3A_101 = arith.constant 0 : i32
        %dma_wait3A_102 = tpu.memref_slice %arg2[%add3A_60, %dma_wait3A_101] : memref<2560x128xi32, #tpu.memory_space<hbm>> -> memref<40x128xi32, #tpu.memory_space<hbm>>
        tpu.wait_dma2 semaphore(%run_scoped3A : memref<!tpu.dma_semaphore, #tpu.memory_space<semaphore_mem>>) src(%dma_wait3A_102 : memref<40x128xi32, #tpu.memory_space<hbm>>) dst(%arg8 : memref<40x128xi32, #tpu.memory_space<vmem>>)
        tpu.yield
      }) : () -> ()
      "tpu.region"() ({
        %run_scoped3A = tpu.sem_alloc : memref<!tpu.dma_semaphore, #tpu.memory_space<semaphore_mem>>
        %dma_start3A_95 = arith.constant 0 : i32
        %dma_start3A_96 = tpu.memref_slice %arg3[%add3A_60, %dma_start3A_95] : memref<2560x128xi32, #tpu.memory_space<hbm>> -> memref<40x128xi32, #tpu.memory_space<hbm>>
        %dma_start3A_97 = arith.constant 0 : i32
        %dma_start3A_98 = tpu.memref_slice %arg3[%add3A_60, %dma_start3A_97] : memref<2560x128xi32, #tpu.memory_space<hbm>> -> memref<40x128xi32, #tpu.memory_space<hbm>>
        tpu.enqueue_dma source(%dma_start3A_98 : memref<40x128xi32, #tpu.memory_space<hbm>>) target(%arg9 : memref<40x128xi32, #tpu.memory_space<vmem>>) target_semaphore(%run_scoped3A : memref<!tpu.dma_semaphore, #tpu.memory_space<semaphore_mem>>)
        %dma_wait3A_99 = arith.constant 0 : i32
        %dma_wait3A_100 = tpu.memref_slice %arg3[%add3A_60, %dma_wait3A_99] : memref<2560x128xi32, #tpu.memory_space<hbm>> -> memref<40x128xi32, #tpu.memory_space<hbm>>
        %dma_wait3A_101 = arith.constant 0 : i32
        %dma_wait3A_102 = tpu.memref_slice %arg3[%add3A_60, %dma_wait3A_101] : memref<2560x128xi32, #tpu.memory_space<hbm>> -> memref<40x128xi32, #tpu.memory_space<hbm>>
        tpu.wait_dma2 semaphore(%run_scoped3A : memref<!tpu.dma_semaphore, #tpu.memory_space<semaphore_mem>>) src(%dma_wait3A_102 : memref<40x128xi32, #tpu.memory_space<hbm>>) dst(%arg9 : memref<40x128xi32, #tpu.memory_space<vmem>>)
        tpu.yield
      }) : () -> ()
      %dma_start3A_61 = arith.constant 0 : i32
      %dma_start3A_62 = arith.constant 0 : i32
      %dma_start3A_63 = tpu.memref_slice %arg8[%dma_start3A_61, %dma_start3A_62] : memref<40x128xi32, #tpu.memory_space<vmem>> -> memref<1x128xi32, #tpu.memory_space<vmem>>
      %dma_start3A_64 = tpu.memref_squeeze %dma_start3A_63 : memref<1x128xi32, #tpu.memory_space<vmem>> -> memref<128xi32, #tpu.memory_space<vmem>>
      %dma_start3A_65 = arith.constant 0 : i32
      %dma_start3A_66 = arith.constant 0 : i32
      %dma_start3A_67 = tpu.memref_slice %arg4[%dma_start3A_65, %dma_start3A_66] : memref<10000x128xf32, #tpu.memory_space<hbm>> -> memref<10000x128xf32, #tpu.memory_space<hbm>>
      tpu.enqueue_indirect_dma source(%dma_start3A_67 : memref<10000x128xf32, #tpu.memory_space<hbm>>) target(%arg10 : memref<128x128xf32, #tpu.memory_space<vmem>>) offsets(%dma_start3A_64 : memref<128xi32, #tpu.memory_space<vmem>>) semaphore(%arg13 : memref<!tpu.dma_semaphore, #tpu.memory_space<semaphore_mem>>)
      %dma_start3A_68 = arith.constant 1 : i32
      %dma_start3A_69 = arith.constant 0 : i32
      %dma_start3A_70 = tpu.memref_slice %arg8[%dma_start3A_68, %dma_start3A_69] : memref<40x128xi32, #tpu.memory_space<vmem>> -> memref<1x128xi32, #tpu.memory_space<vmem>>
      %dma_start3A_71 = tpu.memref_squeeze %dma_start3A_70 : memref<1x128xi32, #tpu.memory_space<vmem>> -> memref<128xi32, #tpu.memory_space<vmem>>
      %dma_start3A_72 = arith.constant 0 : i32
      %dma_start3A_73 = arith.constant 0 : i32
      %dma_start3A_74 = tpu.memref_slice %arg4[%dma_start3A_72, %dma_start3A_73] : memref<10000x128xf32, #tpu.memory_space<hbm>> -> memref<10000x128xf32, #tpu.memory_space<hbm>>
      tpu.enqueue_indirect_dma source(%dma_start3A_74 : memref<10000x128xf32, #tpu.memory_space<hbm>>) target(%arg11 : memref<128x128xf32, #tpu.memory_space<vmem>>) offsets(%dma_start3A_71 : memref<128xi32, #tpu.memory_space<vmem>>) semaphore(%arg14 : memref<!tpu.dma_semaphore, #tpu.memory_space<semaphore_mem>>)
      %scan3A_75 = arith.constant 0 : i32
      %scan3A_76 = arith.constant 0 : i32
      %scan3A_77 = arith.constant 20 : i32
      %scan3A_78 = arith.addi %scan3A_76, %scan3A_77 : i32
      %scan3A_79 = arith.constant 1 : i32
      scf.for %scan3A_95 = %scan3A_76 to %scan3A_78 step %scan3A_79  : i32 {
        %mul3A_96 = arith.constant 2 : i32
        %mul3A_97 = arith.muli %mul3A_96, %scan3A_95 : i32
        %add3A_98 = arith.constant 0 : i32
        %add3A_99 = arith.addi %mul3A_97, %add3A_98 : i32
        %dma_wait3A_100 = arith.constant 0 : i32
        %dma_wait3A_101 = tpu.memref_slice %arg8[%add3A_99, %dma_wait3A_100] : memref<40x128xi32, #tpu.memory_space<vmem>> -> memref<1x128xi32, #tpu.memory_space<vmem>>
        %dma_wait3A_102 = tpu.memref_squeeze %dma_wait3A_101 : memref<1x128xi32, #tpu.memory_space<vmem>> -> memref<128xi32, #tpu.memory_space<vmem>>
        %dma_wait3A_103 = arith.constant 0 : i32
        %dma_wait3A_104 = arith.constant 0 : i32
        %dma_wait3A_105 = tpu.memref_slice %arg4[%dma_wait3A_103, %dma_wait3A_104] : memref<10000x128xf32, #tpu.memory_space<hbm>> -> memref<10000x128xf32, #tpu.memory_space<hbm>>
        tpu.wait_indirect_dma semaphore(%arg13 : memref<!tpu.dma_semaphore, #tpu.memory_space<semaphore_mem>>) src(%dma_wait3A_105 : memref<10000x128xf32, #tpu.memory_space<hbm>>) dst(%arg10 : memref<128x128xf32, #tpu.memory_space<vmem>>)
        %dma_start3A_106 = arith.constant 0 : i32
        %dma_start3A_107 = tpu.memref_slice %arg9[%add3A_99, %dma_start3A_106] : memref<40x128xi32, #tpu.memory_space<vmem>> -> memref<1x128xi32, #tpu.memory_space<vmem>>
        %dma_start3A_108 = tpu.memref_squeeze %dma_start3A_107 : memref<1x128xi32, #tpu.memory_space<vmem>> -> memref<128xi32, #tpu.memory_space<vmem>>
        %dma_start3A_109 = arith.constant 0 : i32
        %dma_start3A_110 = arith.constant 0 : i32
        %dma_start3A_111 = tpu.memref_slice %arg12[%dma_start3A_109, %dma_start3A_110] : memref<10112x128xf32, #tpu.memory_space<vmem_shared>> -> memref<10112x128xf32, #tpu.memory_space<vmem_shared>>
        tpu.enqueue_indirect_dma source(%arg10 : memref<128x128xf32, #tpu.memory_space<vmem>>) target(%dma_start3A_111 : memref<10112x128xf32, #tpu.memory_space<vmem_shared>>) offsets(%dma_start3A_108 : memref<128xi32, #tpu.memory_space<vmem>>) semaphore(%arg15 : memref<!tpu.dma_semaphore, #tpu.memory_space<semaphore_mem>>) {add = true}
        %mul3A_112 = arith.constant 2 : i32
        %mul3A_113 = arith.muli %mul3A_112, %scan3A_95 : i32
        %add3A_114 = arith.constant 1 : i32
        %add3A_115 = arith.addi %mul3A_113, %add3A_114 : i32
        %dma_wait3A_116 = arith.constant 0 : i32
        %dma_wait3A_117 = tpu.memref_slice %arg8[%add3A_115, %dma_wait3A_116] : memref<40x128xi32, #tpu.memory_space<vmem>> -> memref<1x128xi32, #tpu.memory_space<vmem>>
        %dma_wait3A_118 = tpu.memref_squeeze %dma_wait3A_117 : memref<1x128xi32, #tpu.memory_space<vmem>> -> memref<128xi32, #tpu.memory_space<vmem>>
        %dma_wait3A_119 = arith.constant 0 : i32
        %dma_wait3A_120 = arith.constant 0 : i32
        %dma_wait3A_121 = tpu.memref_slice %arg4[%dma_wait3A_119, %dma_wait3A_120] : memref<10000x128xf32, #tpu.memory_space<hbm>> -> memref<10000x128xf32, #tpu.memory_space<hbm>>
        tpu.wait_indirect_dma semaphore(%arg14 : memref<!tpu.dma_semaphore, #tpu.memory_space<semaphore_mem>>) src(%dma_wait3A_121 : memref<10000x128xf32, #tpu.memory_space<hbm>>) dst(%arg11 : memref<128x128xf32, #tpu.memory_space<vmem>>)
        %dma_start3A_122 = arith.constant 0 : i32
        %dma_start3A_123 = tpu.memref_slice %arg9[%add3A_115, %dma_start3A_122] : memref<40x128xi32, #tpu.memory_space<vmem>> -> memref<1x128xi32, #tpu.memory_space<vmem>>
        %dma_start3A_124 = tpu.memref_squeeze %dma_start3A_123 : memref<1x128xi32, #tpu.memory_space<vmem>> -> memref<128xi32, #tpu.memory_space<vmem>>
        %dma_start3A_125 = arith.constant 0 : i32
        %dma_start3A_126 = arith.constant 0 : i32
        %dma_start3A_127 = tpu.memref_slice %arg12[%dma_start3A_125, %dma_start3A_126] : memref<10112x128xf32, #tpu.memory_space<vmem_shared>> -> memref<10112x128xf32, #tpu.memory_space<vmem_shared>>
        tpu.enqueue_indirect_dma source(%arg11 : memref<128x128xf32, #tpu.memory_space<vmem>>) target(%dma_start3A_127 : memref<10112x128xf32, #tpu.memory_space<vmem_shared>>) offsets(%dma_start3A_124 : memref<128xi32, #tpu.memory_space<vmem>>) semaphore(%arg16 : memref<!tpu.dma_semaphore, #tpu.memory_space<semaphore_mem>>) {add = true}
        %mul3A_128 = arith.constant 2 : i32
        %mul3A_129 = arith.muli %mul3A_128, %scan3A_95 : i32
        %add3A_130 = arith.constant 0 : i32
        %add3A_131 = arith.addi %mul3A_129, %add3A_130 : i32
        %add3A_132 = arith.constant 2 : i32
        %add3A_133 = arith.addi %add3A_131, %add3A_132 : i32
        %lt3A = arith.constant 40 : i32
        %lt3A_134 = arith.cmpi slt, %add3A_133, %lt3A : i32
        %convert_element_type3A_135 = arith.extui %lt3A_134 : i1 to i32
        %cond3A_136 = arith.constant 0 : i32
        %cond3A_137 = arith.cmpi ne, %convert_element_type3A_135, %cond3A_136 : i32
        scf.if %cond3A_137 {
          %dma_wait3A_149 = arith.constant 0 : i32
          %dma_wait3A_150 = tpu.memref_slice %arg9[%add3A_99, %dma_wait3A_149] : memref<40x128xi32, #tpu.memory_space<vmem>> -> memref<1x128xi32, #tpu.memory_space<vmem>>
          %dma_wait3A_151 = tpu.memref_squeeze %dma_wait3A_150 : memref<1x128xi32, #tpu.memory_space<vmem>> -> memref<128xi32, #tpu.memory_space<vmem>>
          %dma_wait3A_152 = arith.constant 0 : i32
          %dma_wait3A_153 = arith.constant 0 : i32
          %dma_wait3A_154 = tpu.memref_slice %arg12[%dma_wait3A_152, %dma_wait3A_153] : memref<10112x128xf32, #tpu.memory_space<vmem_shared>> -> memref<10112x128xf32, #tpu.memory_space<vmem_shared>>
          tpu.wait_indirect_dma semaphore(%arg15 : memref<!tpu.dma_semaphore, #tpu.memory_space<semaphore_mem>>) src(%arg10 : memref<128x128xf32, #tpu.memory_space<vmem>>) dst(%dma_wait3A_154 : memref<10112x128xf32, #tpu.memory_space<vmem_shared>>)
          %dma_start3A_155 = arith.constant 0 : i32
          %dma_start3A_156 = tpu.memref_slice %arg8[%add3A_133, %dma_start3A_155] : memref<40x128xi32, #tpu.memory_space<vmem>> -> memref<1x128xi32, #tpu.memory_space<vmem>>
          %dma_start3A_157 = tpu.memref_squeeze %dma_start3A_156 : memref<1x128xi32, #tpu.memory_space<vmem>> -> memref<128xi32, #tpu.memory_space<vmem>>
          %dma_start3A_158 = arith.constant 0 : i32
          %dma_start3A_159 = arith.constant 0 : i32
          %dma_start3A_160 = tpu.memref_slice %arg4[%dma_start3A_158, %dma_start3A_159] : memref<10000x128xf32, #tpu.memory_space<hbm>> -> memref<10000x128xf32, #tpu.memory_space<hbm>>
          tpu.enqueue_indirect_dma source(%dma_start3A_160 : memref<10000x128xf32, #tpu.memory_space<hbm>>) target(%arg10 : memref<128x128xf32, #tpu.memory_space<vmem>>) offsets(%dma_start3A_157 : memref<128xi32, #tpu.memory_space<vmem>>) semaphore(%arg13 : memref<!tpu.dma_semaphore, #tpu.memory_space<semaphore_mem>>)
        } else {
        }
        %mul3A_138 = arith.constant 2 : i32
        %mul3A_139 = arith.muli %mul3A_138, %scan3A_95 : i32
        %add3A_140 = arith.constant 1 : i32
        %add3A_141 = arith.addi %mul3A_139, %add3A_140 : i32
        %add3A_142 = arith.constant 2 : i32
        %add3A_143 = arith.addi %add3A_141, %add3A_142 : i32
        %lt3A_144 = arith.constant 40 : i32
        %lt3A_145 = arith.cmpi slt, %add3A_143, %lt3A_144 : i32
        %convert_element_type3A_146 = arith.extui %lt3A_145 : i1 to i32
        %cond3A_147 = arith.constant 0 : i32
        %cond3A_148 = arith.cmpi ne, %convert_element_type3A_146, %cond3A_147 : i32
        scf.if %cond3A_148 {
          %dma_wait3A_149 = arith.constant 0 : i32
          %dma_wait3A_150 = tpu.memref_slice %arg9[%add3A_115, %dma_wait3A_149] : memref<40x128xi32, #tpu.memory_space<vmem>> -> memref<1x128xi32, #tpu.memory_space<vmem>>
          %dma_wait3A_151 = tpu.memref_squeeze %dma_wait3A_150 : memref<1x128xi32, #tpu.memory_space<vmem>> -> memref<128xi32, #tpu.memory_space<vmem>>
          %dma_wait3A_152 = arith.constant 0 : i32
          %dma_wait3A_153 = arith.constant 0 : i32
          %dma_wait3A_154 = tpu.memref_slice %arg12[%dma_wait3A_152, %dma_wait3A_153] : memref<10112x128xf32, #tpu.memory_space<vmem_shared>> -> memref<10112x128xf32, #tpu.memory_space<vmem_shared>>
          tpu.wait_indirect_dma semaphore(%arg16 : memref<!tpu.dma_semaphore, #tpu.memory_space<semaphore_mem>>) src(%arg11 : memref<128x128xf32, #tpu.memory_space<vmem>>) dst(%dma_wait3A_154 : memref<10112x128xf32, #tpu.memory_space<vmem_shared>>)
          %dma_start3A_155 = arith.constant 0 : i32
          %dma_start3A_156 = tpu.memref_slice %arg8[%add3A_143, %dma_start3A_155] : memref<40x128xi32, #tpu.memory_space<vmem>> -> memref<1x128xi32, #tpu.memory_space<vmem>>
          %dma_start3A_157 = tpu.memref_squeeze %dma_start3A_156 : memref<1x128xi32, #tpu.memory_space<vmem>> -> memref<128xi32, #tpu.memory_space<vmem>>
          %dma_start3A_158 = arith.constant 0 : i32
          %dma_start3A_159 = arith.constant 0 : i32
          %dma_start3A_160 = tpu.memref_slice %arg4[%dma_start3A_158, %dma_start3A_159] : memref<10000x128xf32, #tpu.memory_space<hbm>> -> memref<10000x128xf32, #tpu.memory_space<hbm>>
          tpu.enqueue_indirect_dma source(%dma_start3A_160 : memref<10000x128xf32, #tpu.memory_space<hbm>>) target(%arg11 : memref<128x128xf32, #tpu.memory_space<vmem>>) offsets(%dma_start3A_157 : memref<128xi32, #tpu.memory_space<vmem>>) semaphore(%arg14 : memref<!tpu.dma_semaphore, #tpu.memory_space<semaphore_mem>>)
        } else {
        }
      }
      %scan3A_80 = arith.constant 20 : i32
      %dma_wait3A_81 = arith.constant 38 : i32
      %dma_wait3A_82 = arith.constant 0 : i32
      %dma_wait3A_83 = tpu.memref_slice %arg9[%dma_wait3A_81, %dma_wait3A_82] : memref<40x128xi32, #tpu.memory_space<vmem>> -> memref<1x128xi32, #tpu.memory_space<vmem>>
      %dma_wait3A_84 = tpu.memref_squeeze %dma_wait3A_83 : memref<1x128xi32, #tpu.memory_space<vmem>> -> memref<128xi32, #tpu.memory_space<vmem>>
      %dma_wait3A_85 = arith.constant 0 : i32
      %dma_wait3A_86 = arith.constant 0 : i32
      %dma_wait3A_87 = tpu.memref_slice %arg12[%dma_wait3A_85, %dma_wait3A_86] : memref<10112x128xf32, #tpu.memory_space<vmem_shared>> -> memref<10112x128xf32, #tpu.memory_space<vmem_shared>>
      tpu.wait_indirect_dma semaphore(%arg15 : memref<!tpu.dma_semaphore, #tpu.memory_space<semaphore_mem>>) src(%arg10 : memref<128x128xf32, #tpu.memory_space<vmem>>) dst(%dma_wait3A_87 : memref<10112x128xf32, #tpu.memory_space<vmem_shared>>)
      %dma_wait3A_88 = arith.constant 39 : i32
      %dma_wait3A_89 = arith.constant 0 : i32
      %dma_wait3A_90 = tpu.memref_slice %arg9[%dma_wait3A_88, %dma_wait3A_89] : memref<40x128xi32, #tpu.memory_space<vmem>> -> memref<1x128xi32, #tpu.memory_space<vmem>>
      %dma_wait3A_91 = tpu.memref_squeeze %dma_wait3A_90 : memref<1x128xi32, #tpu.memory_space<vmem>> -> memref<128xi32, #tpu.memory_space<vmem>>
      %dma_wait3A_92 = arith.constant 0 : i32
      %dma_wait3A_93 = arith.constant 0 : i32
      %dma_wait3A_94 = tpu.memref_slice %arg12[%dma_wait3A_92, %dma_wait3A_93] : memref<10112x128xf32, #tpu.memory_space<vmem_shared>> -> memref<10112x128xf32, #tpu.memory_space<vmem_shared>>
      tpu.wait_indirect_dma semaphore(%arg16 : memref<!tpu.dma_semaphore, #tpu.memory_space<semaphore_mem>>) src(%arg11 : memref<128x128xf32, #tpu.memory_space<vmem>>) dst(%dma_wait3A_94 : memref<10112x128xf32, #tpu.memory_space<vmem_shared>>)
    } else {
    }
    %eq3A_48 = arith.constant 0 : i32
    %eq3A_49 = arith.cmpi eq, %arg0, %eq3A_48 : i32
    %convert_element_type3A_50 = arith.extui %eq3A_49 : i1 to i32
    %cond3A_51 = arith.constant 0 : i32
    %cond3A_52 = arith.cmpi ne, %convert_element_type3A_50, %cond3A_51 : i32
    scf.if %cond3A_52 {
      %add3A_59 = arith.constant 80 : i32
      %add3A_60 = arith.addi %select_n3A, %add3A_59 : i32
      "tpu.region"() ({
        %run_scoped3A = tpu.sem_alloc : memref<!tpu.dma_semaphore, #tpu.memory_space<semaphore_mem>>
        %dma_start3A_95 = arith.constant 0 : i32
        %dma_start3A_96 = tpu.memref_slice %arg2[%add3A_60, %dma_start3A_95] : memref<2560x128xi32, #tpu.memory_space<hbm>> -> memref<40x128xi32, #tpu.memory_space<hbm>>
        %dma_start3A_97 = arith.constant 0 : i32
        %dma_start3A_98 = tpu.memref_slice %arg2[%add3A_60, %dma_start3A_97] : memref<2560x128xi32, #tpu.memory_space<hbm>> -> memref<40x128xi32, #tpu.memory_space<hbm>>
        tpu.enqueue_dma source(%dma_start3A_98 : memref<40x128xi32, #tpu.memory_space<hbm>>) target(%arg8 : memref<40x128xi32, #tpu.memory_space<vmem>>) target_semaphore(%run_scoped3A : memref<!tpu.dma_semaphore, #tpu.memory_space<semaphore_mem>>)
        %dma_wait3A_99 = arith.constant 0 : i32
        %dma_wait3A_100 = tpu.memref_slice %arg2[%add3A_60, %dma_wait3A_99] : memref<2560x128xi32, #tpu.memory_space<hbm>> -> memref<40x128xi32, #tpu.memory_space<hbm>>
        %dma_wait3A_101 = arith.constant 0 : i32
        %dma_wait3A_102 = tpu.memref_slice %arg2[%add3A_60, %dma_wait3A_101] : memref<2560x128xi32, #tpu.memory_space<hbm>> -> memref<40x128xi32, #tpu.memory_space<hbm>>
        tpu.wait_dma2 semaphore(%run_scoped3A : memref<!tpu.dma_semaphore, #tpu.memory_space<semaphore_mem>>) src(%dma_wait3A_102 : memref<40x128xi32, #tpu.memory_space<hbm>>) dst(%arg8 : memref<40x128xi32, #tpu.memory_space<vmem>>)
        tpu.yield
      }) : () -> ()
      "tpu.region"() ({
        %run_scoped3A = tpu.sem_alloc : memref<!tpu.dma_semaphore, #tpu.memory_space<semaphore_mem>>
        %dma_start3A_95 = arith.constant 0 : i32
        %dma_start3A_96 = tpu.memref_slice %arg3[%add3A_60, %dma_start3A_95] : memref<2560x128xi32, #tpu.memory_space<hbm>> -> memref<40x128xi32, #tpu.memory_space<hbm>>
        %dma_start3A_97 = arith.constant 0 : i32
        %dma_start3A_98 = tpu.memref_slice %arg3[%add3A_60, %dma_start3A_97] : memref<2560x128xi32, #tpu.memory_space<hbm>> -> memref<40x128xi32, #tpu.memory_space<hbm>>
        tpu.enqueue_dma source(%dma_start3A_98 : memref<40x128xi32, #tpu.memory_space<hbm>>) target(%arg9 : memref<40x128xi32, #tpu.memory_space<vmem>>) target_semaphore(%run_scoped3A : memref<!tpu.dma_semaphore, #tpu.memory_space<semaphore_mem>>)
        %dma_wait3A_99 = arith.constant 0 : i32
        %dma_wait3A_100 = tpu.memref_slice %arg3[%add3A_60, %dma_wait3A_99] : memref<2560x128xi32, #tpu.memory_space<hbm>> -> memref<40x128xi32, #tpu.memory_space<hbm>>
        %dma_wait3A_101 = arith.constant 0 : i32
        %dma_wait3A_102 = tpu.memref_slice %arg3[%add3A_60, %dma_wait3A_101] : memref<2560x128xi32, #tpu.memory_space<hbm>> -> memref<40x128xi32, #tpu.memory_space<hbm>>
        tpu.wait_dma2 semaphore(%run_scoped3A : memref<!tpu.dma_semaphore, #tpu.memory_space<semaphore_mem>>) src(%dma_wait3A_102 : memref<40x128xi32, #tpu.memory_space<hbm>>) dst(%arg9 : memref<40x128xi32, #tpu.memory_space<vmem>>)
        tpu.yield
      }) : () -> ()
      %dma_start3A_61 = arith.constant 0 : i32
      %dma_start3A_62 = arith.constant 0 : i32
      %dma_start3A_63 = tpu.memref_slice %arg8[%dma_start3A_61, %dma_start3A_62] : memref<40x128xi32, #tpu.memory_space<vmem>> -> memref<1x128xi32, #tpu.memory_space<vmem>>
      %dma_start3A_64 = tpu.memref_squeeze %dma_start3A_63 : memref<1x128xi32, #tpu.memory_space<vmem>> -> memref<128xi32, #tpu.memory_space<vmem>>
      %dma_start3A_65 = arith.constant 0 : i32
      %dma_start3A_66 = arith.constant 0 : i32
      %dma_start3A_67 = tpu.memref_slice %arg4[%dma_start3A_65, %dma_start3A_66] : memref<10000x128xf32, #tpu.memory_space<hbm>> -> memref<10000x128xf32, #tpu.memory_space<hbm>>
      tpu.enqueue_indirect_dma source(%dma_start3A_67 : memref<10000x128xf32, #tpu.memory_space<hbm>>) target(%arg10 : memref<128x128xf32, #tpu.memory_space<vmem>>) offsets(%dma_start3A_64 : memref<128xi32, #tpu.memory_space<vmem>>) semaphore(%arg13 : memref<!tpu.dma_semaphore, #tpu.memory_space<semaphore_mem>>)
      %dma_start3A_68 = arith.constant 1 : i32
      %dma_start3A_69 = arith.constant 0 : i32
      %dma_start3A_70 = tpu.memref_slice %arg8[%dma_start3A_68, %dma_start3A_69] : memref<40x128xi32, #tpu.memory_space<vmem>> -> memref<1x128xi32, #tpu.memory_space<vmem>>
      %dma_start3A_71 = tpu.memref_squeeze %dma_start3A_70 : memref<1x128xi32, #tpu.memory_space<vmem>> -> memref<128xi32, #tpu.memory_space<vmem>>
      %dma_start3A_72 = arith.constant 0 : i32
      %dma_start3A_73 = arith.constant 0 : i32
      %dma_start3A_74 = tpu.memref_slice %arg4[%dma_start3A_72, %dma_start3A_73] : memref<10000x128xf32, #tpu.memory_space<hbm>> -> memref<10000x128xf32, #tpu.memory_space<hbm>>
      tpu.enqueue_indirect_dma source(%dma_start3A_74 : memref<10000x128xf32, #tpu.memory_space<hbm>>) target(%arg11 : memref<128x128xf32, #tpu.memory_space<vmem>>) offsets(%dma_start3A_71 : memref<128xi32, #tpu.memory_space<vmem>>) semaphore(%arg14 : memref<!tpu.dma_semaphore, #tpu.memory_space<semaphore_mem>>)
      %scan3A_75 = arith.constant 0 : i32
      %scan3A_76 = arith.constant 0 : i32
      %scan3A_77 = arith.constant 20 : i32
      %scan3A_78 = arith.addi %scan3A_76, %scan3A_77 : i32
      %scan3A_79 = arith.constant 1 : i32
      scf.for %scan3A_95 = %scan3A_76 to %scan3A_78 step %scan3A_79  : i32 {
        %mul3A_96 = arith.constant 2 : i32
        %mul3A_97 = arith.muli %mul3A_96, %scan3A_95 : i32
        %add3A_98 = arith.constant 0 : i32
        %add3A_99 = arith.addi %mul3A_97, %add3A_98 : i32
        %dma_wait3A_100 = arith.constant 0 : i32
        %dma_wait3A_101 = tpu.memref_slice %arg8[%add3A_99, %dma_wait3A_100] : memref<40x128xi32, #tpu.memory_space<vmem>> -> memref<1x128xi32, #tpu.memory_space<vmem>>
        %dma_wait3A_102 = tpu.memref_squeeze %dma_wait3A_101 : memref<1x128xi32, #tpu.memory_space<vmem>> -> memref<128xi32, #tpu.memory_space<vmem>>
        %dma_wait3A_103 = arith.constant 0 : i32
        %dma_wait3A_104 = arith.constant 0 : i32
        %dma_wait3A_105 = tpu.memref_slice %arg4[%dma_wait3A_103, %dma_wait3A_104] : memref<10000x128xf32, #tpu.memory_space<hbm>> -> memref<10000x128xf32, #tpu.memory_space<hbm>>
        tpu.wait_indirect_dma semaphore(%arg13 : memref<!tpu.dma_semaphore, #tpu.memory_space<semaphore_mem>>) src(%dma_wait3A_105 : memref<10000x128xf32, #tpu.memory_space<hbm>>) dst(%arg10 : memref<128x128xf32, #tpu.memory_space<vmem>>)
        %dma_start3A_106 = arith.constant 0 : i32
        %dma_start3A_107 = tpu.memref_slice %arg9[%add3A_99, %dma_start3A_106] : memref<40x128xi32, #tpu.memory_space<vmem>> -> memref<1x128xi32, #tpu.memory_space<vmem>>
        %dma_start3A_108 = tpu.memref_squeeze %dma_start3A_107 : memref<1x128xi32, #tpu.memory_space<vmem>> -> memref<128xi32, #tpu.memory_space<vmem>>
        %dma_start3A_109 = arith.constant 0 : i32
        %dma_start3A_110 = arith.constant 0 : i32
        %dma_start3A_111 = tpu.memref_slice %arg12[%dma_start3A_109, %dma_start3A_110] : memref<10112x128xf32, #tpu.memory_space<vmem_shared>> -> memref<10112x128xf32, #tpu.memory_space<vmem_shared>>
        tpu.enqueue_indirect_dma source(%arg10 : memref<128x128xf32, #tpu.memory_space<vmem>>) target(%dma_start3A_111 : memref<10112x128xf32, #tpu.memory_space<vmem_shared>>) offsets(%dma_start3A_108 : memref<128xi32, #tpu.memory_space<vmem>>) semaphore(%arg15 : memref<!tpu.dma_semaphore, #tpu.memory_space<semaphore_mem>>) {add = true}
        %mul3A_112 = arith.constant 2 : i32
        %mul3A_113 = arith.muli %mul3A_112, %scan3A_95 : i32
        %add3A_114 = arith.constant 1 : i32
        %add3A_115 = arith.addi %mul3A_113, %add3A_114 : i32
        %dma_wait3A_116 = arith.constant 0 : i32
        %dma_wait3A_117 = tpu.memref_slice %arg8[%add3A_115, %dma_wait3A_116] : memref<40x128xi32, #tpu.memory_space<vmem>> -> memref<1x128xi32, #tpu.memory_space<vmem>>
        %dma_wait3A_118 = tpu.memref_squeeze %dma_wait3A_117 : memref<1x128xi32, #tpu.memory_space<vmem>> -> memref<128xi32, #tpu.memory_space<vmem>>
        %dma_wait3A_119 = arith.constant 0 : i32
        %dma_wait3A_120 = arith.constant 0 : i32
        %dma_wait3A_121 = tpu.memref_slice %arg4[%dma_wait3A_119, %dma_wait3A_120] : memref<10000x128xf32, #tpu.memory_space<hbm>> -> memref<10000x128xf32, #tpu.memory_space<hbm>>
        tpu.wait_indirect_dma semaphore(%arg14 : memref<!tpu.dma_semaphore, #tpu.memory_space<semaphore_mem>>) src(%dma_wait3A_121 : memref<10000x128xf32, #tpu.memory_space<hbm>>) dst(%arg11 : memref<128x128xf32, #tpu.memory_space<vmem>>)
        %dma_start3A_122 = arith.constant 0 : i32
        %dma_start3A_123 = tpu.memref_slice %arg9[%add3A_115, %dma_start3A_122] : memref<40x128xi32, #tpu.memory_space<vmem>> -> memref<1x128xi32, #tpu.memory_space<vmem>>
        %dma_start3A_124 = tpu.memref_squeeze %dma_start3A_123 : memref<1x128xi32, #tpu.memory_space<vmem>> -> memref<128xi32, #tpu.memory_space<vmem>>
        %dma_start3A_125 = arith.constant 0 : i32
        %dma_start3A_126 = arith.constant 0 : i32
        %dma_start3A_127 = tpu.memref_slice %arg12[%dma_start3A_125, %dma_start3A_126] : memref<10112x128xf32, #tpu.memory_space<vmem_shared>> -> memref<10112x128xf32, #tpu.memory_space<vmem_shared>>
        tpu.enqueue_indirect_dma source(%arg11 : memref<128x128xf32, #tpu.memory_space<vmem>>) target(%dma_start3A_127 : memref<10112x128xf32, #tpu.memory_space<vmem_shared>>) offsets(%dma_start3A_124 : memref<128xi32, #tpu.memory_space<vmem>>) semaphore(%arg16 : memref<!tpu.dma_semaphore, #tpu.memory_space<semaphore_mem>>) {add = true}
        %mul3A_128 = arith.constant 2 : i32
        %mul3A_129 = arith.muli %mul3A_128, %scan3A_95 : i32
        %add3A_130 = arith.constant 0 : i32
        %add3A_131 = arith.addi %mul3A_129, %add3A_130 : i32
        %add3A_132 = arith.constant 2 : i32
        %add3A_133 = arith.addi %add3A_131, %add3A_132 : i32
        %lt3A = arith.constant 40 : i32
        %lt3A_134 = arith.cmpi slt, %add3A_133, %lt3A : i32
        %convert_element_type3A_135 = arith.extui %lt3A_134 : i1 to i32
        %cond3A_136 = arith.constant 0 : i32
        %cond3A_137 = arith.cmpi ne, %convert_element_type3A_135, %cond3A_136 : i32
        scf.if %cond3A_137 {
          %dma_wait3A_149 = arith.constant 0 : i32
          %dma_wait3A_150 = tpu.memref_slice %arg9[%add3A_99, %dma_wait3A_149] : memref<40x128xi32, #tpu.memory_space<vmem>> -> memref<1x128xi32, #tpu.memory_space<vmem>>
          %dma_wait3A_151 = tpu.memref_squeeze %dma_wait3A_150 : memref<1x128xi32, #tpu.memory_space<vmem>> -> memref<128xi32, #tpu.memory_space<vmem>>
          %dma_wait3A_152 = arith.constant 0 : i32
          %dma_wait3A_153 = arith.constant 0 : i32
          %dma_wait3A_154 = tpu.memref_slice %arg12[%dma_wait3A_152, %dma_wait3A_153] : memref<10112x128xf32, #tpu.memory_space<vmem_shared>> -> memref<10112x128xf32, #tpu.memory_space<vmem_shared>>
          tpu.wait_indirect_dma semaphore(%arg15 : memref<!tpu.dma_semaphore, #tpu.memory_space<semaphore_mem>>) src(%arg10 : memref<128x128xf32, #tpu.memory_space<vmem>>) dst(%dma_wait3A_154 : memref<10112x128xf32, #tpu.memory_space<vmem_shared>>)
          %dma_start3A_155 = arith.constant 0 : i32
          %dma_start3A_156 = tpu.memref_slice %arg8[%add3A_133, %dma_start3A_155] : memref<40x128xi32, #tpu.memory_space<vmem>> -> memref<1x128xi32, #tpu.memory_space<vmem>>
          %dma_start3A_157 = tpu.memref_squeeze %dma_start3A_156 : memref<1x128xi32, #tpu.memory_space<vmem>> -> memref<128xi32, #tpu.memory_space<vmem>>
          %dma_start3A_158 = arith.constant 0 : i32
          %dma_start3A_159 = arith.constant 0 : i32
          %dma_start3A_160 = tpu.memref_slice %arg4[%dma_start3A_158, %dma_start3A_159] : memref<10000x128xf32, #tpu.memory_space<hbm>> -> memref<10000x128xf32, #tpu.memory_space<hbm>>
          tpu.enqueue_indirect_dma source(%dma_start3A_160 : memref<10000x128xf32, #tpu.memory_space<hbm>>) target(%arg10 : memref<128x128xf32, #tpu.memory_space<vmem>>) offsets(%dma_start3A_157 : memref<128xi32, #tpu.memory_space<vmem>>) semaphore(%arg13 : memref<!tpu.dma_semaphore, #tpu.memory_space<semaphore_mem>>)
        } else {
        }
        %mul3A_138 = arith.constant 2 : i32
        %mul3A_139 = arith.muli %mul3A_138, %scan3A_95 : i32
        %add3A_140 = arith.constant 1 : i32
        %add3A_141 = arith.addi %mul3A_139, %add3A_140 : i32
        %add3A_142 = arith.constant 2 : i32
        %add3A_143 = arith.addi %add3A_141, %add3A_142 : i32
        %lt3A_144 = arith.constant 40 : i32
        %lt3A_145 = arith.cmpi slt, %add3A_143, %lt3A_144 : i32
        %convert_element_type3A_146 = arith.extui %lt3A_145 : i1 to i32
        %cond3A_147 = arith.constant 0 : i32
        %cond3A_148 = arith.cmpi ne, %convert_element_type3A_146, %cond3A_147 : i32
        scf.if %cond3A_148 {
          %dma_wait3A_149 = arith.constant 0 : i32
          %dma_wait3A_150 = tpu.memref_slice %arg9[%add3A_115, %dma_wait3A_149] : memref<40x128xi32, #tpu.memory_space<vmem>> -> memref<1x128xi32, #tpu.memory_space<vmem>>
          %dma_wait3A_151 = tpu.memref_squeeze %dma_wait3A_150 : memref<1x128xi32, #tpu.memory_space<vmem>> -> memref<128xi32, #tpu.memory_space<vmem>>
          %dma_wait3A_152 = arith.constant 0 : i32
          %dma_wait3A_153 = arith.constant 0 : i32
          %dma_wait3A_154 = tpu.memref_slice %arg12[%dma_wait3A_152, %dma_wait3A_153] : memref<10112x128xf32, #tpu.memory_space<vmem_shared>> -> memref<10112x128xf32, #tpu.memory_space<vmem_shared>>
          tpu.wait_indirect_dma semaphore(%arg16 : memref<!tpu.dma_semaphore, #tpu.memory_space<semaphore_mem>>) src(%arg11 : memref<128x128xf32, #tpu.memory_space<vmem>>) dst(%dma_wait3A_154 : memref<10112x128xf32, #tpu.memory_space<vmem_shared>>)
          %dma_start3A_155 = arith.constant 0 : i32
          %dma_start3A_156 = tpu.memref_slice %arg8[%add3A_143, %dma_start3A_155] : memref<40x128xi32, #tpu.memory_space<vmem>> -> memref<1x128xi32, #tpu.memory_space<vmem>>
          %dma_start3A_157 = tpu.memref_squeeze %dma_start3A_156 : memref<1x128xi32, #tpu.memory_space<vmem>> -> memref<128xi32, #tpu.memory_space<vmem>>
          %dma_start3A_158 = arith.constant 0 : i32
          %dma_start3A_159 = arith.constant 0 : i32
          %dma_start3A_160 = tpu.memref_slice %arg4[%dma_start3A_158, %dma_start3A_159] : memref<10000x128xf32, #tpu.memory_space<hbm>> -> memref<10000x128xf32, #tpu.memory_space<hbm>>
          tpu.enqueue_indirect_dma source(%dma_start3A_160 : memref<10000x128xf32, #tpu.memory_space<hbm>>) target(%arg11 : memref<128x128xf32, #tpu.memory_space<vmem>>) offsets(%dma_start3A_157 : memref<128xi32, #tpu.memory_space<vmem>>) semaphore(%arg14 : memref<!tpu.dma_semaphore, #tpu.memory_space<semaphore_mem>>)
        } else {
        }
      }
      %scan3A_80 = arith.constant 20 : i32
      %dma_wait3A_81 = arith.constant 38 : i32
      %dma_wait3A_82 = arith.constant 0 : i32
      %dma_wait3A_83 = tpu.memref_slice %arg9[%dma_wait3A_81, %dma_wait3A_82] : memref<40x128xi32, #tpu.memory_space<vmem>> -> memref<1x128xi32, #tpu.memory_space<vmem>>
      %dma_wait3A_84 = tpu.memref_squeeze %dma_wait3A_83 : memref<1x128xi32, #tpu.memory_space<vmem>> -> memref<128xi32, #tpu.memory_space<vmem>>
      %dma_wait3A_85 = arith.constant 0 : i32
      %dma_wait3A_86 = arith.constant 0 : i32
      %dma_wait3A_87 = tpu.memref_slice %arg12[%dma_wait3A_85, %dma_wait3A_86] : memref<10112x128xf32, #tpu.memory_space<vmem_shared>> -> memref<10112x128xf32, #tpu.memory_space<vmem_shared>>
      tpu.wait_indirect_dma semaphore(%arg15 : memref<!tpu.dma_semaphore, #tpu.memory_space<semaphore_mem>>) src(%arg10 : memref<128x128xf32, #tpu.memory_space<vmem>>) dst(%dma_wait3A_87 : memref<10112x128xf32, #tpu.memory_space<vmem_shared>>)
      %dma_wait3A_88 = arith.constant 39 : i32
      %dma_wait3A_89 = arith.constant 0 : i32
      %dma_wait3A_90 = tpu.memref_slice %arg9[%dma_wait3A_88, %dma_wait3A_89] : memref<40x128xi32, #tpu.memory_space<vmem>> -> memref<1x128xi32, #tpu.memory_space<vmem>>
      %dma_wait3A_91 = tpu.memref_squeeze %dma_wait3A_90 : memref<1x128xi32, #tpu.memory_space<vmem>> -> memref<128xi32, #tpu.memory_space<vmem>>
      %dma_wait3A_92 = arith.constant 0 : i32
      %dma_wait3A_93 = arith.constant 0 : i32
      %dma_wait3A_94 = tpu.memref_slice %arg12[%dma_wait3A_92, %dma_wait3A_93] : memref<10112x128xf32, #tpu.memory_space<vmem_shared>> -> memref<10112x128xf32, #tpu.memory_space<vmem_shared>>
      tpu.wait_indirect_dma semaphore(%arg16 : memref<!tpu.dma_semaphore, #tpu.memory_space<semaphore_mem>>) src(%arg11 : memref<128x128xf32, #tpu.memory_space<vmem>>) dst(%dma_wait3A_94 : memref<10112x128xf32, #tpu.memory_space<vmem_shared>>)
    } else {
    }
    "tpu.trace_stop"() : () -> ()
    %barrier3A_53 = arith.constant 0 : index
    tpu.barrier barrier_id(%barrier3A_53)
    %mul3A_54 = arith.constant 20224 : i32
    %mul3A_55 = arith.muli %mul3A_54, %arg0 : i32
    %mul3A_56 = arith.constant 632 : i32
    %mul3A_57 = arith.muli %arg1, %mul3A_56 : i32
    %add3A_58 = arith.addi %mul3A_55, %mul3A_57 : i32
    "tpu.region"() ({
      %run_scoped3A = tpu.sem_alloc : memref<!tpu.dma_semaphore, #tpu.memory_space<semaphore_mem>>
      %dma_start3A_59 = arith.constant 0 : i32
      %dma_start3A_60 = tpu.memref_slice %arg7[%add3A_58, %dma_start3A_59] : memref<30336x128xf32, #tpu.memory_space<hbm>> -> memref<632x128xf32, #tpu.memory_space<hbm>>
      %dma_start3A_61 = arith.constant 0 : i32
      %dma_start3A_62 = tpu.memref_slice %arg12[%mul3A_0, %dma_start3A_61] : memref<10112x128xf32, #tpu.memory_space<vmem_shared>> -> memref<632x128xf32, #tpu.memory_space<vmem_shared>>
      tpu.enqueue_dma source(%dma_start3A_62 : memref<632x128xf32, #tpu.memory_space<vmem_shared>>) target(%dma_start3A_60 : memref<632x128xf32, #tpu.memory_space<hbm>>) target_semaphore(%run_scoped3A : memref<!tpu.dma_semaphore, #tpu.memory_space<semaphore_mem>>)
      %dma_wait3A_63 = arith.constant 0 : i32
      %dma_wait3A_64 = tpu.memref_slice %arg7[%add3A_58, %dma_wait3A_63] : memref<30336x128xf32, #tpu.memory_space<hbm>> -> memref<632x128xf32, #tpu.memory_space<hbm>>
      %dma_wait3A_65 = arith.constant 0 : i32
      %dma_wait3A_66 = tpu.memref_slice %arg12[%mul3A_0, %dma_wait3A_65] : memref<10112x128xf32, #tpu.memory_space<vmem_shared>> -> memref<632x128xf32, #tpu.memory_space<vmem_shared>>
      tpu.wait_dma2 semaphore(%run_scoped3A : memref<!tpu.dma_semaphore, #tpu.memory_space<semaphore_mem>>) src(%dma_wait3A_66 : memref<632x128xf32, #tpu.memory_space<vmem_shared>>) dst(%dma_wait3A_64 : memref<632x128xf32, #tpu.memory_space<hbm>>)
      tpu.yield
    }) : () -> ()
    return
  }
}

module attributes {stable_mosaic.version = 14 : i64} {
  func.func @_pre_body(%arg0: i32, %arg1: memref<1000x128xf32, #tpu.memory_space<vmem>>, %arg2: memref<128x128xf32, #tpu.memory_space<vmem>>, %arg3: memref<128x128xf32, #tpu.memory_space<vmem>>, %arg4: memref<1x128xf32, #tpu.memory_space<vmem>>, %arg5: memref<128x128xf32, #tpu.memory_space<vmem>>, %arg6: memref<1x128xf32, #tpu.memory_space<vmem>>, %arg7: memref<128x1xf32, #tpu.memory_space<vmem>>, %arg8: memref<1x1xf32, #tpu.memory_space<vmem>>, %arg9: memref<1000x128xf32, #tpu.memory_space<vmem>>, %arg10: memref<1000x128xf32, #tpu.memory_space<vmem>>) attributes {dimension_semantics = [#tpu.dimension_semantics<arbitrary>], iteration_bounds = array<i64: 10>, scalar_prefetch = 0 : i64, scratch_operands = 0 : i64, tpu.core_type = #tpu.core_type<tc>, window_params = [{transform_indices = @transform_0, window_bounds = array<i64: 1000, 128>}, {pipeline_mode = #tpu.pipeline_mode<synchronous>, transform_indices = @transform_1, window_bounds = array<i64: 128, 128>}, {pipeline_mode = #tpu.pipeline_mode<synchronous>, transform_indices = @transform_2, window_bounds = array<i64: 128, 128>}, {pipeline_mode = #tpu.pipeline_mode<synchronous>, transform_indices = @transform_3, window_bounds = array<i64: 1, 128>}, {pipeline_mode = #tpu.pipeline_mode<synchronous>, transform_indices = @transform_4, window_bounds = array<i64: 128, 128>}, {pipeline_mode = #tpu.pipeline_mode<synchronous>, transform_indices = @transform_5, window_bounds = array<i64: 1, 128>}, {pipeline_mode = #tpu.pipeline_mode<synchronous>, transform_indices = @transform_6, window_bounds = array<i64: 128, 1>}, {pipeline_mode = #tpu.pipeline_mode<synchronous>, transform_indices = @transform_7, window_bounds = array<i64: 1, 1>}, {transform_indices = @transform_8, window_bounds = array<i64: 1000, 128>}, {transform_indices = @transform_9, window_bounds = array<i64: 1000, 128>}]} {
    %get3A = arith.constant 0 : index
    %get3A_0 = arith.constant 0 : index
    %get3A_1 = vector.load %arg1[%get3A, %get3A_0] : memref<1000x128xf32, #tpu.memory_space<vmem>>, vector<1000x128xf32>
    %get3A_2 = arith.constant 0 : index
    %get3A_3 = arith.constant 0 : index
    %get3A_4 = vector.load %arg4[%get3A_2, %get3A_3] : memref<1x128xf32, #tpu.memory_space<vmem>>, vector<1x128xf32>
    %get3A_5 = arith.constant 0 : index
    %get3A_6 = arith.constant 0 : index
    %get3A_7 = vector.load %arg5[%get3A_5, %get3A_6] : memref<128x128xf32, #tpu.memory_space<vmem>>, vector<128x128xf32>
    %get3A_8 = arith.constant 0 : index
    %get3A_9 = arith.constant 0 : index
    %get3A_10 = vector.load %arg6[%get3A_8, %get3A_9] : memref<1x128xf32, #tpu.memory_space<vmem>>, vector<1x128xf32>
    %get3A_11 = arith.constant 0 : index
    %get3A_12 = arith.constant 0 : index
    %get3A_13 = vector.load %arg7[%get3A_11, %get3A_12] : memref<128x1xf32, #tpu.memory_space<vmem>>, vector<128x1xf32>
    %get3A_14 = arith.constant 0 : index
    %get3A_15 = arith.constant 0 : index
    %get3A_16 = vector.load %arg8[%get3A_14, %get3A_15] : memref<1x1xf32, #tpu.memory_space<vmem>>, vector<1x1xf32>
    %get3A_17 = arith.constant 0 : index
    %get3A_18 = arith.constant 0 : index
    %get3A_19 = vector.load %arg2[%get3A_17, %get3A_18] : memref<128x128xf32, #tpu.memory_space<vmem>>, vector<128x128xf32>
    %dot_general3A = arith.constant dense<0.000000e+00> : vector<1000x128xf32>
    %dot_general3A_20 = tpu.matmul %get3A_1, %get3A_19, %dot_general3A {dimension_numbers = #tpu.dot_dimension_numbers<[1], [0], [0], [1], [0, 0, 1, 1], [], []>, transpose_lhs_hint = false} : vector<1000x128xf32>, vector<128x128xf32>, vector<1000x128xf32> -> vector<1000x128xf32>
    %add3A = vector.broadcast %get3A_4 : vector<1x128xf32> to vector<1000x128xf32>
    %add3A_21 = arith.addf %dot_general3A_20, %add3A : vector<1000x128xf32>
    %max3A = arith.constant 0.000000e+00 : f32
    %max3A_22 = vector.broadcast %max3A : f32 to vector<1000x128xf32>
    %max3A_23 = arith.maximumf %add3A_21, %max3A_22 : vector<1000x128xf32>
    %dot_general3A_24 = arith.constant dense<0.000000e+00> : vector<1000x128xf32>
    %dot_general3A_25 = tpu.matmul %max3A_23, %get3A_7, %dot_general3A_24 {dimension_numbers = #tpu.dot_dimension_numbers<[1], [0], [0], [1], [0, 0, 1, 1], [], []>, transpose_lhs_hint = false} : vector<1000x128xf32>, vector<128x128xf32>, vector<1000x128xf32> -> vector<1000x128xf32>
    %add3A_26 = vector.broadcast %get3A_10 : vector<1x128xf32> to vector<1000x128xf32>
    %add3A_27 = arith.addf %dot_general3A_25, %add3A_26 : vector<1000x128xf32>
    %get3A_28 = arith.constant 0 : index
    %get3A_29 = arith.constant 0 : index
    %get3A_30 = vector.load %arg3[%get3A_28, %get3A_29] : memref<128x128xf32, #tpu.memory_space<vmem>>, vector<128x128xf32>
    %dot_general3A_31 = arith.constant dense<0.000000e+00> : vector<1000x128xf32>
    %dot_general3A_32 = tpu.matmul %get3A_1, %get3A_30, %dot_general3A_31 {dimension_numbers = #tpu.dot_dimension_numbers<[1], [0], [0], [1], [0, 0, 1, 1], [], []>, transpose_lhs_hint = false} : vector<1000x128xf32>, vector<128x128xf32>, vector<1000x128xf32> -> vector<1000x128xf32>
    %add3A_33 = vector.broadcast %get3A_4 : vector<1x128xf32> to vector<1000x128xf32>
    %add3A_34 = arith.addf %dot_general3A_32, %add3A_33 : vector<1000x128xf32>
    %max3A_35 = arith.constant 0.000000e+00 : f32
    %max3A_36 = vector.broadcast %max3A_35 : f32 to vector<1000x128xf32>
    %max3A_37 = arith.maximumf %add3A_34, %max3A_36 : vector<1000x128xf32>
    %dot_general3A_38 = arith.constant dense<0.000000e+00> : vector<1000x128xf32>
    %dot_general3A_39 = tpu.matmul %max3A_37, %get3A_7, %dot_general3A_38 {dimension_numbers = #tpu.dot_dimension_numbers<[1], [0], [0], [1], [0, 0, 1, 1], [], []>, transpose_lhs_hint = false} : vector<1000x128xf32>, vector<128x128xf32>, vector<1000x128xf32> -> vector<1000x128xf32>
    %add3A_40 = vector.broadcast %get3A_10 : vector<1x128xf32> to vector<1000x128xf32>
    %add3A_41 = arith.addf %dot_general3A_39, %add3A_40 : vector<1000x128xf32>
    %dot_general3A_42 = arith.constant dense<0.000000e+00> : vector<1000x1xf32>
    %dot_general3A_43 = tpu.matmul %add3A_27, %get3A_13, %dot_general3A_42 {dimension_numbers = #tpu.dot_dimension_numbers<[1], [0], [0], [1], [0, 0, 1, 1], [], []>, transpose_lhs_hint = false} : vector<1000x128xf32>, vector<128x1xf32>, vector<1000x1xf32> -> vector<1000x1xf32>
    %add3A_44 = vector.broadcast %get3A_16 : vector<1x1xf32> to vector<1000x1xf32>
    %add3A_45 = arith.addf %dot_general3A_43, %add3A_44 : vector<1000x1xf32>
    %logistic3A = arith.negf %add3A_45 : vector<1000x1xf32>
    %logistic3A_46 = math.exp %logistic3A : vector<1000x1xf32>
    %logistic3A_47 = arith.constant 1.000000e+00 : f32
    %logistic3A_48 = vector.broadcast %logistic3A_47 : f32 to vector<1000x1xf32>
    %logistic3A_49 = arith.addf %logistic3A_48, %logistic3A_46 : vector<1000x1xf32>
    %logistic3A_50 = arith.divf %logistic3A_48, %logistic3A_49 : vector<1000x1xf32>
    %dot_general3A_51 = arith.constant dense<0.000000e+00> : vector<1000x1xf32>
    %dot_general3A_52 = tpu.matmul %add3A_41, %get3A_13, %dot_general3A_51 {dimension_numbers = #tpu.dot_dimension_numbers<[1], [0], [0], [1], [0, 0, 1, 1], [], []>, transpose_lhs_hint = false} : vector<1000x128xf32>, vector<128x1xf32>, vector<1000x1xf32> -> vector<1000x1xf32>
    %add3A_53 = vector.broadcast %get3A_16 : vector<1x1xf32> to vector<1000x1xf32>
    %add3A_54 = arith.addf %dot_general3A_52, %add3A_53 : vector<1000x1xf32>
    %logistic3A_55 = arith.negf %add3A_54 : vector<1000x1xf32>
    %logistic3A_56 = math.exp %logistic3A_55 : vector<1000x1xf32>
    %logistic3A_57 = arith.constant 1.000000e+00 : f32
    %logistic3A_58 = vector.broadcast %logistic3A_57 : f32 to vector<1000x1xf32>
    %logistic3A_59 = arith.addf %logistic3A_58, %logistic3A_56 : vector<1000x1xf32>
    %logistic3A_60 = arith.divf %logistic3A_58, %logistic3A_59 : vector<1000x1xf32>
    %mul3A = vector.broadcast %logistic3A_50 : vector<1000x1xf32> to vector<1000x128xf32>
    %mul3A_61 = arith.mulf %add3A_27, %mul3A : vector<1000x128xf32>
    %swap3A = arith.constant 0 : index
    %swap3A_62 = arith.constant 0 : index
    %swap3A_63 = vector.load %arg9[%swap3A, %swap3A_62] : memref<1000x128xf32, #tpu.memory_space<vmem>>, vector<1000x128xf32>
    tpu.vector_store %arg9[%swap3A, %swap3A_62], %mul3A_61 {strides = array<i32>} : memref<1000x128xf32, #tpu.memory_space<vmem>>, vector<1000x128xf32>,
    %mul3A_64 = vector.broadcast %logistic3A_60 : vector<1000x1xf32> to vector<1000x128xf32>
    %mul3A_65 = arith.mulf %add3A_41, %mul3A_64 : vector<1000x128xf32>
    %swap3A_66 = arith.constant 0 : index
    %swap3A_67 = arith.constant 0 : index
    %swap3A_68 = vector.load %arg10[%swap3A_66, %swap3A_67] : memref<1000x128xf32, #tpu.memory_space<vmem>>, vector<1000x128xf32>
    tpu.vector_store %arg10[%swap3A_66, %swap3A_67], %mul3A_65 {strides = array<i32>} : memref<1000x128xf32, #tpu.memory_space<vmem>>, vector<1000x128xf32>,
    return
  }
  func.func @transform_0(%arg0: i32) -> (i32, i32) {
    %c0_i32 = arith.constant 0 : i32
    %c0_i32_0 = arith.constant 0 : i32
    return %arg0, %c0_i32 : i32, i32
  }
  func.func @transform_1(%arg0: i32) -> (i32, i32) {
    %c0_i32 = arith.constant 0 : i32
    %c0_i32_0 = arith.constant 0 : i32
    %c0_i32_1 = arith.constant 0 : i32
    return %c0_i32, %c0_i32_0 : i32, i32
  }
  func.func @transform_2(%arg0: i32) -> (i32, i32) {
    %c0_i32 = arith.constant 0 : i32
    %c0_i32_0 = arith.constant 0 : i32
    %c0_i32_1 = arith.constant 0 : i32
    return %c0_i32, %c0_i32_0 : i32, i32
  }
  func.func @transform_3(%arg0: i32) -> (i32, i32) {
    %c0_i32 = arith.constant 0 : i32
    %c0_i32_0 = arith.constant 0 : i32
    %c0_i32_1 = arith.constant 0 : i32
    return %c0_i32, %c0_i32_0 : i32, i32
  }
  func.func @transform_4(%arg0: i32) -> (i32, i32) {
    %c0_i32 = arith.constant 0 : i32
    %c0_i32_0 = arith.constant 0 : i32
    %c0_i32_1 = arith.constant 0 : i32
    return %c0_i32, %c0_i32_0 : i32, i32
  }
  func.func @transform_5(%arg0: i32) -> (i32, i32) {
    %c0_i32 = arith.constant 0 : i32
    %c0_i32_0 = arith.constant 0 : i32
    %c0_i32_1 = arith.constant 0 : i32
    return %c0_i32, %c0_i32_0 : i32, i32
  }
  func.func @transform_6(%arg0: i32) -> (i32, i32) {
    %c0_i32 = arith.constant 0 : i32
    %c0_i32_0 = arith.constant 0 : i32
    %c0_i32_1 = arith.constant 0 : i32
    return %c0_i32, %c0_i32_0 : i32, i32
  }
  func.func @transform_7(%arg0: i32) -> (i32, i32) {
    %c0_i32 = arith.constant 0 : i32
    %c0_i32_0 = arith.constant 0 : i32
    %c0_i32_1 = arith.constant 0 : i32
    return %c0_i32, %c0_i32_0 : i32, i32
  }
  func.func @transform_8(%arg0: i32) -> (i32, i32) {
    %c0_i32 = arith.constant 0 : i32
    %c0_i32_0 = arith.constant 0 : i32
    return %arg0, %c0_i32 : i32, i32
  }
  func.func @transform_9(%arg0: i32) -> (i32, i32) {
    %c0_i32 = arith.constant 0 : i32
    %c0_i32_0 = arith.constant 0 : i32
    return %arg0, %c0_i32 : i32, i32
  }
}

module attributes {stable_mosaic.version = 14 : i64} {
  func.func @_post_body(%arg0: i32, %arg1: memref<1000x128xf32, #tpu.memory_space<vmem>>, %arg2: memref<1000x128xf32, #tpu.memory_space<vmem>>, %arg3: memref<1000x128xf32, #tpu.memory_space<vmem>>, %arg4: memref<1000x128xf32, #tpu.memory_space<vmem>>, %arg5: memref<1000x128xf32, #tpu.memory_space<vmem>>, %arg6: memref<128x128xf32, #tpu.memory_space<vmem>>, %arg7: memref<128x128xf32, #tpu.memory_space<vmem>>, %arg8: memref<1x128xf32, #tpu.memory_space<vmem>>, %arg9: memref<128x128xf32, #tpu.memory_space<vmem>>, %arg10: memref<1x128xf32, #tpu.memory_space<vmem>>, %arg11: memref<1000x3x128xf32, #tpu.memory_space<vmem>>) attributes {dimension_semantics = [#tpu.dimension_semantics<arbitrary>], iteration_bounds = array<i64: 10>, scalar_prefetch = 0 : i64, scratch_operands = 0 : i64, tpu.core_type = #tpu.core_type<tc>, window_params = [{transform_indices = @transform_0, window_bounds = array<i64: 1000, 128>}, {transform_indices = @transform_1, window_bounds = array<i64: 1000, 128>}, {transform_indices = @transform_2, window_bounds = array<i64: 1000, 128>}, {transform_indices = @transform_3, window_bounds = array<i64: 1000, 128>}, {transform_indices = @transform_4, window_bounds = array<i64: 1000, 128>}, {pipeline_mode = #tpu.pipeline_mode<synchronous>, transform_indices = @transform_5, window_bounds = array<i64: 128, 128>}, {pipeline_mode = #tpu.pipeline_mode<synchronous>, transform_indices = @transform_6, window_bounds = array<i64: 128, 128>}, {pipeline_mode = #tpu.pipeline_mode<synchronous>, transform_indices = @transform_7, window_bounds = array<i64: 1, 128>}, {pipeline_mode = #tpu.pipeline_mode<synchronous>, transform_indices = @transform_8, window_bounds = array<i64: 128, 128>}, {pipeline_mode = #tpu.pipeline_mode<synchronous>, transform_indices = @transform_9, window_bounds = array<i64: 1, 128>}, {transform_indices = @transform_10, window_bounds = array<i64: 1000, 3, 128>}]} {
    %get3A = arith.constant 0 : index
    %get3A_0 = arith.constant 0 : index
    %get3A_1 = vector.load %arg1[%get3A, %get3A_0] : memref<1000x128xf32, #tpu.memory_space<vmem>>, vector<1000x128xf32>
    %get3A_2 = arith.constant 0 : index
    %get3A_3 = arith.constant 0 : index
    %get3A_4 = vector.load %arg8[%get3A_2, %get3A_3] : memref<1x128xf32, #tpu.memory_space<vmem>>, vector<1x128xf32>
    %get3A_5 = arith.constant 0 : index
    %get3A_6 = arith.constant 0 : index
    %get3A_7 = vector.load %arg9[%get3A_5, %get3A_6] : memref<128x128xf32, #tpu.memory_space<vmem>>, vector<128x128xf32>
    %get3A_8 = arith.constant 0 : index
    %get3A_9 = arith.constant 0 : index
    %get3A_10 = vector.load %arg10[%get3A_8, %get3A_9] : memref<1x128xf32, #tpu.memory_space<vmem>>, vector<1x128xf32>
    %get3A_11 = arith.constant 0 : index
    %get3A_12 = arith.constant 0 : index
    %get3A_13 = vector.load %arg3[%get3A_11, %get3A_12] : memref<1000x128xf32, #tpu.memory_space<vmem>>, vector<1000x128xf32>
    %get3A_14 = arith.constant 0 : index
    %get3A_15 = arith.constant 0 : index
    %get3A_16 = vector.load %arg4[%get3A_14, %get3A_15] : memref<1000x128xf32, #tpu.memory_space<vmem>>, vector<1000x128xf32>
    %add3A = arith.addf %get3A_13, %get3A_16 : vector<1000x128xf32>
    %get3A_17 = arith.constant 0 : index
    %get3A_18 = arith.constant 0 : index
    %get3A_19 = vector.load %arg2[%get3A_17, %get3A_18] : memref<1000x128xf32, #tpu.memory_space<vmem>>, vector<1000x128xf32>
    %get3A_20 = arith.constant 0 : index
    %get3A_21 = arith.constant 0 : index
    %get3A_22 = vector.load %arg5[%get3A_20, %get3A_21] : memref<1000x128xf32, #tpu.memory_space<vmem>>, vector<1000x128xf32>
    %slice3A = vector.extract_strided_slice %get3A_22 {offsets = [0, 0], sizes = [1000, 1], strides = [1, 1]} : vector<1000x128xf32> to vector<1000x1xf32>
    %mul3A = vector.broadcast %slice3A : vector<1000x1xf32> to vector<1000x128xf32>
    %mul3A_23 = arith.mulf %get3A_19, %mul3A : vector<1000x128xf32>
    %get3A_24 = arith.constant 0 : index
    %get3A_25 = arith.constant 0 : index
    %get3A_26 = vector.load %arg6[%get3A_24, %get3A_25] : memref<128x128xf32, #tpu.memory_space<vmem>>, vector<128x128xf32>
    %dot_general3A = arith.constant dense<0.000000e+00> : vector<1000x128xf32>
    %dot_general3A_27 = tpu.matmul %mul3A_23, %get3A_26, %dot_general3A {dimension_numbers = #tpu.dot_dimension_numbers<[1], [0], [0], [1], [0, 0, 1, 1], [], []>, transpose_lhs_hint = false} : vector<1000x128xf32>, vector<128x128xf32>, vector<1000x128xf32> -> vector<1000x128xf32>
    %add3A_28 = vector.broadcast %get3A_4 : vector<1x128xf32> to vector<1000x128xf32>
    %add3A_29 = arith.addf %dot_general3A_27, %add3A_28 : vector<1000x128xf32>
    %max3A = arith.constant 0.000000e+00 : f32
    %max3A_30 = vector.broadcast %max3A : f32 to vector<1000x128xf32>
    %max3A_31 = arith.maximumf %add3A_29, %max3A_30 : vector<1000x128xf32>
    %dot_general3A_32 = arith.constant dense<0.000000e+00> : vector<1000x128xf32>
    %dot_general3A_33 = tpu.matmul %max3A_31, %get3A_7, %dot_general3A_32 {dimension_numbers = #tpu.dot_dimension_numbers<[1], [0], [0], [1], [0, 0, 1, 1], [], []>, transpose_lhs_hint = false} : vector<1000x128xf32>, vector<128x128xf32>, vector<1000x128xf32> -> vector<1000x128xf32>
    %add3A_34 = vector.broadcast %get3A_10 : vector<1x128xf32> to vector<1000x128xf32>
    %add3A_35 = arith.addf %dot_general3A_33, %add3A_34 : vector<1000x128xf32>
    %add3A_36 = arith.addf %get3A_1, %add3A_35 : vector<1000x128xf32>
    %get3A_37 = arith.constant 0 : index
    %get3A_38 = arith.constant 0 : index
    %get3A_39 = vector.load %arg6[%get3A_37, %get3A_38] : memref<128x128xf32, #tpu.memory_space<vmem>>, vector<128x128xf32>
    %dot_general3A_40 = arith.constant dense<0.000000e+00> : vector<1000x128xf32>
    %dot_general3A_41 = tpu.matmul %add3A, %get3A_39, %dot_general3A_40 {dimension_numbers = #tpu.dot_dimension_numbers<[1], [0], [0], [1], [0, 0, 1, 1], [], []>, transpose_lhs_hint = false} : vector<1000x128xf32>, vector<128x128xf32>, vector<1000x128xf32> -> vector<1000x128xf32>
    %add3A_42 = vector.broadcast %get3A_4 : vector<1x128xf32> to vector<1000x128xf32>
    %add3A_43 = arith.addf %dot_general3A_41, %add3A_42 : vector<1000x128xf32>
    %max3A_44 = arith.constant 0.000000e+00 : f32
    %max3A_45 = vector.broadcast %max3A_44 : f32 to vector<1000x128xf32>
    %max3A_46 = arith.maximumf %add3A_43, %max3A_45 : vector<1000x128xf32>
    %dot_general3A_47 = arith.constant dense<0.000000e+00> : vector<1000x128xf32>
    %dot_general3A_48 = tpu.matmul %max3A_46, %get3A_7, %dot_general3A_47 {dimension_numbers = #tpu.dot_dimension_numbers<[1], [0], [0], [1], [0, 0, 1, 1], [], []>, transpose_lhs_hint = false} : vector<1000x128xf32>, vector<128x128xf32>, vector<1000x128xf32> -> vector<1000x128xf32>
    %add3A_49 = vector.broadcast %get3A_10 : vector<1x128xf32> to vector<1000x128xf32>
    %add3A_50 = arith.addf %dot_general3A_48, %add3A_49 : vector<1000x128xf32>
    %add3A_51 = arith.addf %get3A_1, %add3A_50 : vector<1000x128xf32>
    %get3A_52 = arith.constant 0 : index
    %get3A_53 = arith.constant 0 : index
    %get3A_54 = vector.load %arg7[%get3A_52, %get3A_53] : memref<128x128xf32, #tpu.memory_space<vmem>>, vector<128x128xf32>
    %dot_general3A_55 = arith.constant dense<0.000000e+00> : vector<1000x128xf32>
    %dot_general3A_56 = tpu.matmul %get3A_1, %get3A_54, %dot_general3A_55 {dimension_numbers = #tpu.dot_dimension_numbers<[1], [0], [0], [1], [0, 0, 1, 1], [], []>, transpose_lhs_hint = false} : vector<1000x128xf32>, vector<128x128xf32>, vector<1000x128xf32> -> vector<1000x128xf32>
    %add3A_57 = vector.broadcast %get3A_4 : vector<1x128xf32> to vector<1000x128xf32>
    %add3A_58 = arith.addf %dot_general3A_56, %add3A_57 : vector<1000x128xf32>
    %max3A_59 = arith.constant 0.000000e+00 : f32
    %max3A_60 = vector.broadcast %max3A_59 : f32 to vector<1000x128xf32>
    %max3A_61 = arith.maximumf %add3A_58, %max3A_60 : vector<1000x128xf32>
    %dot_general3A_62 = arith.constant dense<0.000000e+00> : vector<1000x128xf32>
    %dot_general3A_63 = tpu.matmul %max3A_61, %get3A_7, %dot_general3A_62 {dimension_numbers = #tpu.dot_dimension_numbers<[1], [0], [0], [1], [0, 0, 1, 1], [], []>, transpose_lhs_hint = false} : vector<1000x128xf32>, vector<128x128xf32>, vector<1000x128xf32> -> vector<1000x128xf32>
    %add3A_64 = vector.broadcast %get3A_10 : vector<1x128xf32> to vector<1000x128xf32>
    %add3A_65 = arith.addf %dot_general3A_63, %add3A_64 : vector<1000x128xf32>
    %add3A_66 = arith.addf %get3A_1, %add3A_65 : vector<1000x128xf32>
    %broadcast_in_dim3A = vector.shape_cast %add3A_36 : vector<1000x128xf32> to vector<1000x1x128xf32>
    %broadcast_in_dim3A_67 = vector.shape_cast %add3A_51 : vector<1000x128xf32> to vector<1000x1x128xf32>
    %broadcast_in_dim3A_68 = vector.shape_cast %add3A_66 : vector<1000x128xf32> to vector<1000x1x128xf32>
    %concatenate3A = tpu.concatenate %broadcast_in_dim3A, %broadcast_in_dim3A_67, %broadcast_in_dim3A_68 in 1 : vector<1000x1x128xf32>, vector<1000x1x128xf32>, vector<1000x1x128xf32> -> vector<1000x3x128xf32>
    %swap3A = arith.constant 0 : index
    %swap3A_69 = arith.constant 0 : index
    %swap3A_70 = arith.constant 0 : index
    %swap3A_71 = vector.load %arg11[%swap3A, %swap3A_69, %swap3A_70] : memref<1000x3x128xf32, #tpu.memory_space<vmem>>, vector<1000x3x128xf32>
    tpu.vector_store %arg11[%swap3A, %swap3A_69, %swap3A_70], %concatenate3A {strides = array<i32>} : memref<1000x3x128xf32, #tpu.memory_space<vmem>>, vector<1000x3x128xf32>,
    return
  }
  func.func @transform_0(%arg0: i32) -> (i32, i32) {
    %c0_i32 = arith.constant 0 : i32
    %c0_i32_0 = arith.constant 0 : i32
    return %arg0, %c0_i32 : i32, i32
  }
  func.func @transform_1(%arg0: i32) -> (i32, i32) {
    %c0_i32 = arith.constant 0 : i32
    %c0_i32_0 = arith.constant 0 : i32
    return %arg0, %c0_i32 : i32, i32
  }
  func.func @transform_2(%arg0: i32) -> (i32, i32) {
    %c0_i32 = arith.constant 0 : i32
    %c0_i32_0 = arith.constant 0 : i32
    return %arg0, %c0_i32 : i32, i32
  }
  func.func @transform_3(%arg0: i32) -> (i32, i32) {
    %c0_i32 = arith.constant 0 : i32
    %c0_i32_0 = arith.constant 0 : i32
    return %arg0, %c0_i32 : i32, i32
  }
  func.func @transform_4(%arg0: i32) -> (i32, i32) {
    %c0_i32 = arith.constant 0 : i32
    %c0_i32_0 = arith.constant 0 : i32
    return %arg0, %c0_i32 : i32, i32
  }
  func.func @transform_5(%arg0: i32) -> (i32, i32) {
    %c0_i32 = arith.constant 0 : i32
    %c0_i32_0 = arith.constant 0 : i32
    %c0_i32_1 = arith.constant 0 : i32
    return %c0_i32, %c0_i32_0 : i32, i32
  }
  func.func @transform_6(%arg0: i32) -> (i32, i32) {
    %c0_i32 = arith.constant 0 : i32
    %c0_i32_0 = arith.constant 0 : i32
    %c0_i32_1 = arith.constant 0 : i32
    return %c0_i32, %c0_i32_0 : i32, i32
  }
  func.func @transform_7(%arg0: i32) -> (i32, i32) {
    %c0_i32 = arith.constant 0 : i32
    %c0_i32_0 = arith.constant 0 : i32
    %c0_i32_1 = arith.constant 0 : i32
    return %c0_i32, %c0_i32_0 : i32, i32
  }
  func.func @transform_8(%arg0: i32) -> (i32, i32) {
    %c0_i32 = arith.constant 0 : i32
    %c0_i32_0 = arith.constant 0 : i32
    %c0_i32_1 = arith.constant 0 : i32
    return %c0_i32, %c0_i32_0 : i32, i32
  }
  func.func @transform_9(%arg0: i32) -> (i32, i32) {
    %c0_i32 = arith.constant 0 : i32
    %c0_i32_0 = arith.constant 0 : i32
    %c0_i32_1 = arith.constant 0 : i32
    return %c0_i32, %c0_i32_0 : i32, i32
  }
  func.func @transform_10(%arg0: i32) -> (i32, i32, i32) {
    %c0_i32 = arith.constant 0 : i32
    %c0_i32_0 = arith.constant 0 : i32
    %c0_i32_1 = arith.constant 0 : i32
    return %arg0, %c0_i32, %c0_i32_0 : i32, i32, i32
  }
}

</mosaic_0001>

<sc_bundles>
// kernel: kernel.5.cloned.1.call-start
scs
__scs_entry_jumppad:
0x0: {  	(pc) =	sbr.rel $0x88, $3  }
0x1: {  	(tag) =	ssettag $0x0;
	lr =	simm.s32 $0x1  }
0x2: {  	[smem:$0x3F94] =	sst lr;
	_ =	strace $0xD0000000  }
0x3: {  	_ = 	snop  }
0x4: {  	_ = 	snop  }
0x5: {  	_ = 	snop  }
0x6: {  	_ = 	snop  }
0x7: {  	_ = 	snop  }
__scs_overlays_trampoline_lowered:
0x8: {  	[smem:$0x3FA3] =	sst s0  }
0x9: {  	[smem:$0x3FA4] =	sst s1  }
0xa: {  	[smem:$0x3FA5] =	sst s2  }
0xb: {  	[smem:$0x3FA6] =	sst s3  }
0xc: {  	[smem:$0x3FA7] =	sst s4  }
0xd: {  	[smem:$0x3FA8] =	sst s5  }
0xe: {  	[smem:$0x3FA9] =	sst s6  }
0xf: {  	[smem:$0x3FAA] =	sst s7  }
0x10: {  	[smem:$0x3FAB] =	sst s8  }
0x11: {  	[smem:$0x3FAC] =	sst s9;
	s0 =	simm.s32 @!p0 $0x0  }
0x12: {  	s1 =	sld [smem:$0x3F92];
	s0 =	simm.s32 @p0 $0x1  }
0x13: {  	[smem:$0x3FAD] =	sst s0;
	s0 =	simm.s32 @!p1 $0x0  }
0x14: {  	s2 =	sld [smem:$0x3F91];
	s0 =	simm.s32 @p1 $0x1  }
0x15: {  	[smem:$0x3FAE] =	sst s0;
	s0 =	simm.s32 @!p2 $0x0  }
0x16: {  	s3 =	sld [smem:$0x3FDB];
	s0 =	simm.s32 @p2 $0x1  }
0x17: {  	s4 =	simm.s32 $0x1BF5;
	[smem:$0x3FB0] =	sst s0  }
0x18: {  	s0 =	sld [smem:$0x3F93];
	_ =	swait.ge [sflag:s4], $0x0  }
0x19: {  	s7 =	sld [smem:$0x3F94]  }
0x1a: {  	s8 =	sadd.s32 $0xFFFFE003, lr  }
0x1b: {  	s9 =	sadd.s32 $0xFFFFFEF7, lr;
	s5 =	simm.s32 $0xFFFFFFFF;
	p2 =	slt.u32 s8, $0xFFFFF086  }
0x1c: {  	p1 =	slt.u32 s9, $0xF7A;
	s5 =	simm.s32 @!p2 $0x0  }
0x1d: {  	s5 =	simm.s32 @p1 $0x1;
	p0 =	seq.s32 s7, s2  }
0x1e: {  	s7 =	smul.u32 @!p0 $0xF7A, s2;
	p2 =	seq.s32 @!p0 s5, $0x0  }
0x1f: {  	s9 =	smul.u32 $0xF7A, s1;
	s8 =	simm.s32 @!p0 $0x1BF5;
	p2 =	por !p2, p0  }
0x20: {  	[sflag:s8] =	ssyncset.s32 @!p0 $0xFFFFF086;
	s6 =	sadd.s32 @!p0 s3, s7;
	s7 =	simm.s32 @!p0 $0x108  }
0x21: {  	s3 =	sadd.s32 s3, s9;
	s6 =	sadd.s32 @!p0 $0x88, s6;
	s7 =	simm.s32 @p2 $0x1082  }
0x22: {  	[simem:s7], [sflag:s8] =	dma.local @!p0 [hbm:s6], $0xF7A  }
0x23: {  	s9 =	sor.u32 $0xD0000000, s2;
	s6 =	simm.s32 $0x108;
	_ =	swait.ge @!p0 [sflag:s8], $0x0  }
0x24: {  	s3 =	sadd.s32 $0x88, s3;
	s6 =	simm.s32 @!p1 $0x1082;
	[sflag:s4] =	ssyncset.s32 $0xFFFFF086  }
0x25: {  	[simem:s6], [sflag:s4] =	dma.local [hbm:s3], $0xF7A  }
0x26: {  	[smem:$0x3F94] =	sst s1;
	(tag) =	ssettag s2;
	_ =	strace s9  }
0x27: {  	s1 =	sld [smem:$0x3FA4]  }
0x28: {  	s2 =	sld [smem:$0x3FA5]  }
0x29: {  	s4 =	sld [smem:$0x3FA7]  }
0x2a: {  	p0 =	seq.s32 s5, $0x0;
	s5 =	sld [smem:$0x3FA8]  }
0x2b: {  	s6 =	sld [smem:$0x3FA9]  }
0x2c: {  	s7 =	sld [smem:$0x3FAA]  }
0x2d: {  	s3 =	simm.s32 $0x108;
	s8 =	sld [smem:$0x3FAB]  }
0x2e: {  	s3 =	simm.s32 @!p0 $0x1082;
	s9 =	sld [smem:$0x3FAC]  }
0x2f: {  	lr =	sadd.s32 s0, s3;
	s0 =	sld [smem:$0x3FA3]  }
0x30: {  	s3 =	sld [smem:$0x3FA6]  }
0x31: {  	[smem:$0x3FAF] =	sst s10  }
0x32: {  	s10 =	sld [smem:$0x3FAD];
	_ =	sdelay $0x3  }
0x33: {  	p0 =	seq.s32 s10, $0x1;
	s10 =	sld [smem:$0x3FAF];
	_ =	sdelay $0x3  }
0x34: {  	[smem:$0x3FAF] =	sst s10  }
0x35: {  	s10 =	sld [smem:$0x3FAE];
	_ =	sdelay $0x3  }
0x36: {  	p1 =	seq.s32 s10, $0x1;
	s10 =	sld [smem:$0x3FAF];
	_ =	sdelay $0x3  }
0x37: {  	[smem:$0x3FAF] =	sst s10  }
0x38: {  	s10 =	sld [smem:$0x3FB0]  }
0x39: {  	_ = 	snop;
	(pc) =	sbr.ind lr, $3  }
0x3a: {  	_ = 	snop  }
0x3b: {  	_ = 	snop  }
0x3c: {  	p2 =	seq.s32 s10, $0x1;
	s10 =	sld [smem:$0x3FAF]  }
0x3d: {  	_ =	shalt  }
0x3e: {  	_ =	shalt  }
0x3f: {  	_ =	shalt  }
0x40: {  	_ =	shalt  }
0x41: {  	_ =	shalt  }
0x42: {  	_ =	shalt  }
0x43: {  	_ =	shalt  }
0x44: {  	_ =	shalt  }
0x45: {  	_ =	shalt  }
0x46: {  	_ =	shalt  }
0x47: {  	_ =	shalt  }
0x48: {  	_ =	shalt  }
0x49: {  	_ =	shalt  }
0x4a: {  	_ =	shalt  }
0x4b: {  	_ =	shalt  }
0x4c: {  	_ =	shalt  }
0x4d: {  	_ =	shalt  }
0x4e: {  	_ =	shalt  }
0x4f: {  	_ =	shalt  }
0x50: {  	_ =	shalt  }
0x51: {  	_ =	shalt  }
0x52: {  	_ =	shalt  }
0x53: {  	_ =	shalt  }
0x54: {  	_ =	shalt  }
0x55: {  	_ =	shalt  }
0x56: {  	_ =	shalt  }
0x57: {  	_ =	shalt  }
0x58: {  	_ =	shalt  }
0x59: {  	_ =	shalt  }
0x5a: {  	_ =	shalt  }
0x5b: {  	_ =	shalt  }
0x5c: {  	_ =	shalt  }
0x5d: {  	_ =	shalt  }
0x5e: {  	_ =	shalt  }
0x5f: {  	_ =	shalt  }
0x60: {  	_ =	shalt  }
0x61: {  	_ =	shalt  }
0x62: {  	_ =	shalt  }
0x63: {  	_ =	shalt  }
0x64: {  	_ =	shalt  }
0x65: {  	_ =	shalt  }
0x66: {  	_ =	shalt  }
0x67: {  	_ =	shalt  }
0x68: {  	_ =	shalt  }
0x69: {  	_ =	shalt  }
0x6a: {  	_ =	shalt  }
0x6b: {  	_ =	shalt  }
0x6c: {  	_ =	shalt  }
0x6d: {  	_ =	shalt  }
0x6e: {  	_ =	shalt  }
0x6f: {  	_ =	shalt  }
0x70: {  	_ =	shalt  }
0x71: {  	_ =	shalt  }
0x72: {  	_ =	shalt  }
0x73: {  	_ =	shalt  }
0x74: {  	_ =	shalt  }
0x75: {  	_ =	shalt  }
0x76: {  	_ =	shalt  }
0x77: {  	_ =	shalt  }
0x78: {  	_ =	shalt  }
0x79: {  	_ =	shalt  }
0x7a: {  	_ =	shalt  }
0x7b: {  	_ =	shalt  }
0x7c: {  	_ =	shalt  }
0x7d: {  	_ =	shalt  }
0x7e: {  	_ =	shalt  }
0x7f: {  	_ =	shalt  }
0x80: {  	_ =	shalt  }
0x81: {  	_ =	shalt  }
0x82: {  	_ =	shalt  }
0x83: {  	_ =	shalt  }
0x84: {  	_ =	shalt  }
0x85: {  	_ =	shalt  }
0x86: {  	_ =	shalt  }
0x87: {  	_ =	shalt  }
.Lfunc_end0:
.L_simem_size_0:
called_computation_lowered:
.L_overlay_start_0:
0x88: {  	s2 =	sld [smem:$0x3FD9]  }
0x89: {  	s3 =	sld [smem:$0x3FFE];
	_ =	sdelay $0x1  }
0x8a: {  	s1 =	srdreg.scid  }
0x8b: {  	s0 =	sand.u32 $0x1, s1  }
0x8c: {  	s14 =	sshll.u32 s0, $0xA;
	s2 =	sadd.s32 s3, s2  }
0x8d: {  	s2 =	sadd.s32 s2, s14  }
0x8e: {  	[smem:$0x3FBB] =	sst s2  }
0x8f: {  	_ = 	snop  }
0x90: {  	s2 =	sld [smem:$0x3FD0];
	_ =	sdelay $0x2  }
0x91: {  	s15 =	simm.s32 $0xA;
	s4 =	simm.s32 $0x10  }
0x92: {  	[smem:s4], [sflag:s15] =	dma.local [hbm:s2], $0x1  }
0x93: {  	_ =	swait.eq [sflag:s15], $0x1  }
0x94: {  	[sflag:s15] =	ssyncset.done $0x0  }
0x95: {  	s16 =	sld [smem:$0x10];
	[sflag:s15] =	ssyncadd.s32 $0xFFFFFFFF  }
0x96: {  	s17 =	sld [smem:$0x11];
	(tm) =	ssettm $0x1  }
0x97: {  	s18 =	sld [smem:$0x3FFB];
	_ =	sdelay $0x3  }
0x98: {  	_ =	strace s18  }
0x99: {  	s4 =	sld [smem:$0x3FFC];
	_ =	sdelay $0x3  }
0x9a: {  	_ =	strace s4  }
0x9b: {  	s4 =	sld [smem:$0x3FFD];
	_ =	sdelay $0x3  }
0x9c: {  	_ =	strace s4  }
0x9d: {  	_ =	strace $0x8FFFFFFF  }
0x9e: {  	s19 =	sld [smem:$0x3FDB];
	_ =	sdelay $0x1  }
0x9f: {  	s5 =	simm.s32 $_scs_section_size  }
0xa0: {  	s6 =	simm.s32 $_size__tile_overlayer_lowered;
	s7 =	simm.s32 $_tile_overlayer_lowered  }
0xa1: {  	s22 =	simm.s32 $0x1BFF;
	s21 =	sshll.u32 s7, $0x1;
	s4 =	sadd.s32 s5, s19  }
0xa2: {  	s8 =	simm.s32 $0x0;
	s20 =	sshll.u32 s6, $0x1;
	s6 =	sadd.s32 s21, s4  }
0xa3: {  	[timem:s8], [sflag:s22] =	dma.local [hbm:s6], s20  }
0xa4: {  	_ =	swait.ge [sflag:s22], s20  }
0xa5: {  	s5 =	ssub.s32 $0x0, s20;
	[sflag:s22] =	ssyncset.done $0x0  }
0xa6: {  	[sflag:s22] =	ssyncadd.s32 s5;
	_ =	sdelay $0x1  }
0xa7: {  	s23 =	simm.s32 $0x1B8B  }
0xa8: {  	_ =	swait.ge [sflag:s23], $0x1  }
0xa9: {  	[sflag:s23] =	ssyncset.done $0x0  }
0xaa: {  	s25 =	simm.s32 $0x1B8E;
	s24 =	sld [smem:$0x3FFE];
	[sflag:s23] =	ssyncadd.s32 $0xFFFFFFFF  }
0xab: {  	s26 =	simm.s32 $execute0_lowered;
	[smem:$0x3FD2] =	sst s25  }
0xac: {  	s6 =	sshll.u32 s26, $0x1;
	_ =	strace $0x80000046;
	[dreg:$0x1] =	wrdreg $0xFFFFFFFF  }
0xad: {  	s28 =	simm.s32 $_size_execute0_lowered;
	s4 =	sadd.s32 s4, s6;
	[dreg:$0x0] =	wrdreg $0x0  }
0xae: {  	s6 =	sshll.u32 s28, $0x1;
	[dreg:$0x2] =	wrdreg s4  }
0xaf: {  	[dreg:$0x3] =	wrdreg s6  }
0xb0: {  	[dreg:$0x4] =	wrdreg $0xC0  }
0xb1: {  	_ =	task [dreg:s8], $0x5FFFF  }
0xb2: {  	[dreg:$0x1] =	wrdreg $0xFFFFFFFF  }
0xb3: {  	[dreg:$0x0] =	wrdreg $0x60  }
0xb4: {  	[dreg:$0x2] =	wrdreg s24  }
0xb5: {  	[dreg:$0x3] =	wrdreg s16  }
0xb6: {  	[dreg:$0x4] =	wrdreg s17  }
0xb7: {  	[dreg:$0x5] =	wrdreg $0xA8000  }
0xb8: {  	[dreg:$0x6] =	wrdreg $0x9  }
0xb9: {  	_ =	task.clear_ibuf [dreg:s8], $0x7FFFF;
	_ =	strace $0x90000046  }
0xba: {  	s29 =	simm.s32 $0x9;
	_ =	strace $0x8000004B  }
0xbb: {  	_ =	swait.ge [sflag:s29], $0x1  }
0xbc: {  	[sflag:s29] =	ssyncadd.s32 $0xFFFFFFFF  }
0xbd: {  	_ =	strace $0x9000004B  }
0xbe: {  	_ =	sfence  }
0xbf: {  	s30 =	sld [smem:$0x0];
	_ =	sdelay $0x2  }
0xc0: {  	s31 =	sshll.u32 s1, $0xD;
	s1 =	sshrl.u32 s1, $0x2  }
0xc1: {  	s3 =	sand.u32 $0x4000, s31;
	s1 =	sadd.s32 s1, s30  }
0xc2: {  	s0 =	sor.u32 s3, s0;
	s1 =	sshll.u32 s1, $0x11  }
0xc3: {  	s0 =	sor.u32 s1, s0  }
0xc4: {  	s0 =	sadd.s32 $0x8F2B, s0  }
0xc5: {  	[sflag:s0] =	ssyncadd.remote.s32 $0x1  }
0xc6: {  	_ =	sfence.sel $0xFFFF  }
0xc7: {  	[dreg:$0x0] =	wrdreg $0xFFFFFFFF;
	(pc) =	sbr.abs _section_cstart, $3  }
0xc8: {  	[dreg:$0x1] =	wrdreg $0xFFFFFFFF  }
0xc9: {  	_ =	task.clear_ibuf [dreg:s8], $0x2FFFF;
	_ =	strace $0x9FFFFFFF  }
0xca: {  	(tm) =	ssettm $0x7FFFFFFF  }
0xcb: {  	_ =	shalt  }
tec
execute0_lowered:
.L_overlay_start_1:
0x0: {  	(tag) =	ssettag $0x1  }
0x1: {  	s0 =	rddreg [dreg:$0x0]  }
0x2: {  	s1 =	rddreg [dreg:$0x1]  }
0x3: {  	s2 =	rddreg [dreg:$0x3];
	s3 =	simm.s32 $0x0  }
0x4: {  	s5 =	srdreg.scid;
	s15 =	stileid.u32;
	s28 =	simm.s32 $0x1  }
0x5: {  	s29 =	simm.s32 $0x2;
	s30 =	simm.s32 $0x3;
	s7 =	smul.u32 $0x4F000, s15  }
0x6: {  	s31 =	simm.s32 $0x4;
	[smem:$0x7FF] =	sst s3;
	s11 =	smul.u32 $0x2780, s15  }
0x7: {  	s4 =	sadd.s32 $0x2000, s0;
	s6 =	sadd.s32 $0xC000, s0;
	s12 =	smul.u32 $0x5000, s15  }
0x8: {  	s9 =	sand.u32 $0x1, s5;
	s5 =	sadd.s32 $0x16000, s0;
	s13 =	smul.u32 $0xA00, s15  }
0x9: {  	s0 =	sadd.s32 $0x3D200, s0;
	s25 =	sshll.u32 s15, $0x6;
	s14 =	smul.u32 $0x78, s15  }
0xa: {  	s18 =	smul.u32 $0x28, s15;
	_ =	strace $0x80000047;
	s8 =	ssub.s32 $0x2, s9  }
0xb: {  	p0 =	seq.s32 s9, $0x0;
	s22 =	smul.u32 $0x4F000, s9;
	p1 =	sne.s32 s9, $0x0  }
0xc: {  	s10 =	sshrl.u32 s8, $0x1;
	s7 =	sshrl.u32 s7, $0x2;
	s13 =	sadd.s32 s6, s13  }
0xd: {  	s3 =	sadd.s32 s1, s11;
	s26 =	sshrl.u32 s12, $0x3;
	[dreg:$0x6] =	wrdreg s13  }
0xe: {  	s7 =	sadd.s32 s7, s2;
	s1 =	sadd.s32 s6, s26;
	[dreg:$0x13] =	wrdreg s3  }
0xf: {  	s10 =	ssub.s32 s8, s10;
	[dreg:$0x5] =	wrdreg s7;
	s17 =	sadd.s32 $0x280, s1  }
0x10: {  	s8 =	sor.u32 $0x1C05, s25;
	s16 =	sadd.s32 $0x500, s1;
	[dreg:$0x7] =	wrdreg s17  }
0x11: {  	s11 =	sadd.s32 s11, s22;
	s1 =	sadd.s32 $0x780, s1;
	[dreg:$0x8] =	wrdreg s16  }
0x12: {  	s7 =	smul.u32 $0x13C00, s15;
	s26 =	smax.u32 s10, $0x1;
	[dreg:$0x9] =	wrdreg s1  }
0x13: {  	s22 =	simm.s32 $0x5;
	s15 =	smul.u32 $0x3C00, s15;
	[dreg:$0x12] =	wrdreg s26  }
0x14: {  	s26 =	simm.s32 $0x6800;
	s17 =	simm.s32 $0x0;
	s12 =	sshrl.u32 s7, $0x3  }
0x15: {  	s20 =	sshrl.u32 s15, $0x3;
	s7 =	simm.s32 $0x0;
	s19 =	sadd.s32 s0, s12  }
0x16: {  	s12 =	sadd.s32 $0x780, s18;
	s21 =	sadd.s32 $0x280, s20;
	s0 =	sadd.s32 s0, s11  }
0x17: {  	s1 =	sadd.s32 $0x27800, s19;
	s12 =	smov.u32 @p0 s14;
	[dreg:$0x11] =	wrdreg s0  }
0x18: {  	s24 =	sadd.s32 s4, s21;
	s25 =	sadd.s32 s6, s21;
	[dreg:$0xa] =	wrdreg s1  }
0x19: {  	s0 =	simm.s32 $0x2700;
	s12 =	sshll.u32 s12, $0x4;
	[dreg:$0xd] =	wrdreg s24  }
.Ltmp0:
0x1a: {  	[dreg:$0xe] =	wrdreg s25;
	s23 =	sadd.s32 s4, s12;
	(pc) =	sbr.rel .LBB2_1-.Ltmp0, $4  }
0x1b: {  	s1 =	sadd.s32 $0x500, s20;
	s12 =	sadd.s32 s6, s12;
	[dreg:$0xb] =	wrdreg s23  }
0x1c: {  	s24 =	simm.s32 $0x80;
	s4 =	sadd.s32 s4, s1;
	[dreg:$0xc] =	wrdreg s12  }
0x1d: {  	s25 =	simm.s32 $0x2800;
	s1 =	sadd.s32 s6, s1;
	[dreg:$0xf] =	wrdreg s4  }
0x1e: {  	[dreg:$0x10] =	wrdreg s1;
	s23 =	simm.s32 $0x1400;
	s1 =	simm.s32 $0x2780  }
.LBB2_10:
0x1f: {  	[tilespmem:s26], [sflag:$0x2] =	stream.indirect.gather [hbm4b:s5+s24], $0x80, s6, s24, $0x2000b8;
	[tilespmem:$0x1E400] =	vst v63  }
0x20: {  	_ =	swait.ge [sflag:s28], $0x4000  }
0x21: {  	[sflag:s28] =	ssyncset.done $0x0  }
0x22: {  	[sflag:s28] =	ssyncadd.s32 $0xFFFFC000  }
0x23: {  	[spmem:s2] =	stream.indirect.scatter.add.f32 [tilespmem:s25], [sflag:$0x3], $0x80, s0, s24, $0x2000b8;
	[tilespmem:$0x1E400] =	vst v63  }
0x24: {  	_ =	swait.ge [sflag:s29], $0x4000  }
0x25: {  	[sflag:s29] =	ssyncset.done $0x0  }
0x26: {  	[sflag:s29] =	ssyncadd.s32 $0xFFFFC000  }
0x27: {  	[spmem:s2] =	stream.indirect.scatter.add.f32 [tilespmem:s26], [sflag:$0x4], $0x80, s1, s24, $0x2000b8;
	[tilespmem:$0x1E400] =	vst v63  }
0x28: {  	_ =	swait.ge [sflag:s30], $0x4000  }
0x29: {  	[sflag:s30] =	ssyncset.done $0x0  }
0x2a: {  	[sflag:s30] =	ssyncadd.s32 $0xFFFFC000  }
0x2b: {  	_ =	swait.ge [sflag:s31], $0x4000  }
0x2c: {  	[sflag:s31] =	ssyncset.done $0x0  }
0x2d: {  	[sflag:s31] =	ssyncadd.s32 $0xFFFFC000  }
.LBB2_11:
0x2e: {  	_ =	strace $0x9000004A  }
0x2f: {  	[bflag:$0x0] =	sbarrier.arrive $0xFFFF  }
0x30: {  	s6 =	rddreg [dreg:$0x11]  }
0x31: {  	[hbm:s6], [sflag:s8] =	dma.local [spmem:s18], $0x2780  }
0x32: {  	_ =	swait.ge [sflag:s22], $0x2780  }
0x33: {  	s17 =	sadd.s32 $0x1, s17;
	s21 =	rddreg [dreg:$0x12]  }
0x34: {  	p2 =	sne.s32 s17, s21  }
.Ltmp1:
0x35: {  	_ = 	snop;
	(pc) =	sbr.rel @!p2 .LBB2_12-.Ltmp1, $3  }
0x36: {  	_ =	sdelay $0x1  }
0x37: {  	[sflag:s22] =	ssyncset.done $0x0  }
0x38: {  	[sflag:s22] =	ssyncadd.s32 $0xFFFFD880  }
.LBB2_1:
0x39: {  	s6 =	rddreg [dreg:$0x5]  }
0x3a: {  	s18 =	sshrl.u32 s6, $0x3  }
0x3b: {  	[spmem:s18], [sflag:s8] =	dma.local [hbm:s3], $0x2780  }
.Ltmp2:
0x3c: {  	_ =	swait.ge [sflag:s22], $0x2780;
	(pc) =	sbr.rel @p0 .LBB2_3-.Ltmp2, $3  }
0x3d: {  	[sflag:s22] =	ssyncset.done $0x0  }
0x3e: {  	[sflag:s22] =	ssyncadd.s32 $0xFFFFD880  }
0x3f: {  	[bflag:$0x0] =	sbarrier.arrive $0xFFFF;
	_ =	sdelay $0x1  }
0x40: {  	_ =	strace $0x80000048  }
0x41: {  	s6 =	rddreg [dreg:$0x2]  }
0x42: {  	[tilespmem:s25], [sflag:$0x5] =	stream.linear.gather [hbm4b:s6+s7], $0x4000, $0x200038;
	[tilespmem:$0x1E400] =	vst v63  }
0x43: {  	_ =	swait.ge [sflag:s22], $0x4000  }
0x44: {  	[sflag:s22] =	ssyncset.done $0x0  }
0x45: {  	s14 =	rddreg [dreg:$0x6];
	[sflag:s22] =	ssyncadd.s32 $0xFFFFC000  }
0x46: {  	[tilespmem:s23], [sflag:$0x5] =	stream.linear.gather [hbm4b:s14+s7], $0x1400, $0x200038;
	[tilespmem:$0x1E400] =	vst v63  }
0x47: {  	_ =	swait.ge [sflag:s22], $0x1400  }
0x48: {  	[sflag:s22] =	ssyncset.done $0x0  }
0x49: {  	[sflag:s22] =	ssyncadd.s32 $0xFFFFEC00  }
0x4a: {  	[spmem:s2] =	stream.indirect.scatter.add.f32 [tilespmem:s25], [sflag:$0x3], $0x80, s23, s24, $0x2000b8;
	[tilespmem:$0x1E400] =	vst v63  }
0x4b: {  	s0 =	simm.s32 $0x1480  }
0x4c: {  	[spmem:s2] =	stream.indirect.scatter.add.f32 [tilespmem:s25], [sflag:$0x4], $0x80, s0, s24, $0x2000b8;
	[tilespmem:$0x1E400] =	vst v63  }
0x4d: {  	s15 =	simm.s32 $0x1500  }
0x4e: {  	[spmem:s2] =	stream.indirect.scatter.add.f32 [tilespmem:s25], [sflag:$0x3], $0x80, s15, s24, $0x2000b8;
	[tilespmem:$0x1E400] =	vst v63  }
0x4f: {  	s16 =	simm.s32 $0x1580  }
0x50: {  	[spmem:s2] =	stream.indirect.scatter.add.f32 [tilespmem:s25], [sflag:$0x4], $0x80, s16, s24, $0x2000b8;
	[tilespmem:$0x1E400] =	vst v63  }
0x51: {  	s19 =	simm.s32 $0x1600  }
0x52: {  	[spmem:s2] =	stream.indirect.scatter.add.f32 [tilespmem:s25], [sflag:$0x3], $0x80, s19, s24, $0x2000b8;
	[tilespmem:$0x1E400] =	vst v63  }
0x53: {  	s20 =	simm.s32 $0x1680  }
0x54: {  	[spmem:s2] =	stream.indirect.scatter.add.f32 [tilespmem:s25], [sflag:$0x4], $0x80, s20, s24, $0x2000b8;
	[tilespmem:$0x1E400] =	vst v63  }
0x55: {  	s21 =	simm.s32 $0x1700  }
0x56: {  	[spmem:s2] =	stream.indirect.scatter.add.f32 [tilespmem:s25], [sflag:$0x3], $0x80, s21, s24, $0x2000b8;
	[tilespmem:$0x1E400] =	vst v63  }
0x57: {  	s1 =	simm.s32 $0x1780  }
0x58: {  	[spmem:s2] =	stream.indirect.scatter.add.f32 [tilespmem:s25], [sflag:$0x4], $0x80, s1, s24, $0x2000b8;
	[tilespmem:$0x1E400] =	vst v63  }
0x59: {  	_ =	swait.ge [sflag:s30], $0x4000  }
0x5a: {  	[sflag:s30] =	ssyncset.done $0x0  }
0x5b: {  	[sflag:s30] =	ssyncadd.s32 $0xFFFFC000  }
0x5c: {  	_ =	swait.ge [sflag:s31], $0x4000  }
0x5d: {  	[sflag:s31] =	ssyncset.done $0x0  }
0x5e: {  	[sflag:s31] =	ssyncadd.s32 $0xFFFFC000  }
0x5f: {  	_ =	swait.ge [sflag:s30], $0x4000  }
0x60: {  	[sflag:s30] =	ssyncset.done $0x0  }
0x61: {  	[sflag:s30] =	ssyncadd.s32 $0xFFFFC000  }
0x62: {  	_ =	swait.ge [sflag:s31], $0x4000  }
0x63: {  	[sflag:s31] =	ssyncset.done $0x0  }
0x64: {  	[sflag:s31] =	ssyncadd.s32 $0xFFFFC000  }
0x65: {  	_ =	swait.ge [sflag:s30], $0x4000  }
0x66: {  	[sflag:s30] =	ssyncset.done $0x0  }
0x67: {  	[sflag:s30] =	ssyncadd.s32 $0xFFFFC000  }
0x68: {  	_ =	swait.ge [sflag:s31], $0x4000  }
0x69: {  	[sflag:s31] =	ssyncset.done $0x0  }
0x6a: {  	[sflag:s31] =	ssyncadd.s32 $0xFFFFC000  }
0x6b: {  	_ =	swait.ge [sflag:s30], $0x4000  }
0x6c: {  	[sflag:s30] =	ssyncset.done $0x0  }
0x6d: {  	[sflag:s30] =	ssyncadd.s32 $0xFFFFC000  }
0x6e: {  	_ =	swait.ge [sflag:s31], $0x4000  }
0x6f: {  	[sflag:s31] =	ssyncset.done $0x0  }
0x70: {  	s3 =	simm.s32 $0x1800;
	[sflag:s31] =	ssyncadd.s32 $0xFFFFC000  }
0x71: {  	[spmem:s2] =	stream.indirect.scatter.add.f32 [tilespmem:s25], [sflag:$0x3], $0x80, s3, s24, $0x2000b8;
	[tilespmem:$0x1E400] =	vst v63  }
0x72: {  	s6 =	simm.s32 $0x1880  }
0x73: {  	[spmem:s2] =	stream.indirect.scatter.add.f32 [tilespmem:s25], [sflag:$0x4], $0x80, s6, s24, $0x2000b8;
	[tilespmem:$0x1E400] =	vst v63  }
0x74: {  	s11 =	simm.s32 $0x1900  }
0x75: {  	[spmem:s2] =	stream.indirect.scatter.add.f32 [tilespmem:s25], [sflag:$0x3], $0x80, s11, s24, $0x2000b8;
	[tilespmem:$0x1E400] =	vst v63  }
0x76: {  	s12 =	simm.s32 $0x1980  }
0x77: {  	[spmem:s2] =	stream.indirect.scatter.add.f32 [tilespmem:s25], [sflag:$0x4], $0x80, s12, s24, $0x2000b8;
	[tilespmem:$0x1E400] =	vst v63  }
0x78: {  	s14 =	simm.s32 $0x1A00  }
0x79: {  	[spmem:s2] =	stream.indirect.scatter.add.f32 [tilespmem:s25], [sflag:$0x3], $0x80, s14, s24, $0x2000b8;
	[tilespmem:$0x1E400] =	vst v63  }
0x7a: {  	s15 =	simm.s32 $0x1A80  }
0x7b: {  	[spmem:s2] =	stream.indirect.scatter.add.f32 [tilespmem:s25], [sflag:$0x4], $0x80, s15, s24, $0x2000b8;
	[tilespmem:$0x1E400] =	vst v63  }
0x7c: {  	s16 =	simm.s32 $0x1B00  }
0x7d: {  	[spmem:s2] =	stream.indirect.scatter.add.f32 [tilespmem:s25], [sflag:$0x3], $0x80, s16, s24, $0x2000b8;
	[tilespmem:$0x1E400] =	vst v63  }
0x7e: {  	s19 =	simm.s32 $0x1B80  }
0x7f: {  	[spmem:s2] =	stream.indirect.scatter.add.f32 [tilespmem:s25], [sflag:$0x4], $0x80, s19, s24, $0x2000b8;
	[tilespmem:$0x1E400] =	vst v63  }
0x80: {  	_ =	swait.ge [sflag:s30], $0x4000  }
0x81: {  	[sflag:s30] =	ssyncset.done $0x0  }
0x82: {  	[sflag:s30] =	ssyncadd.s32 $0xFFFFC000  }
0x83: {  	_ =	swait.ge [sflag:s31], $0x4000  }
0x84: {  	[sflag:s31] =	ssyncset.done $0x0  }
0x85: {  	[sflag:s31] =	ssyncadd.s32 $0xFFFFC000  }
0x86: {  	_ =	swait.ge [sflag:s30], $0x4000  }
0x87: {  	[sflag:s30] =	ssyncset.done $0x0  }
0x88: {  	[sflag:s30] =	ssyncadd.s32 $0xFFFFC000  }
0x89: {  	_ =	swait.ge [sflag:s31], $0x4000  }
0x8a: {  	[sflag:s31] =	ssyncset.done $0x0  }
0x8b: {  	[sflag:s31] =	ssyncadd.s32 $0xFFFFC000  }
0x8c: {  	_ =	swait.ge [sflag:s30], $0x4000  }
0x8d: {  	[sflag:s30] =	ssyncset.done $0x0  }
0x8e: {  	[sflag:s30] =	ssyncadd.s32 $0xFFFFC000  }
0x8f: {  	_ =	swait.ge [sflag:s31], $0x4000  }
0x90: {  	[sflag:s31] =	ssyncset.done $0x0  }
0x91: {  	[sflag:s31] =	ssyncadd.s32 $0xFFFFC000  }
0x92: {  	_ =	swait.ge [sflag:s30], $0x4000  }
0x93: {  	[sflag:s30] =	ssyncset.done $0x0  }
0x94: {  	[sflag:s30] =	ssyncadd.s32 $0xFFFFC000  }
0x95: {  	_ =	swait.ge [sflag:s31], $0x4000  }
0x96: {  	[sflag:s31] =	ssyncset.done $0x0  }
0x97: {  	s20 =	simm.s32 $0x1C00;
	[sflag:s31] =	ssyncadd.s32 $0xFFFFC000  }
0x98: {  	[spmem:s2] =	stream.indirect.scatter.add.f32 [tilespmem:s25], [sflag:$0x3], $0x80, s20, s24, $0x2000b8;
	[tilespmem:$0x1E400] =	vst v63  }
0x99: {  	s21 =	simm.s32 $0x1C80  }
0x9a: {  	[spmem:s2] =	stream.indirect.scatter.add.f32 [tilespmem:s25], [sflag:$0x4], $0x80, s21, s24, $0x2000b8;
	[tilespmem:$0x1E400] =	vst v63  }
0x9b: {  	s11 =	simm.s32 $0x1D00  }
0x9c: {  	[spmem:s2] =	stream.indirect.scatter.add.f32 [tilespmem:s25], [sflag:$0x3], $0x80, s11, s24, $0x2000b8;
	[tilespmem:$0x1E400] =	vst v63  }
0x9d: {  	s12 =	simm.s32 $0x1D80  }
0x9e: {  	[spmem:s2] =	stream.indirect.scatter.add.f32 [tilespmem:s25], [sflag:$0x4], $0x80, s12, s24, $0x2000b8;
	[tilespmem:$0x1E400] =	vst v63  }
0x9f: {  	s15 =	simm.s32 $0x1E00  }
0xa0: {  	[spmem:s2] =	stream.indirect.scatter.add.f32 [tilespmem:s25], [sflag:$0x3], $0x80, s15, s24, $0x2000b8;
	[tilespmem:$0x1E400] =	vst v63  }
0xa1: {  	s11 =	simm.s32 $0x1E80  }
0xa2: {  	[spmem:s2] =	stream.indirect.scatter.add.f32 [tilespmem:s25], [sflag:$0x4], $0x80, s11, s24, $0x2000b8;
	[tilespmem:$0x1E400] =	vst v63  }
0xa3: {  	s12 =	simm.s32 $0x1F00  }
0xa4: {  	[spmem:s2] =	stream.indirect.scatter.add.f32 [tilespmem:s25], [sflag:$0x3], $0x80, s12, s24, $0x2000b8;
	[tilespmem:$0x1E400] =	vst v63  }
0xa5: {  	s15 =	simm.s32 $0x1F80  }
0xa6: {  	[spmem:s2] =	stream.indirect.scatter.add.f32 [tilespmem:s25], [sflag:$0x4], $0x80, s15, s24, $0x2000b8;
	[tilespmem:$0x1E400] =	vst v63  }
0xa7: {  	_ =	swait.ge [sflag:s30], $0x4000  }
0xa8: {  	[sflag:s30] =	ssyncset.done $0x0  }
0xa9: {  	[sflag:s30] =	ssyncadd.s32 $0xFFFFC000  }
0xaa: {  	_ =	swait.ge [sflag:s31], $0x4000  }
0xab: {  	[sflag:s31] =	ssyncset.done $0x0  }
0xac: {  	[sflag:s31] =	ssyncadd.s32 $0xFFFFC000  }
0xad: {  	_ =	swait.ge [sflag:s30], $0x4000  }
0xae: {  	[sflag:s30] =	ssyncset.done $0x0  }
0xaf: {  	[sflag:s30] =	ssyncadd.s32 $0xFFFFC000  }
0xb0: {  	_ =	swait.ge [sflag:s31], $0x4000  }
0xb1: {  	[sflag:s31] =	ssyncset.done $0x0  }
0xb2: {  	[sflag:s31] =	ssyncadd.s32 $0xFFFFC000  }
0xb3: {  	_ =	swait.ge [sflag:s30], $0x4000  }
0xb4: {  	[sflag:s30] =	ssyncset.done $0x0  }
0xb5: {  	[sflag:s30] =	ssyncadd.s32 $0xFFFFC000  }
0xb6: {  	_ =	swait.ge [sflag:s31], $0x4000  }
0xb7: {  	[sflag:s31] =	ssyncset.done $0x0  }
0xb8: {  	[sflag:s31] =	ssyncadd.s32 $0xFFFFC000  }
0xb9: {  	_ =	swait.ge [sflag:s30], $0x4000  }
0xba: {  	[sflag:s30] =	ssyncset.done $0x0  }
0xbb: {  	[sflag:s30] =	ssyncadd.s32 $0xFFFFC000  }
0xbc: {  	_ =	swait.ge [sflag:s31], $0x4000  }
0xbd: {  	[sflag:s31] =	ssyncset.done $0x0  }
0xbe: {  	s11 =	simm.s32 $0x2000;
	[sflag:s31] =	ssyncadd.s32 $0xFFFFC000  }
0xbf: {  	[spmem:s2] =	stream.indirect.scatter.add.f32 [tilespmem:s25], [sflag:$0x3], $0x80, s11, s24, $0x2000b8;
	[tilespmem:$0x1E400] =	vst v63  }
0xc0: {  	s15 =	simm.s32 $0x2080  }
0xc1: {  	[spmem:s2] =	stream.indirect.scatter.add.f32 [tilespmem:s25], [sflag:$0x4], $0x80, s15, s24, $0x2000b8;
	[tilespmem:$0x1E400] =	vst v63  }
0xc2: {  	s11 =	simm.s32 $0x2100  }
0xc3: {  	[spmem:s2] =	stream.indirect.scatter.add.f32 [tilespmem:s25], [sflag:$0x3], $0x80, s11, s24, $0x2000b8;
	[tilespmem:$0x1E400] =	vst v63  }
0xc4: {  	s15 =	simm.s32 $0x2180  }
0xc5: {  	[spmem:s2] =	stream.indirect.scatter.add.f32 [tilespmem:s25], [sflag:$0x4], $0x80, s15, s24, $0x2000b8;
	[tilespmem:$0x1E400] =	vst v63  }
0xc6: {  	s11 =	simm.s32 $0x2200  }
0xc7: {  	[spmem:s2] =	stream.indirect.scatter.add.f32 [tilespmem:s25], [sflag:$0x3], $0x80, s11, s24, $0x2000b8;
	[tilespmem:$0x1E400] =	vst v63  }
0xc8: {  	s15 =	simm.s32 $0x2280  }
0xc9: {  	[spmem:s2] =	stream.indirect.scatter.add.f32 [tilespmem:s25], [sflag:$0x4], $0x80, s15, s24, $0x2000b8;
	[tilespmem:$0x1E400] =	vst v63  }
0xca: {  	s11 =	simm.s32 $0x2300  }
0xcb: {  	[spmem:s2] =	stream.indirect.scatter.add.f32 [tilespmem:s25], [sflag:$0x3], $0x80, s11, s24, $0x2000b8;
	[tilespmem:$0x1E400] =	vst v63  }
0xcc: {  	s15 =	simm.s32 $0x2380  }
0xcd: {  	[spmem:s2] =	stream.indirect.scatter.add.f32 [tilespmem:s25], [sflag:$0x4], $0x80, s15, s24, $0x2000b8;
	[tilespmem:$0x1E400] =	vst v63  }
0xce: {  	_ =	swait.ge [sflag:s30], $0x4000  }
0xcf: {  	[sflag:s30] =	ssyncset.done $0x0  }
0xd0: {  	[sflag:s30] =	ssyncadd.s32 $0xFFFFC000  }
0xd1: {  	_ =	swait.ge [sflag:s31], $0x4000  }
0xd2: {  	[sflag:s31] =	ssyncset.done $0x0  }
0xd3: {  	[sflag:s31] =	ssyncadd.s32 $0xFFFFC000  }
0xd4: {  	_ =	swait.ge [sflag:s30], $0x4000  }
0xd5: {  	[sflag:s30] =	ssyncset.done $0x0  }
0xd6: {  	[sflag:s30] =	ssyncadd.s32 $0xFFFFC000  }
0xd7: {  	_ =	swait.ge [sflag:s31], $0x4000  }
0xd8: {  	[sflag:s31] =	ssyncset.done $0x0  }
0xd9: {  	[sflag:s31] =	ssyncadd.s32 $0xFFFFC000  }
0xda: {  	_ =	swait.ge [sflag:s30], $0x4000  }
0xdb: {  	[sflag:s30] =	ssyncset.done $0x0  }
0xdc: {  	[sflag:s30] =	ssyncadd.s32 $0xFFFFC000  }
0xdd: {  	_ =	swait.ge [sflag:s31], $0x4000  }
0xde: {  	[sflag:s31] =	ssyncset.done $0x0  }
0xdf: {  	[sflag:s31] =	ssyncadd.s32 $0xFFFFC000  }
0xe0: {  	_ =	swait.ge [sflag:s30], $0x4000  }
0xe1: {  	[sflag:s30] =	ssyncset.done $0x0  }
0xe2: {  	[sflag:s30] =	ssyncadd.s32 $0xFFFFC000  }
0xe3: {  	_ =	swait.ge [sflag:s31], $0x4000  }
0xe4: {  	[sflag:s31] =	ssyncset.done $0x0  }
0xe5: {  	s11 =	simm.s32 $0x2400;
	[sflag:s31] =	ssyncadd.s32 $0xFFFFC000  }
0xe6: {  	[spmem:s2] =	stream.indirect.scatter.add.f32 [tilespmem:s25], [sflag:$0x3], $0x80, s11, s24, $0x2000b8;
	[tilespmem:$0x1E400] =	vst v63  }
0xe7: {  	s11 =	simm.s32 $0x2480  }
0xe8: {  	[spmem:s2] =	stream.indirect.scatter.add.f32 [tilespmem:s25], [sflag:$0x4], $0x80, s11, s24, $0x2000b8;
	[tilespmem:$0x1E400] =	vst v63  }
0xe9: {  	s11 =	simm.s32 $0x2500  }
0xea: {  	[spmem:s2] =	stream.indirect.scatter.add.f32 [tilespmem:s25], [sflag:$0x3], $0x80, s11, s24, $0x2000b8;
	[tilespmem:$0x1E400] =	vst v63  }
0xeb: {  	s11 =	simm.s32 $0x2580  }
0xec: {  	[spmem:s2] =	stream.indirect.scatter.add.f32 [tilespmem:s25], [sflag:$0x4], $0x80, s11, s24, $0x2000b8;
	[tilespmem:$0x1E400] =	vst v63  }
0xed: {  	s11 =	simm.s32 $0x2600  }
0xee: {  	[spmem:s2] =	stream.indirect.scatter.add.f32 [tilespmem:s25], [sflag:$0x3], $0x80, s11, s24, $0x2000b8;
	[tilespmem:$0x1E400] =	vst v63  }
0xef: {  	s11 =	simm.s32 $0x2680  }
0xf0: {  	[spmem:s2] =	stream.indirect.scatter.add.f32 [tilespmem:s25], [sflag:$0x4], $0x80, s11, s24, $0x2000b8;
	[tilespmem:$0x1E400] =	vst v63  }
0xf1: {  	s6 =	simm.s32 $0x2700  }
0xf2: {  	[spmem:s2] =	stream.indirect.scatter.add.f32 [tilespmem:s25], [sflag:$0x3], $0x80, s6, s24, $0x2000b8;
	[tilespmem:$0x1E400] =	vst v63  }
0xf3: {  	s6 =	simm.s32 $0x2780  }
0xf4: {  	[spmem:s2] =	stream.indirect.scatter.add.f32 [tilespmem:s25], [sflag:$0x4], $0x80, s6, s24, $0x2000b8;
	[tilespmem:$0x1E400] =	vst v63  }
0xf5: {  	_ =	swait.ge [sflag:s30], $0x4000  }
0xf6: {  	[sflag:s30] =	ssyncset.done $0x0  }
0xf7: {  	[sflag:s30] =	ssyncadd.s32 $0xFFFFC000  }
0xf8: {  	_ =	swait.ge [sflag:s31], $0x4000  }
0xf9: {  	[sflag:s31] =	ssyncset.done $0x0  }
0xfa: {  	[sflag:s31] =	ssyncadd.s32 $0xFFFFC000  }
0xfb: {  	_ =	swait.ge [sflag:s30], $0x4000  }
0xfc: {  	[sflag:s30] =	ssyncset.done $0x0  }
0xfd: {  	[sflag:s30] =	ssyncadd.s32 $0xFFFFC000  }
0xfe: {  	_ =	swait.ge [sflag:s31], $0x4000  }
0xff: {  	[sflag:s31] =	ssyncset.done $0x0  }
0x100: {  	[sflag:s31] =	ssyncadd.s32 $0xFFFFC000  }
0x101: {  	_ =	swait.ge [sflag:s30], $0x4000  }
0x102: {  	[sflag:s30] =	ssyncset.done $0x0  }
0x103: {  	[sflag:s30] =	ssyncadd.s32 $0xFFFFC000  }
0x104: {  	_ =	swait.ge [sflag:s31], $0x4000  }
0x105: {  	[sflag:s31] =	ssyncset.done $0x0  }
0x106: {  	[sflag:s31] =	ssyncadd.s32 $0xFFFFC000  }
0x107: {  	_ =	swait.ge [sflag:s30], $0x4000  }
0x108: {  	[sflag:s30] =	ssyncset.done $0x0  }
0x109: {  	[sflag:s30] =	ssyncadd.s32 $0xFFFFC000  }
0x10a: {  	_ =	swait.ge [sflag:s31], $0x4000  }
0x10b: {  	[sflag:s31] =	ssyncset.done $0x0  }
0x10c: {  	s6 =	rddreg [dreg:$0x7];
	[sflag:s31] =	ssyncadd.s32 $0xFFFFC000  }
0x10d: {  	[tilespmem:s23], [sflag:$0x5] =	stream.linear.gather [hbm4b:s6+s7], $0x1400, $0x200038;
	[tilespmem:$0x1E400] =	vst v63  }
0x10e: {  	_ =	swait.ge [sflag:s22], $0x1400  }
0x10f: {  	[sflag:s22] =	ssyncset.done $0x0  }
0x110: {  	[sflag:s22] =	ssyncadd.s32 $0xFFFFEC00  }
0x111: {  	[spmem:s2] =	stream.indirect.scatter.add.f32 [tilespmem:s25], [sflag:$0x3], $0x80, s23, s24, $0x2000b8;
	[tilespmem:$0x1E400] =	vst v63  }
0x112: {  	s6 =	simm.s32 $0x1480  }
0x113: {  	[spmem:s2] =	stream.indirect.scatter.add.f32 [tilespmem:s25], [sflag:$0x4], $0x80, s6, s24, $0x2000b8;
	[tilespmem:$0x1E400] =	vst v63  }
0x114: {  	s6 =	simm.s32 $0x1500  }
0x115: {  	[spmem:s2] =	stream.indirect.scatter.add.f32 [tilespmem:s25], [sflag:$0x3], $0x80, s6, s24, $0x2000b8;
	[tilespmem:$0x1E400] =	vst v63  }
0x116: {  	s13 =	simm.s32 $0x1580  }
0x117: {  	[spmem:s2] =	stream.indirect.scatter.add.f32 [tilespmem:s25], [sflag:$0x4], $0x80, s13, s24, $0x2000b8;
	[tilespmem:$0x1E400] =	vst v63  }
0x118: {  	s10 =	simm.s32 $0x1600  }
0x119: {  	[spmem:s2] =	stream.indirect.scatter.add.f32 [tilespmem:s25], [sflag:$0x3], $0x80, s10, s24, $0x2000b8;
	[tilespmem:$0x1E400] =	vst v63  }
0x11a: {  	s9 =	simm.s32 $0x1680  }
0x11b: {  	[spmem:s2] =	stream.indirect.scatter.add.f32 [tilespmem:s25], [sflag:$0x4], $0x80, s9, s24, $0x2000b8;
	[tilespmem:$0x1E400] =	vst v63  }
0x11c: {  	s4 =	simm.s32 $0x1700  }
0x11d: {  	[spmem:s2] =	stream.indirect.scatter.add.f32 [tilespmem:s25], [sflag:$0x3], $0x80, s4, s24, $0x2000b8;
	[tilespmem:$0x1E400] =	vst v63  }
0x11e: {  	s1 =	simm.s32 $0x1780  }
0x11f: {  	[spmem:s2] =	stream.indirect.scatter.add.f32 [tilespmem:s25], [sflag:$0x4], $0x80, s1, s24, $0x2000b8;
	[tilespmem:$0x1E400] =	vst v63  }
0x120: {  	_ =	swait.ge [sflag:s30], $0x4000  }
0x121: {  	[sflag:s30] =	ssyncset.done $0x0  }
0x122: {  	[sflag:s30] =	ssyncadd.s32 $0xFFFFC000  }
0x123: {  	_ =	swait.ge [sflag:s31], $0x4000  }
0x124: {  	[sflag:s31] =	ssyncset.done $0x0  }
0x125: {  	[sflag:s31] =	ssyncadd.s32 $0xFFFFC000  }
0x126: {  	_ =	swait.ge [sflag:s30], $0x4000  }
0x127: {  	[sflag:s30] =	ssyncset.done $0x0  }
0x128: {  	[sflag:s30] =	ssyncadd.s32 $0xFFFFC000  }
0x129: {  	_ =	swait.ge [sflag:s31], $0x4000  }
0x12a: {  	[sflag:s31] =	ssyncset.done $0x0  }
0x12b: {  	[sflag:s31] =	ssyncadd.s32 $0xFFFFC000  }
0x12c: {  	_ =	swait.ge [sflag:s30], $0x4000  }
0x12d: {  	[sflag:s30] =	ssyncset.done $0x0  }
0x12e: {  	[sflag:s30] =	ssyncadd.s32 $0xFFFFC000  }
0x12f: {  	_ =	swait.ge [sflag:s31], $0x4000  }
0x130: {  	[sflag:s31] =	ssyncset.done $0x0  }
0x131: {  	[sflag:s31] =	ssyncadd.s32 $0xFFFFC000  }
0x132: {  	_ =	swait.ge [sflag:s30], $0x4000  }
0x133: {  	[sflag:s30] =	ssyncset.done $0x0  }
0x134: {  	[sflag:s30] =	ssyncadd.s32 $0xFFFFC000  }
0x135: {  	_ =	swait.ge [sflag:s31], $0x4000  }
0x136: {  	[sflag:s31] =	ssyncset.done $0x0  }
0x137: {  	s4 =	simm.s32 $0x1800;
	[sflag:s31] =	ssyncadd.s32 $0xFFFFC000  }
0x138: {  	[spmem:s2] =	stream.indirect.scatter.add.f32 [tilespmem:s25], [sflag:$0x3], $0x80, s4, s24, $0x2000b8;
	[tilespmem:$0x1E400] =	vst v63  }
0x139: {  	s6 =	simm.s32 $0x1880  }
0x13a: {  	[spmem:s2] =	stream.indirect.scatter.add.f32 [tilespmem:s25], [sflag:$0x4], $0x80, s6, s24, $0x2000b8;
	[tilespmem:$0x1E400] =	vst v63  }
0x13b: {  	s9 =	simm.s32 $0x1900  }
0x13c: {  	[spmem:s2] =	stream.indirect.scatter.add.f32 [tilespmem:s25], [sflag:$0x3], $0x80, s9, s24, $0x2000b8;
	[tilespmem:$0x1E400] =	vst v63  }
0x13d: {  	s10 =	simm.s32 $0x1980  }
0x13e: {  	[spmem:s2] =	stream.indirect.scatter.add.f32 [tilespmem:s25], [sflag:$0x4], $0x80, s10, s24, $0x2000b8;
	[tilespmem:$0x1E400] =	vst v63  }
0x13f: {  	s13 =	simm.s32 $0x1A00  }
0x140: {  	[spmem:s2] =	stream.indirect.scatter.add.f32 [tilespmem:s25], [sflag:$0x3], $0x80, s13, s24, $0x2000b8;
	[tilespmem:$0x1E400] =	vst v63  }
0x141: {  	s3 =	simm.s32 $0x1A80  }
0x142: {  	[spmem:s2] =	stream.indirect.scatter.add.f32 [tilespmem:s25], [sflag:$0x4], $0x80, s3, s24, $0x2000b8;
	[tilespmem:$0x1E400] =	vst v63  }
0x143: {  	s0 =	simm.s32 $0x1B00  }
0x144: {  	[spmem:s2] =	stream.indirect.scatter.add.f32 [tilespmem:s25], [sflag:$0x3], $0x80, s0, s24, $0x2000b8;
	[tilespmem:$0x1E400] =	vst v63  }
0x145: {  	s14 =	simm.s32 $0x1B80  }
0x146: {  	[spmem:s2] =	stream.indirect.scatter.add.f32 [tilespmem:s25], [sflag:$0x4], $0x80, s14, s24, $0x2000b8;
	[tilespmem:$0x1E400] =	vst v63  }
0x147: {  	_ =	swait.ge [sflag:s30], $0x4000  }
0x148: {  	[sflag:s30] =	ssyncset.done $0x0  }
0x149: {  	[sflag:s30] =	ssyncadd.s32 $0xFFFFC000  }
0x14a: {  	_ =	swait.ge [sflag:s31], $0x4000  }
0x14b: {  	[sflag:s31] =	ssyncset.done $0x0  }
0x14c: {  	[sflag:s31] =	ssyncadd.s32 $0xFFFFC000  }
0x14d: {  	_ =	swait.ge [sflag:s30], $0x4000  }
0x14e: {  	[sflag:s30] =	ssyncset.done $0x0  }
0x14f: {  	[sflag:s30] =	ssyncadd.s32 $0xFFFFC000  }
0x150: {  	_ =	swait.ge [sflag:s31], $0x4000  }
0x151: {  	[sflag:s31] =	ssyncset.done $0x0  }
0x152: {  	[sflag:s31] =	ssyncadd.s32 $0xFFFFC000  }
0x153: {  	_ =	swait.ge [sflag:s30], $0x4000  }
0x154: {  	[sflag:s30] =	ssyncset.done $0x0  }
0x155: {  	[sflag:s30] =	ssyncadd.s32 $0xFFFFC000  }
0x156: {  	_ =	swait.ge [sflag:s31], $0x4000  }
0x157: {  	[sflag:s31] =	ssyncset.done $0x0  }
0x158: {  	[sflag:s31] =	ssyncadd.s32 $0xFFFFC000  }
0x159: {  	_ =	swait.ge [sflag:s30], $0x4000  }
0x15a: {  	[sflag:s30] =	ssyncset.done $0x0  }
0x15b: {  	[sflag:s30] =	ssyncadd.s32 $0xFFFFC000  }
0x15c: {  	_ =	swait.ge [sflag:s31], $0x4000  }
0x15d: {  	[sflag:s31] =	ssyncset.done $0x0  }
0x15e: {  	s16 =	simm.s32 $0x1C00;
	[sflag:s31] =	ssyncadd.s32 $0xFFFFC000  }
0x15f: {  	[spmem:s2] =	stream.indirect.scatter.add.f32 [tilespmem:s25], [sflag:$0x3], $0x80, s16, s24, $0x2000b8;
	[tilespmem:$0x1E400] =	vst v63  }
0x160: {  	s19 =	simm.s32 $0x1C80  }
0x161: {  	[spmem:s2] =	stream.indirect.scatter.add.f32 [tilespmem:s25], [sflag:$0x4], $0x80, s19, s24, $0x2000b8;
	[tilespmem:$0x1E400] =	vst v63  }
0x162: {  	s20 =	simm.s32 $0x1D00  }
0x163: {  	[spmem:s2] =	stream.indirect.scatter.add.f32 [tilespmem:s25], [sflag:$0x3], $0x80, s20, s24, $0x2000b8;
	[tilespmem:$0x1E400] =	vst v63  }
0x164: {  	s21 =	simm.s32 $0x1D80  }
0x165: {  	[spmem:s2] =	stream.indirect.scatter.add.f32 [tilespmem:s25], [sflag:$0x4], $0x80, s21, s24, $0x2000b8;
	[tilespmem:$0x1E400] =	vst v63  }
0x166: {  	s20 =	simm.s32 $0x1E00  }
0x167: {  	[spmem:s2] =	stream.indirect.scatter.add.f32 [tilespmem:s25], [sflag:$0x3], $0x80, s20, s24, $0x2000b8;
	[tilespmem:$0x1E400] =	vst v63  }
0x168: {  	s21 =	simm.s32 $0x1E80  }
0x169: {  	[spmem:s2] =	stream.indirect.scatter.add.f32 [tilespmem:s25], [sflag:$0x4], $0x80, s21, s24, $0x2000b8;
	[tilespmem:$0x1E400] =	vst v63  }
0x16a: {  	s6 =	simm.s32 $0x1F00  }
0x16b: {  	[spmem:s2] =	stream.indirect.scatter.add.f32 [tilespmem:s25], [sflag:$0x3], $0x80, s6, s24, $0x2000b8;
	[tilespmem:$0x1E400] =	vst v63  }
0x16c: {  	s12 =	simm.s32 $0x1F80  }
0x16d: {  	[spmem:s2] =	stream.indirect.scatter.add.f32 [tilespmem:s25], [sflag:$0x4], $0x80, s12, s24, $0x2000b8;
	[tilespmem:$0x1E400] =	vst v63  }
0x16e: {  	_ =	swait.ge [sflag:s30], $0x4000  }
0x16f: {  	[sflag:s30] =	ssyncset.done $0x0  }
0x170: {  	[sflag:s30] =	ssyncadd.s32 $0xFFFFC000  }
0x171: {  	_ =	swait.ge [sflag:s31], $0x4000  }
0x172: {  	[sflag:s31] =	ssyncset.done $0x0  }
0x173: {  	[sflag:s31] =	ssyncadd.s32 $0xFFFFC000  }
0x174: {  	_ =	swait.ge [sflag:s30], $0x4000  }
0x175: {  	[sflag:s30] =	ssyncset.done $0x0  }
0x176: {  	[sflag:s30] =	ssyncadd.s32 $0xFFFFC000  }
0x177: {  	_ =	swait.ge [sflag:s31], $0x4000  }
0x178: {  	[sflag:s31] =	ssyncset.done $0x0  }
0x179: {  	[sflag:s31] =	ssyncadd.s32 $0xFFFFC000  }
0x17a: {  	_ =	swait.ge [sflag:s30], $0x4000  }
0x17b: {  	[sflag:s30] =	ssyncset.done $0x0  }
0x17c: {  	[sflag:s30] =	ssyncadd.s32 $0xFFFFC000  }
0x17d: {  	_ =	swait.ge [sflag:s31], $0x4000  }
0x17e: {  	[sflag:s31] =	ssyncset.done $0x0  }
0x17f: {  	[sflag:s31] =	ssyncadd.s32 $0xFFFFC000  }
0x180: {  	_ =	swait.ge [sflag:s30], $0x4000  }
0x181: {  	[sflag:s30] =	ssyncset.done $0x0  }
0x182: {  	[sflag:s30] =	ssyncadd.s32 $0xFFFFC000  }
0x183: {  	_ =	swait.ge [sflag:s31], $0x4000  }
0x184: {  	[sflag:s31] =	ssyncset.done $0x0  }
0x185: {  	s12 =	simm.s32 $0x2000;
	[sflag:s31] =	ssyncadd.s32 $0xFFFFC000  }
0x186: {  	[spmem:s2] =	stream.indirect.scatter.add.f32 [tilespmem:s25], [sflag:$0x3], $0x80, s12, s24, $0x2000b8;
	[tilespmem:$0x1E400] =	vst v63  }
0x187: {  	s20 =	simm.s32 $0x2080  }
0x188: {  	[spmem:s2] =	stream.indirect.scatter.add.f32 [tilespmem:s25], [sflag:$0x4], $0x80, s20, s24, $0x2000b8;
	[tilespmem:$0x1E400] =	vst v63  }
0x189: {  	s21 =	simm.s32 $0x2100  }
0x18a: {  	[spmem:s2] =	stream.indirect.scatter.add.f32 [tilespmem:s25], [sflag:$0x3], $0x80, s21, s24, $0x2000b8;
	[tilespmem:$0x1E400] =	vst v63  }
0x18b: {  	s6 =	simm.s32 $0x2180  }
0x18c: {  	[spmem:s2] =	stream.indirect.scatter.add.f32 [tilespmem:s25], [sflag:$0x4], $0x80, s6, s24, $0x2000b8;
	[tilespmem:$0x1E400] =	vst v63  }
0x18d: {  	s6 =	simm.s32 $0x2200  }
0x18e: {  	[spmem:s2] =	stream.indirect.scatter.add.f32 [tilespmem:s25], [sflag:$0x3], $0x80, s6, s24, $0x2000b8;
	[tilespmem:$0x1E400] =	vst v63  }
0x18f: {  	s6 =	simm.s32 $0x2280  }
0x190: {  	[spmem:s2] =	stream.indirect.scatter.add.f32 [tilespmem:s25], [sflag:$0x4], $0x80, s6, s24, $0x2000b8;
	[tilespmem:$0x1E400] =	vst v63  }
0x191: {  	s6 =	simm.s32 $0x2300  }
0x192: {  	[spmem:s2] =	stream.indirect.scatter.add.f32 [tilespmem:s25], [sflag:$0x3], $0x80, s6, s24, $0x2000b8;
	[tilespmem:$0x1E400] =	vst v63  }
0x193: {  	s15 =	simm.s32 $0x2380  }
0x194: {  	[spmem:s2] =	stream.indirect.scatter.add.f32 [tilespmem:s25], [sflag:$0x4], $0x80, s15, s24, $0x2000b8;
	[tilespmem:$0x1E400] =	vst v63  }
0x195: {  	_ =	swait.ge [sflag:s30], $0x4000  }
0x196: {  	[sflag:s30] =	ssyncset.done $0x0  }
0x197: {  	[sflag:s30] =	ssyncadd.s32 $0xFFFFC000  }
0x198: {  	_ =	swait.ge [sflag:s31], $0x4000  }
0x199: {  	[sflag:s31] =	ssyncset.done $0x0  }
0x19a: {  	[sflag:s31] =	ssyncadd.s32 $0xFFFFC000  }
0x19b: {  	_ =	swait.ge [sflag:s30], $0x4000  }
0x19c: {  	[sflag:s30] =	ssyncset.done $0x0  }
0x19d: {  	[sflag:s30] =	ssyncadd.s32 $0xFFFFC000  }
0x19e: {  	_ =	swait.ge [sflag:s31], $0x4000  }
0x19f: {  	[sflag:s31] =	ssyncset.done $0x0  }
0x1a0: {  	[sflag:s31] =	ssyncadd.s32 $0xFFFFC000  }
0x1a1: {  	_ =	swait.ge [sflag:s30], $0x4000  }
0x1a2: {  	[sflag:s30] =	ssyncset.done $0x0  }
0x1a3: {  	[sflag:s30] =	ssyncadd.s32 $0xFFFFC000  }
0x1a4: {  	_ =	swait.ge [sflag:s31], $0x4000  }
0x1a5: {  	[sflag:s31] =	ssyncset.done $0x0  }
0x1a6: {  	[sflag:s31] =	ssyncadd.s32 $0xFFFFC000  }
0x1a7: {  	_ =	swait.ge [sflag:s30], $0x4000  }
0x1a8: {  	[sflag:s30] =	ssyncset.done $0x0  }
0x1a9: {  	[sflag:s30] =	ssyncadd.s32 $0xFFFFC000  }
0x1aa: {  	_ =	swait.ge [sflag:s31], $0x4000  }
0x1ab: {  	[sflag:s31] =	ssyncset.done $0x0  }
0x1ac: {  	s6 =	simm.s32 $0x2400;
	[sflag:s31] =	ssyncadd.s32 $0xFFFFC000  }
0x1ad: {  	[spmem:s2] =	stream.indirect.scatter.add.f32 [tilespmem:s25], [sflag:$0x3], $0x80, s6, s24, $0x2000b8;
	[tilespmem:$0x1E400] =	vst v63  }
0x1ae: {  	s15 =	simm.s32 $0x2480  }
0x1af: {  	[spmem:s2] =	stream.indirect.scatter.add.f32 [tilespmem:s25], [sflag:$0x4], $0x80, s15, s24, $0x2000b8;
	[tilespmem:$0x1E400] =	vst v63  }
0x1b0: {  	s6 =	simm.s32 $0x2500  }
0x1b1: {  	[spmem:s2] =	stream.indirect.scatter.add.f32 [tilespmem:s25], [sflag:$0x3], $0x80, s6, s24, $0x2000b8;
	[tilespmem:$0x1E400] =	vst v63  }
0x1b2: {  	s15 =	simm.s32 $0x2580  }
0x1b3: {  	[spmem:s2] =	stream.indirect.scatter.add.f32 [tilespmem:s25], [sflag:$0x4], $0x80, s15, s24, $0x2000b8;
	[tilespmem:$0x1E400] =	vst v63  }
0x1b4: {  	s6 =	simm.s32 $0x2600  }
0x1b5: {  	[spmem:s2] =	stream.indirect.scatter.add.f32 [tilespmem:s25], [sflag:$0x3], $0x80, s6, s24, $0x2000b8;
	[tilespmem:$0x1E400] =	vst v63  }
0x1b6: {  	s11 =	simm.s32 $0x2680  }
0x1b7: {  	[spmem:s2] =	stream.indirect.scatter.add.f32 [tilespmem:s25], [sflag:$0x4], $0x80, s11, s24, $0x2000b8;
	[tilespmem:$0x1E400] =	vst v63  }
0x1b8: {  	s15 =	simm.s32 $0x2700  }
0x1b9: {  	[spmem:s2] =	stream.indirect.scatter.add.f32 [tilespmem:s25], [sflag:$0x3], $0x80, s15, s24, $0x2000b8;
	[tilespmem:$0x1E400] =	vst v63  }
0x1ba: {  	s0 =	simm.s32 $0x2780  }
0x1bb: {  	[spmem:s2] =	stream.indirect.scatter.add.f32 [tilespmem:s25], [sflag:$0x4], $0x80, s0, s24, $0x2000b8;
	[tilespmem:$0x1E400] =	vst v63  }
0x1bc: {  	_ =	swait.ge [sflag:s30], $0x4000  }
0x1bd: {  	[sflag:s30] =	ssyncset.done $0x0  }
0x1be: {  	[sflag:s30] =	ssyncadd.s32 $0xFFFFC000  }
0x1bf: {  	_ =	swait.ge [sflag:s31], $0x4000  }
0x1c0: {  	[sflag:s31] =	ssyncset.done $0x0  }
0x1c1: {  	[sflag:s31] =	ssyncadd.s32 $0xFFFFC000  }
0x1c2: {  	_ =	swait.ge [sflag:s30], $0x4000  }
0x1c3: {  	[sflag:s30] =	ssyncset.done $0x0  }
0x1c4: {  	[sflag:s30] =	ssyncadd.s32 $0xFFFFC000  }
0x1c5: {  	_ =	swait.ge [sflag:s31], $0x4000  }
0x1c6: {  	[sflag:s31] =	ssyncset.done $0x0  }
0x1c7: {  	[sflag:s31] =	ssyncadd.s32 $0xFFFFC000  }
0x1c8: {  	_ =	swait.ge [sflag:s30], $0x4000  }
0x1c9: {  	[sflag:s30] =	ssyncset.done $0x0  }
0x1ca: {  	[sflag:s30] =	ssyncadd.s32 $0xFFFFC000  }
0x1cb: {  	_ =	swait.ge [sflag:s31], $0x4000  }
0x1cc: {  	[sflag:s31] =	ssyncset.done $0x0  }
0x1cd: {  	[sflag:s31] =	ssyncadd.s32 $0xFFFFC000  }
0x1ce: {  	_ =	swait.ge [sflag:s30], $0x4000  }
0x1cf: {  	[sflag:s30] =	ssyncset.done $0x0  }
0x1d0: {  	[sflag:s30] =	ssyncadd.s32 $0xFFFFC000  }
0x1d1: {  	_ =	swait.ge [sflag:s31], $0x4000  }
0x1d2: {  	[sflag:s31] =	ssyncset.done $0x0  }
0x1d3: {  	s11 =	rddreg [dreg:$0x8];
	[sflag:s31] =	ssyncadd.s32 $0xFFFFC000  }
0x1d4: {  	[tilespmem:s23], [sflag:$0x5] =	stream.linear.gather [hbm4b:s11+s7], $0x1400, $0x200038;
	[tilespmem:$0x1E400] =	vst v63  }
0x1d5: {  	_ =	swait.ge [sflag:s22], $0x1400  }
0x1d6: {  	[sflag:s22] =	ssyncset.done $0x0  }
0x1d7: {  	[sflag:s22] =	ssyncadd.s32 $0xFFFFEC00  }
0x1d8: {  	[spmem:s2] =	stream.indirect.scatter.add.f32 [tilespmem:s25], [sflag:$0x3], $0x80, s23, s24, $0x2000b8;
	[tilespmem:$0x1E400] =	vst v63  }
0x1d9: {  	s15 =	simm.s32 $0x1480  }
0x1da: {  	[spmem:s2] =	stream.indirect.scatter.add.f32 [tilespmem:s25], [sflag:$0x4], $0x80, s15, s24, $0x2000b8;
	[tilespmem:$0x1E400] =	vst v63  }
0x1db: {  	s6 =	simm.s32 $0x1500  }
0x1dc: {  	[spmem:s2] =	stream.indirect.scatter.add.f32 [tilespmem:s25], [sflag:$0x3], $0x80, s6, s24, $0x2000b8;
	[tilespmem:$0x1E400] =	vst v63  }
0x1dd: {  	s11 =	simm.s32 $0x1580  }
0x1de: {  	[spmem:s2] =	stream.indirect.scatter.add.f32 [tilespmem:s25], [sflag:$0x4], $0x80, s11, s24, $0x2000b8;
	[tilespmem:$0x1E400] =	vst v63  }
0x1df: {  	s15 =	simm.s32 $0x1600  }
0x1e0: {  	[spmem:s2] =	stream.indirect.scatter.add.f32 [tilespmem:s25], [sflag:$0x3], $0x80, s15, s24, $0x2000b8;
	[tilespmem:$0x1E400] =	vst v63  }
0x1e1: {  	s6 =	simm.s32 $0x1680  }
0x1e2: {  	[spmem:s2] =	stream.indirect.scatter.add.f32 [tilespmem:s25], [sflag:$0x4], $0x80, s6, s24, $0x2000b8;
	[tilespmem:$0x1E400] =	vst v63  }
0x1e3: {  	s11 =	simm.s32 $0x1700  }
0x1e4: {  	[spmem:s2] =	stream.indirect.scatter.add.f32 [tilespmem:s25], [sflag:$0x3], $0x80, s11, s24, $0x2000b8;
	[tilespmem:$0x1E400] =	vst v63  }
0x1e5: {  	s15 =	simm.s32 $0x1780  }
0x1e6: {  	[spmem:s2] =	stream.indirect.scatter.add.f32 [tilespmem:s25], [sflag:$0x4], $0x80, s15, s24, $0x2000b8;
	[tilespmem:$0x1E400] =	vst v63  }
0x1e7: {  	_ =	swait.ge [sflag:s30], $0x4000  }
0x1e8: {  	[sflag:s30] =	ssyncset.done $0x0  }
0x1e9: {  	[sflag:s30] =	ssyncadd.s32 $0xFFFFC000  }
0x1ea: {  	_ =	swait.ge [sflag:s31], $0x4000  }
0x1eb: {  	[sflag:s31] =	ssyncset.done $0x0  }
0x1ec: {  	[sflag:s31] =	ssyncadd.s32 $0xFFFFC000  }
0x1ed: {  	_ =	swait.ge [sflag:s30], $0x4000  }
0x1ee: {  	[sflag:s30] =	ssyncset.done $0x0  }
0x1ef: {  	[sflag:s30] =	ssyncadd.s32 $0xFFFFC000  }
0x1f0: {  	_ =	swait.ge [sflag:s31], $0x4000  }
0x1f1: {  	[sflag:s31] =	ssyncset.done $0x0  }
0x1f2: {  	[sflag:s31] =	ssyncadd.s32 $0xFFFFC000  }
0x1f3: {  	_ =	swait.ge [sflag:s30], $0x4000  }
0x1f4: {  	[sflag:s30] =	ssyncset.done $0x0  }
0x1f5: {  	[sflag:s30] =	ssyncadd.s32 $0xFFFFC000  }
0x1f6: {  	_ =	swait.ge [sflag:s31], $0x4000  }
0x1f7: {  	[sflag:s31] =	ssyncset.done $0x0  }
0x1f8: {  	[sflag:s31] =	ssyncadd.s32 $0xFFFFC000  }
0x1f9: {  	_ =	swait.ge [sflag:s30], $0x4000  }
0x1fa: {  	[sflag:s30] =	ssyncset.done $0x0  }
0x1fb: {  	[sflag:s30] =	ssyncadd.s32 $0xFFFFC000  }
0x1fc: {  	_ =	swait.ge [sflag:s31], $0x4000  }
0x1fd: {  	[sflag:s31] =	ssyncset.done $0x0  }
0x1fe: {  	s6 =	simm.s32 $0x1800;
	[sflag:s31] =	ssyncadd.s32 $0xFFFFC000  }
0x1ff: {  	[spmem:s2] =	stream.indirect.scatter.add.f32 [tilespmem:s25], [sflag:$0x3], $0x80, s6, s24, $0x2000b8;
	[tilespmem:$0x1E400] =	vst v63  }
0x200: {  	s11 =	simm.s32 $0x1880  }
0x201: {  	[spmem:s2] =	stream.indirect.scatter.add.f32 [tilespmem:s25], [sflag:$0x4], $0x80, s11, s24, $0x2000b8;
	[tilespmem:$0x1E400] =	vst v63  }
0x202: {  	s15 =	simm.s32 $0x1900  }
0x203: {  	[spmem:s2] =	stream.indirect.scatter.add.f32 [tilespmem:s25], [sflag:$0x3], $0x80, s15, s24, $0x2000b8;
	[tilespmem:$0x1E400] =	vst v63  }
0x204: {  	s6 =	simm.s32 $0x1980  }
0x205: {  	[spmem:s2] =	stream.indirect.scatter.add.f32 [tilespmem:s25], [sflag:$0x4], $0x80, s6, s24, $0x2000b8;
	[tilespmem:$0x1E400] =	vst v63  }
0x206: {  	s11 =	simm.s32 $0x1A00  }
0x207: {  	[spmem:s2] =	stream.indirect.scatter.add.f32 [tilespmem:s25], [sflag:$0x3], $0x80, s11, s24, $0x2000b8;
	[tilespmem:$0x1E400] =	vst v63  }
0x208: {  	s15 =	simm.s32 $0x1A80  }
0x209: {  	[spmem:s2] =	stream.indirect.scatter.add.f32 [tilespmem:s25], [sflag:$0x4], $0x80, s15, s24, $0x2000b8;
	[tilespmem:$0x1E400] =	vst v63  }
0x20a: {  	s3 =	simm.s32 $0x1B00  }
0x20b: {  	[spmem:s2] =	stream.indirect.scatter.add.f32 [tilespmem:s25], [sflag:$0x3], $0x80, s3, s24, $0x2000b8;
	[tilespmem:$0x1E400] =	vst v63  }
0x20c: {  	s1 =	simm.s32 $0x1B80  }
0x20d: {  	[spmem:s2] =	stream.indirect.scatter.add.f32 [tilespmem:s25], [sflag:$0x4], $0x80, s1, s24, $0x2000b8;
	[tilespmem:$0x1E400] =	vst v63  }
0x20e: {  	_ =	swait.ge [sflag:s30], $0x4000  }
0x20f: {  	[sflag:s30] =	ssyncset.done $0x0  }
0x210: {  	[sflag:s30] =	ssyncadd.s32 $0xFFFFC000  }
0x211: {  	_ =	swait.ge [sflag:s31], $0x4000  }
0x212: {  	[sflag:s31] =	ssyncset.done $0x0  }
0x213: {  	[sflag:s31] =	ssyncadd.s32 $0xFFFFC000  }
0x214: {  	_ =	swait.ge [sflag:s30], $0x4000  }
0x215: {  	[sflag:s30] =	ssyncset.done $0x0  }
0x216: {  	[sflag:s30] =	ssyncadd.s32 $0xFFFFC000  }
0x217: {  	_ =	swait.ge [sflag:s31], $0x4000  }
0x218: {  	[sflag:s31] =	ssyncset.done $0x0  }
0x219: {  	[sflag:s31] =	ssyncadd.s32 $0xFFFFC000  }
0x21a: {  	_ =	swait.ge [sflag:s30], $0x4000  }
0x21b: {  	[sflag:s30] =	ssyncset.done $0x0  }
0x21c: {  	[sflag:s30] =	ssyncadd.s32 $0xFFFFC000  }
0x21d: {  	_ =	swait.ge [sflag:s31], $0x4000  }
0x21e: {  	[sflag:s31] =	ssyncset.done $0x0  }
0x21f: {  	[sflag:s31] =	ssyncadd.s32 $0xFFFFC000  }
0x220: {  	_ =	swait.ge [sflag:s30], $0x4000  }
0x221: {  	[sflag:s30] =	ssyncset.done $0x0  }
0x222: {  	[sflag:s30] =	ssyncadd.s32 $0xFFFFC000  }
0x223: {  	_ =	swait.ge [sflag:s31], $0x4000  }
0x224: {  	[sflag:s31] =	ssyncset.done $0x0  }
0x225: {  	s4 =	simm.s32 $0x1C00;
	[sflag:s31] =	ssyncadd.s32 $0xFFFFC000  }
0x226: {  	[spmem:s2] =	stream.indirect.scatter.add.f32 [tilespmem:s25], [sflag:$0x3], $0x80, s4, s24, $0x2000b8;
	[tilespmem:$0x1E400] =	vst v63  }
0x227: {  	s9 =	simm.s32 $0x1C80  }
0x228: {  	[spmem:s2] =	stream.indirect.scatter.add.f32 [tilespmem:s25], [sflag:$0x4], $0x80, s9, s24, $0x2000b8;
	[tilespmem:$0x1E400] =	vst v63  }
0x229: {  	s10 =	simm.s32 $0x1D00  }
0x22a: {  	[spmem:s2] =	stream.indirect.scatter.add.f32 [tilespmem:s25], [sflag:$0x3], $0x80, s10, s24, $0x2000b8;
	[tilespmem:$0x1E400] =	vst v63  }
0x22b: {  	s13 =	simm.s32 $0x1D80  }
0x22c: {  	[spmem:s2] =	stream.indirect.scatter.add.f32 [tilespmem:s25], [sflag:$0x4], $0x80, s13, s24, $0x2000b8;
	[tilespmem:$0x1E400] =	vst v63  }
0x22d: {  	s14 =	simm.s32 $0x1E00  }
0x22e: {  	[spmem:s2] =	stream.indirect.scatter.add.f32 [tilespmem:s25], [sflag:$0x3], $0x80, s14, s24, $0x2000b8;
	[tilespmem:$0x1E400] =	vst v63  }
0x22f: {  	s16 =	simm.s32 $0x1E80  }
0x230: {  	[spmem:s2] =	stream.indirect.scatter.add.f32 [tilespmem:s25], [sflag:$0x4], $0x80, s16, s24, $0x2000b8;
	[tilespmem:$0x1E400] =	vst v63  }
0x231: {  	s19 =	simm.s32 $0x1F00  }
0x232: {  	[spmem:s2] =	stream.indirect.scatter.add.f32 [tilespmem:s25], [sflag:$0x3], $0x80, s19, s24, $0x2000b8;
	[tilespmem:$0x1E400] =	vst v63  }
0x233: {  	s19 =	simm.s32 $0x1F80  }
0x234: {  	[spmem:s2] =	stream.indirect.scatter.add.f32 [tilespmem:s25], [sflag:$0x4], $0x80, s19, s24, $0x2000b8;
	[tilespmem:$0x1E400] =	vst v63  }
0x235: {  	_ =	swait.ge [sflag:s30], $0x4000  }
0x236: {  	[sflag:s30] =	ssyncset.done $0x0  }
0x237: {  	[sflag:s30] =	ssyncadd.s32 $0xFFFFC000  }
0x238: {  	_ =	swait.ge [sflag:s31], $0x4000  }
0x239: {  	[sflag:s31] =	ssyncset.done $0x0  }
0x23a: {  	[sflag:s31] =	ssyncadd.s32 $0xFFFFC000  }
0x23b: {  	_ =	swait.ge [sflag:s30], $0x4000  }
0x23c: {  	[sflag:s30] =	ssyncset.done $0x0  }
0x23d: {  	[sflag:s30] =	ssyncadd.s32 $0xFFFFC000  }
0x23e: {  	_ =	swait.ge [sflag:s31], $0x4000  }
0x23f: {  	[sflag:s31] =	ssyncset.done $0x0  }
0x240: {  	[sflag:s31] =	ssyncadd.s32 $0xFFFFC000  }
0x241: {  	_ =	swait.ge [sflag:s30], $0x4000  }
0x242: {  	[sflag:s30] =	ssyncset.done $0x0  }
0x243: {  	[sflag:s30] =	ssyncadd.s32 $0xFFFFC000  }
0x244: {  	_ =	swait.ge [sflag:s31], $0x4000  }
0x245: {  	[sflag:s31] =	ssyncset.done $0x0  }
0x246: {  	[sflag:s31] =	ssyncadd.s32 $0xFFFFC000  }
0x247: {  	_ =	swait.ge [sflag:s30], $0x4000  }
0x248: {  	[sflag:s30] =	ssyncset.done $0x0  }
0x249: {  	[sflag:s30] =	ssyncadd.s32 $0xFFFFC000  }
0x24a: {  	_ =	swait.ge [sflag:s31], $0x4000  }
0x24b: {  	[sflag:s31] =	ssyncset.done $0x0  }
0x24c: {  	s12 =	simm.s32 $0x2000;
	[sflag:s31] =	ssyncadd.s32 $0xFFFFC000  }
0x24d: {  	[spmem:s2] =	stream.indirect.scatter.add.f32 [tilespmem:s25], [sflag:$0x3], $0x80, s12, s24, $0x2000b8;
	[tilespmem:$0x1E400] =	vst v63  }
0x24e: {  	s20 =	simm.s32 $0x2080  }
0x24f: {  	[spmem:s2] =	stream.indirect.scatter.add.f32 [tilespmem:s25], [sflag:$0x4], $0x80, s20, s24, $0x2000b8;
	[tilespmem:$0x1E400] =	vst v63  }
0x250: {  	s21 =	simm.s32 $0x2100  }
0x251: {  	[spmem:s2] =	stream.indirect.scatter.add.f32 [tilespmem:s25], [sflag:$0x3], $0x80, s21, s24, $0x2000b8;
	[tilespmem:$0x1E400] =	vst v63  }
0x252: {  	s21 =	simm.s32 $0x2180  }
0x253: {  	[spmem:s2] =	stream.indirect.scatter.add.f32 [tilespmem:s25], [sflag:$0x4], $0x80, s21, s24, $0x2000b8;
	[tilespmem:$0x1E400] =	vst v63  }
0x254: {  	s1 =	simm.s32 $0x2200  }
0x255: {  	[spmem:s2] =	stream.indirect.scatter.add.f32 [tilespmem:s25], [sflag:$0x3], $0x80, s1, s24, $0x2000b8;
	[tilespmem:$0x1E400] =	vst v63  }
0x256: {  	s3 =	simm.s32 $0x2280  }
0x257: {  	[spmem:s2] =	stream.indirect.scatter.add.f32 [tilespmem:s25], [sflag:$0x4], $0x80, s3, s24, $0x2000b8;
	[tilespmem:$0x1E400] =	vst v63  }
0x258: {  	s6 =	simm.s32 $0x2300  }
0x259: {  	[spmem:s2] =	stream.indirect.scatter.add.f32 [tilespmem:s25], [sflag:$0x3], $0x80, s6, s24, $0x2000b8;
	[tilespmem:$0x1E400] =	vst v63  }
0x25a: {  	s1 =	simm.s32 $0x2380  }
0x25b: {  	[spmem:s2] =	stream.indirect.scatter.add.f32 [tilespmem:s25], [sflag:$0x4], $0x80, s1, s24, $0x2000b8;
	[tilespmem:$0x1E400] =	vst v63  }
0x25c: {  	_ =	swait.ge [sflag:s30], $0x4000  }
0x25d: {  	[sflag:s30] =	ssyncset.done $0x0  }
0x25e: {  	[sflag:s30] =	ssyncadd.s32 $0xFFFFC000  }
0x25f: {  	_ =	swait.ge [sflag:s31], $0x4000  }
0x260: {  	[sflag:s31] =	ssyncset.done $0x0  }
0x261: {  	[sflag:s31] =	ssyncadd.s32 $0xFFFFC000  }
0x262: {  	_ =	swait.ge [sflag:s30], $0x4000  }
0x263: {  	[sflag:s30] =	ssyncset.done $0x0  }
0x264: {  	[sflag:s30] =	ssyncadd.s32 $0xFFFFC000  }
0x265: {  	_ =	swait.ge [sflag:s31], $0x4000  }
0x266: {  	[sflag:s31] =	ssyncset.done $0x0  }
0x267: {  	[sflag:s31] =	ssyncadd.s32 $0xFFFFC000  }
0x268: {  	_ =	swait.ge [sflag:s30], $0x4000  }
0x269: {  	[sflag:s30] =	ssyncset.done $0x0  }
0x26a: {  	[sflag:s30] =	ssyncadd.s32 $0xFFFFC000  }
0x26b: {  	_ =	swait.ge [sflag:s31], $0x4000  }
0x26c: {  	[sflag:s31] =	ssyncset.done $0x0  }
0x26d: {  	[sflag:s31] =	ssyncadd.s32 $0xFFFFC000  }
0x26e: {  	_ =	swait.ge [sflag:s30], $0x4000  }
0x26f: {  	[sflag:s30] =	ssyncset.done $0x0  }
0x270: {  	[sflag:s30] =	ssyncadd.s32 $0xFFFFC000  }
0x271: {  	_ =	swait.ge [sflag:s31], $0x4000  }
0x272: {  	[sflag:s31] =	ssyncset.done $0x0  }
0x273: {  	s3 =	simm.s32 $0x2400;
	[sflag:s31] =	ssyncadd.s32 $0xFFFFC000  }
0x274: {  	[spmem:s2] =	stream.indirect.scatter.add.f32 [tilespmem:s25], [sflag:$0x3], $0x80, s3, s24, $0x2000b8;
	[tilespmem:$0x1E400] =	vst v63  }
0x275: {  	s6 =	simm.s32 $0x2480  }
0x276: {  	[spmem:s2] =	stream.indirect.scatter.add.f32 [tilespmem:s25], [sflag:$0x4], $0x80, s6, s24, $0x2000b8;
	[tilespmem:$0x1E400] =	vst v63  }
0x277: {  	s1 =	simm.s32 $0x2500  }
0x278: {  	[spmem:s2] =	stream.indirect.scatter.add.f32 [tilespmem:s25], [sflag:$0x3], $0x80, s1, s24, $0x2000b8;
	[tilespmem:$0x1E400] =	vst v63  }
0x279: {  	s3 =	simm.s32 $0x2580  }
0x27a: {  	[spmem:s2] =	stream.indirect.scatter.add.f32 [tilespmem:s25], [sflag:$0x4], $0x80, s3, s24, $0x2000b8;
	[tilespmem:$0x1E400] =	vst v63  }
0x27b: {  	s6 =	simm.s32 $0x2600  }
0x27c: {  	[spmem:s2] =	stream.indirect.scatter.add.f32 [tilespmem:s25], [sflag:$0x3], $0x80, s6, s24, $0x2000b8;
	[tilespmem:$0x1E400] =	vst v63  }
0x27d: {  	s1 =	simm.s32 $0x2680  }
0x27e: {  	[spmem:s2] =	stream.indirect.scatter.add.f32 [tilespmem:s25], [sflag:$0x4], $0x80, s1, s24, $0x2000b8;
	[tilespmem:$0x1E400] =	vst v63  }
0x27f: {  	s3 =	simm.s32 $0x2700  }
0x280: {  	[spmem:s2] =	stream.indirect.scatter.add.f32 [tilespmem:s25], [sflag:$0x3], $0x80, s3, s24, $0x2000b8;
	[tilespmem:$0x1E400] =	vst v63  }
0x281: {  	s6 =	simm.s32 $0x2780  }
0x282: {  	[spmem:s2] =	stream.indirect.scatter.add.f32 [tilespmem:s25], [sflag:$0x4], $0x80, s6, s24, $0x2000b8;
	[tilespmem:$0x1E400] =	vst v63  }
0x283: {  	_ =	swait.ge [sflag:s30], $0x4000  }
0x284: {  	[sflag:s30] =	ssyncset.done $0x0  }
0x285: {  	[sflag:s30] =	ssyncadd.s32 $0xFFFFC000  }
0x286: {  	_ =	swait.ge [sflag:s31], $0x4000  }
0x287: {  	[sflag:s31] =	ssyncset.done $0x0  }
0x288: {  	[sflag:s31] =	ssyncadd.s32 $0xFFFFC000  }
0x289: {  	_ =	swait.ge [sflag:s30], $0x4000  }
0x28a: {  	[sflag:s30] =	ssyncset.done $0x0  }
0x28b: {  	[sflag:s30] =	ssyncadd.s32 $0xFFFFC000  }
0x28c: {  	_ =	swait.ge [sflag:s31], $0x4000  }
0x28d: {  	[sflag:s31] =	ssyncset.done $0x0  }
0x28e: {  	[sflag:s31] =	ssyncadd.s32 $0xFFFFC000  }
0x28f: {  	_ =	swait.ge [sflag:s30], $0x4000  }
0x290: {  	[sflag:s30] =	ssyncset.done $0x0  }
0x291: {  	[sflag:s30] =	ssyncadd.s32 $0xFFFFC000  }
0x292: {  	_ =	swait.ge [sflag:s31], $0x4000  }
0x293: {  	[sflag:s31] =	ssyncset.done $0x0  }
0x294: {  	[sflag:s31] =	ssyncadd.s32 $0xFFFFC000  }
0x295: {  	_ =	swait.ge [sflag:s30], $0x4000  }
0x296: {  	[sflag:s30] =	ssyncset.done $0x0  }
0x297: {  	[sflag:s30] =	ssyncadd.s32 $0xFFFFC000  }
0x298: {  	_ =	swait.ge [sflag:s31], $0x4000  }
0x299: {  	[sflag:s31] =	ssyncset.done $0x0  }
0x29a: {  	s1 =	rddreg [dreg:$0x9];
	[sflag:s31] =	ssyncadd.s32 $0xFFFFC000  }
0x29b: {  	[tilespmem:s23], [sflag:$0x5] =	stream.linear.gather [hbm4b:s1+s7], $0x1400, $0x200038;
	[tilespmem:$0x1E400] =	vst v63  }
0x29c: {  	_ =	swait.ge [sflag:s22], $0x1400  }
0x29d: {  	[sflag:s22] =	ssyncset.done $0x0  }
0x29e: {  	[sflag:s22] =	ssyncadd.s32 $0xFFFFEC00  }
0x29f: {  	[spmem:s2] =	stream.indirect.scatter.add.f32 [tilespmem:s25], [sflag:$0x3], $0x80, s23, s24, $0x2000b8;
	[tilespmem:$0x1E400] =	vst v63  }
0x2a0: {  	s3 =	simm.s32 $0x1480  }
0x2a1: {  	[spmem:s2] =	stream.indirect.scatter.add.f32 [tilespmem:s25], [sflag:$0x4], $0x80, s3, s24, $0x2000b8;
	[tilespmem:$0x1E400] =	vst v63  }
0x2a2: {  	s6 =	simm.s32 $0x1500  }
0x2a3: {  	[spmem:s2] =	stream.indirect.scatter.add.f32 [tilespmem:s25], [sflag:$0x3], $0x80, s6, s24, $0x2000b8;
	[tilespmem:$0x1E400] =	vst v63  }
0x2a4: {  	s1 =	simm.s32 $0x1580  }
0x2a5: {  	[spmem:s2] =	stream.indirect.scatter.add.f32 [tilespmem:s25], [sflag:$0x4], $0x80, s1, s24, $0x2000b8;
	[tilespmem:$0x1E400] =	vst v63  }
0x2a6: {  	s3 =	simm.s32 $0x1600  }
0x2a7: {  	[spmem:s2] =	stream.indirect.scatter.add.f32 [tilespmem:s25], [sflag:$0x3], $0x80, s3, s24, $0x2000b8;
	[tilespmem:$0x1E400] =	vst v63  }
0x2a8: {  	s6 =	simm.s32 $0x1680  }
0x2a9: {  	[spmem:s2] =	stream.indirect.scatter.add.f32 [tilespmem:s25], [sflag:$0x4], $0x80, s6, s24, $0x2000b8;
	[tilespmem:$0x1E400] =	vst v63  }
0x2aa: {  	s3 =	simm.s32 $0x1700  }
0x2ab: {  	[spmem:s2] =	stream.indirect.scatter.add.f32 [tilespmem:s25], [sflag:$0x3], $0x80, s3, s24, $0x2000b8;
	[tilespmem:$0x1E400] =	vst v63  }
0x2ac: {  	s6 =	simm.s32 $0x1780  }
0x2ad: {  	[spmem:s2] =	stream.indirect.scatter.add.f32 [tilespmem:s25], [sflag:$0x4], $0x80, s6, s24, $0x2000b8;
	[tilespmem:$0x1E400] =	vst v63  }
0x2ae: {  	_ =	swait.ge [sflag:s30], $0x4000  }
0x2af: {  	[sflag:s30] =	ssyncset.done $0x0  }
0x2b0: {  	[sflag:s30] =	ssyncadd.s32 $0xFFFFC000  }
0x2b1: {  	_ =	swait.ge [sflag:s31], $0x4000  }
0x2b2: {  	[sflag:s31] =	ssyncset.done $0x0  }
0x2b3: {  	[sflag:s31] =	ssyncadd.s32 $0xFFFFC000  }
0x2b4: {  	_ =	swait.ge [sflag:s30], $0x4000  }
0x2b5: {  	[sflag:s30] =	ssyncset.done $0x0  }
0x2b6: {  	[sflag:s30] =	ssyncadd.s32 $0xFFFFC000  }
0x2b7: {  	_ =	swait.ge [sflag:s31], $0x4000  }
0x2b8: {  	[sflag:s31] =	ssyncset.done $0x0  }
0x2b9: {  	[sflag:s31] =	ssyncadd.s32 $0xFFFFC000  }
0x2ba: {  	_ =	swait.ge [sflag:s30], $0x4000  }
0x2bb: {  	[sflag:s30] =	ssyncset.done $0x0  }
0x2bc: {  	[sflag:s30] =	ssyncadd.s32 $0xFFFFC000  }
0x2bd: {  	_ =	swait.ge [sflag:s31], $0x4000  }
0x2be: {  	[sflag:s31] =	ssyncset.done $0x0  }
0x2bf: {  	[sflag:s31] =	ssyncadd.s32 $0xFFFFC000  }
0x2c0: {  	_ =	swait.ge [sflag:s30], $0x4000  }
0x2c1: {  	[sflag:s30] =	ssyncset.done $0x0  }
0x2c2: {  	[sflag:s30] =	ssyncadd.s32 $0xFFFFC000  }
0x2c3: {  	_ =	swait.ge [sflag:s31], $0x4000  }
0x2c4: {  	[sflag:s31] =	ssyncset.done $0x0  }
0x2c5: {  	s3 =	simm.s32 $0x1800;
	[sflag:s31] =	ssyncadd.s32 $0xFFFFC000  }
0x2c6: {  	[spmem:s2] =	stream.indirect.scatter.add.f32 [tilespmem:s25], [sflag:$0x3], $0x80, s3, s24, $0x2000b8;
	[tilespmem:$0x1E400] =	vst v63  }
0x2c7: {  	s6 =	simm.s32 $0x1880  }
0x2c8: {  	[spmem:s2] =	stream.indirect.scatter.add.f32 [tilespmem:s25], [sflag:$0x4], $0x80, s6, s24, $0x2000b8;
	[tilespmem:$0x1E400] =	vst v63  }
0x2c9: {  	s3 =	simm.s32 $0x1900  }
0x2ca: {  	[spmem:s2] =	stream.indirect.scatter.add.f32 [tilespmem:s25], [sflag:$0x3], $0x80, s3, s24, $0x2000b8;
	[tilespmem:$0x1E400] =	vst v63  }
0x2cb: {  	s6 =	simm.s32 $0x1980  }
0x2cc: {  	[spmem:s2] =	stream.indirect.scatter.add.f32 [tilespmem:s25], [sflag:$0x4], $0x80, s6, s24, $0x2000b8;
	[tilespmem:$0x1E400] =	vst v63  }
0x2cd: {  	s3 =	simm.s32 $0x1A00  }
0x2ce: {  	[spmem:s2] =	stream.indirect.scatter.add.f32 [tilespmem:s25], [sflag:$0x3], $0x80, s3, s24, $0x2000b8;
	[tilespmem:$0x1E400] =	vst v63  }
0x2cf: {  	s6 =	simm.s32 $0x1A80  }
0x2d0: {  	[spmem:s2] =	stream.indirect.scatter.add.f32 [tilespmem:s25], [sflag:$0x4], $0x80, s6, s24, $0x2000b8;
	[tilespmem:$0x1E400] =	vst v63  }
0x2d1: {  	s6 =	simm.s32 $0x1B00  }
0x2d2: {  	[spmem:s2] =	stream.indirect.scatter.add.f32 [tilespmem:s25], [sflag:$0x3], $0x80, s6, s24, $0x2000b8;
	[tilespmem:$0x1E400] =	vst v63  }
0x2d3: {  	s6 =	simm.s32 $0x1B80  }
0x2d4: {  	[spmem:s2] =	stream.indirect.scatter.add.f32 [tilespmem:s25], [sflag:$0x4], $0x80, s6, s24, $0x2000b8;
	[tilespmem:$0x1E400] =	vst v63  }
0x2d5: {  	s3 =	rddreg [dreg:$0x13];
	_ =	swait.ge [sflag:s30], $0x4000  }
0x2d6: {  	[sflag:s30] =	ssyncset.done $0x0  }
0x2d7: {  	[sflag:s30] =	ssyncadd.s32 $0xFFFFC000  }
0x2d8: {  	_ =	swait.ge [sflag:s31], $0x4000  }
0x2d9: {  	[sflag:s31] =	ssyncset.done $0x0  }
0x2da: {  	[sflag:s31] =	ssyncadd.s32 $0xFFFFC000  }
0x2db: {  	_ =	swait.ge [sflag:s30], $0x4000  }
0x2dc: {  	[sflag:s30] =	ssyncset.done $0x0  }
0x2dd: {  	[sflag:s30] =	ssyncadd.s32 $0xFFFFC000  }
0x2de: {  	_ =	swait.ge [sflag:s31], $0x4000  }
0x2df: {  	[sflag:s31] =	ssyncset.done $0x0  }
0x2e0: {  	[sflag:s31] =	ssyncadd.s32 $0xFFFFC000  }
0x2e1: {  	_ =	swait.ge [sflag:s30], $0x4000  }
0x2e2: {  	[sflag:s30] =	ssyncset.done $0x0  }
0x2e3: {  	[sflag:s30] =	ssyncadd.s32 $0xFFFFC000  }
0x2e4: {  	_ =	swait.ge [sflag:s31], $0x4000  }
0x2e5: {  	[sflag:s31] =	ssyncset.done $0x0  }
0x2e6: {  	[sflag:s31] =	ssyncadd.s32 $0xFFFFC000  }
0x2e7: {  	_ =	swait.ge [sflag:s30], $0x4000  }
0x2e8: {  	[sflag:s30] =	ssyncset.done $0x0  }
0x2e9: {  	[sflag:s30] =	ssyncadd.s32 $0xFFFFC000  }
0x2ea: {  	_ =	swait.ge [sflag:s31], $0x4000  }
0x2eb: {  	[sflag:s31] =	ssyncset.done $0x0  }
0x2ec: {  	s4 =	simm.s32 $0x1C00;
	[sflag:s31] =	ssyncadd.s32 $0xFFFFC000  }
0x2ed: {  	[spmem:s2] =	stream.indirect.scatter.add.f32 [tilespmem:s25], [sflag:$0x3], $0x80, s4, s24, $0x2000b8;
	[tilespmem:$0x1E400] =	vst v63  }
0x2ee: {  	s9 =	simm.s32 $0x1C80  }
0x2ef: {  	[spmem:s2] =	stream.indirect.scatter.add.f32 [tilespmem:s25], [sflag:$0x4], $0x80, s9, s24, $0x2000b8;
	[tilespmem:$0x1E400] =	vst v63  }
0x2f0: {  	s10 =	simm.s32 $0x1D00  }
0x2f1: {  	[spmem:s2] =	stream.indirect.scatter.add.f32 [tilespmem:s25], [sflag:$0x3], $0x80, s10, s24, $0x2000b8;
	[tilespmem:$0x1E400] =	vst v63  }
0x2f2: {  	s11 =	simm.s32 $0x1D80  }
0x2f3: {  	[spmem:s2] =	stream.indirect.scatter.add.f32 [tilespmem:s25], [sflag:$0x4], $0x80, s11, s24, $0x2000b8;
	[tilespmem:$0x1E400] =	vst v63  }
0x2f4: {  	s13 =	simm.s32 $0x1E00  }
0x2f5: {  	[spmem:s2] =	stream.indirect.scatter.add.f32 [tilespmem:s25], [sflag:$0x3], $0x80, s13, s24, $0x2000b8;
	[tilespmem:$0x1E400] =	vst v63  }
0x2f6: {  	s14 =	simm.s32 $0x1E80  }
0x2f7: {  	[spmem:s2] =	stream.indirect.scatter.add.f32 [tilespmem:s25], [sflag:$0x4], $0x80, s14, s24, $0x2000b8;
	[tilespmem:$0x1E400] =	vst v63  }
0x2f8: {  	s16 =	simm.s32 $0x1F00  }
0x2f9: {  	[spmem:s2] =	stream.indirect.scatter.add.f32 [tilespmem:s25], [sflag:$0x3], $0x80, s16, s24, $0x2000b8;
	[tilespmem:$0x1E400] =	vst v63  }
0x2fa: {  	s9 =	simm.s32 $0x1F80  }
0x2fb: {  	[spmem:s2] =	stream.indirect.scatter.add.f32 [tilespmem:s25], [sflag:$0x4], $0x80, s9, s24, $0x2000b8;
	[tilespmem:$0x1E400] =	vst v63  }
0x2fc: {  	_ =	swait.ge [sflag:s30], $0x4000  }
0x2fd: {  	[sflag:s30] =	ssyncset.done $0x0  }
0x2fe: {  	[sflag:s30] =	ssyncadd.s32 $0xFFFFC000  }
0x2ff: {  	_ =	swait.ge [sflag:s31], $0x4000  }
0x300: {  	[sflag:s31] =	ssyncset.done $0x0  }
0x301: {  	[sflag:s31] =	ssyncadd.s32 $0xFFFFC000  }
0x302: {  	_ =	swait.ge [sflag:s30], $0x4000  }
0x303: {  	[sflag:s30] =	ssyncset.done $0x0  }
0x304: {  	[sflag:s30] =	ssyncadd.s32 $0xFFFFC000  }
0x305: {  	_ =	swait.ge [sflag:s31], $0x4000  }
0x306: {  	[sflag:s31] =	ssyncset.done $0x0  }
0x307: {  	[sflag:s31] =	ssyncadd.s32 $0xFFFFC000  }
0x308: {  	_ =	swait.ge [sflag:s30], $0x4000  }
0x309: {  	[sflag:s30] =	ssyncset.done $0x0  }
0x30a: {  	[sflag:s30] =	ssyncadd.s32 $0xFFFFC000  }
0x30b: {  	_ =	swait.ge [sflag:s31], $0x4000  }
0x30c: {  	[sflag:s31] =	ssyncset.done $0x0  }
0x30d: {  	[sflag:s31] =	ssyncadd.s32 $0xFFFFC000  }
0x30e: {  	_ =	swait.ge [sflag:s30], $0x4000  }
0x30f: {  	[sflag:s30] =	ssyncset.done $0x0  }
0x310: {  	[sflag:s30] =	ssyncadd.s32 $0xFFFFC000  }
0x311: {  	_ =	swait.ge [sflag:s31], $0x4000  }
0x312: {  	[sflag:s31] =	ssyncset.done $0x0  }
0x313: {  	s19 =	simm.s32 $0x2000;
	[sflag:s31] =	ssyncadd.s32 $0xFFFFC000  }
0x314: {  	[spmem:s2] =	stream.indirect.scatter.add.f32 [tilespmem:s25], [sflag:$0x3], $0x80, s19, s24, $0x2000b8;
	[tilespmem:$0x1E400] =	vst v63  }
0x315: {  	s12 =	simm.s32 $0x2080  }
0x316: {  	[spmem:s2] =	stream.indirect.scatter.add.f32 [tilespmem:s25], [sflag:$0x4], $0x80, s12, s24, $0x2000b8;
	[tilespmem:$0x1E400] =	vst v63  }
0x317: {  	s20 =	simm.s32 $0x2100  }
0x318: {  	[spmem:s2] =	stream.indirect.scatter.add.f32 [tilespmem:s25], [sflag:$0x3], $0x80, s20, s24, $0x2000b8;
	[tilespmem:$0x1E400] =	vst v63  }
0x319: {  	s21 =	simm.s32 $0x2180  }
0x31a: {  	[spmem:s2] =	stream.indirect.scatter.add.f32 [tilespmem:s25], [sflag:$0x4], $0x80, s21, s24, $0x2000b8;
	[tilespmem:$0x1E400] =	vst v63  }
0x31b: {  	s15 =	simm.s32 $0x2200  }
0x31c: {  	[spmem:s2] =	stream.indirect.scatter.add.f32 [tilespmem:s25], [sflag:$0x3], $0x80, s15, s24, $0x2000b8;
	[tilespmem:$0x1E400] =	vst v63  }
0x31d: {  	s10 =	simm.s32 $0x2280  }
0x31e: {  	[spmem:s2] =	stream.indirect.scatter.add.f32 [tilespmem:s25], [sflag:$0x4], $0x80, s10, s24, $0x2000b8;
	[tilespmem:$0x1E400] =	vst v63  }
0x31f: {  	s11 =	simm.s32 $0x2300  }
0x320: {  	[spmem:s2] =	stream.indirect.scatter.add.f32 [tilespmem:s25], [sflag:$0x3], $0x80, s11, s24, $0x2000b8;
	[tilespmem:$0x1E400] =	vst v63  }
0x321: {  	s12 =	simm.s32 $0x2380  }
0x322: {  	[spmem:s2] =	stream.indirect.scatter.add.f32 [tilespmem:s25], [sflag:$0x4], $0x80, s12, s24, $0x2000b8;
	[tilespmem:$0x1E400] =	vst v63  }
0x323: {  	_ =	swait.ge [sflag:s30], $0x4000  }
0x324: {  	[sflag:s30] =	ssyncset.done $0x0  }
0x325: {  	[sflag:s30] =	ssyncadd.s32 $0xFFFFC000  }
0x326: {  	_ =	swait.ge [sflag:s31], $0x4000  }
0x327: {  	[sflag:s31] =	ssyncset.done $0x0  }
0x328: {  	[sflag:s31] =	ssyncadd.s32 $0xFFFFC000  }
0x329: {  	_ =	swait.ge [sflag:s30], $0x4000  }
0x32a: {  	[sflag:s30] =	ssyncset.done $0x0  }
0x32b: {  	[sflag:s30] =	ssyncadd.s32 $0xFFFFC000  }
0x32c: {  	_ =	swait.ge [sflag:s31], $0x4000  }
0x32d: {  	[sflag:s31] =	ssyncset.done $0x0  }
0x32e: {  	[sflag:s31] =	ssyncadd.s32 $0xFFFFC000  }
0x32f: {  	_ =	swait.ge [sflag:s30], $0x4000  }
0x330: {  	[sflag:s30] =	ssyncset.done $0x0  }
0x331: {  	[sflag:s30] =	ssyncadd.s32 $0xFFFFC000  }
0x332: {  	_ =	swait.ge [sflag:s31], $0x4000  }
0x333: {  	[sflag:s31] =	ssyncset.done $0x0  }
0x334: {  	[sflag:s31] =	ssyncadd.s32 $0xFFFFC000  }
0x335: {  	_ =	swait.ge [sflag:s30], $0x4000  }
0x336: {  	[sflag:s30] =	ssyncset.done $0x0  }
0x337: {  	[sflag:s30] =	ssyncadd.s32 $0xFFFFC000  }
0x338: {  	_ =	swait.ge [sflag:s31], $0x4000  }
0x339: {  	[sflag:s31] =	ssyncset.done $0x0  }
0x33a: {  	s13 =	simm.s32 $0x2400;
	[sflag:s31] =	ssyncadd.s32 $0xFFFFC000  }
0x33b: {  	[spmem:s2] =	stream.indirect.scatter.add.f32 [tilespmem:s25], [sflag:$0x3], $0x80, s13, s24, $0x2000b8;
	[tilespmem:$0x1E400] =	vst v63  }
0x33c: {  	s14 =	simm.s32 $0x2480  }
0x33d: {  	[spmem:s2] =	stream.indirect.scatter.add.f32 [tilespmem:s25], [sflag:$0x4], $0x80, s14, s24, $0x2000b8;
	[tilespmem:$0x1E400] =	vst v63  }
0x33e: {  	s15 =	simm.s32 $0x2500  }
0x33f: {  	[spmem:s2] =	stream.indirect.scatter.add.f32 [tilespmem:s25], [sflag:$0x3], $0x80, s15, s24, $0x2000b8;
	[tilespmem:$0x1E400] =	vst v63  }
0x340: {  	s16 =	simm.s32 $0x2580  }
0x341: {  	[spmem:s2] =	stream.indirect.scatter.add.f32 [tilespmem:s25], [sflag:$0x4], $0x80, s16, s24, $0x2000b8;
	[tilespmem:$0x1E400] =	vst v63  }
0x342: {  	s19 =	simm.s32 $0x2600  }
0x343: {  	[spmem:s2] =	stream.indirect.scatter.add.f32 [tilespmem:s25], [sflag:$0x3], $0x80, s19, s24, $0x2000b8;
	[tilespmem:$0x1E400] =	vst v63  }
0x344: {  	s20 =	simm.s32 $0x2680  }
0x345: {  	[spmem:s2] =	stream.indirect.scatter.add.f32 [tilespmem:s25], [sflag:$0x4], $0x80, s20, s24, $0x2000b8;
	[tilespmem:$0x1E400] =	vst v63  }
0x346: {  	s0 =	simm.s32 $0x2700  }
0x347: {  	[spmem:s2] =	stream.indirect.scatter.add.f32 [tilespmem:s25], [sflag:$0x3], $0x80, s0, s24, $0x2000b8;
	[tilespmem:$0x1E400] =	vst v63  }
0x348: {  	s1 =	simm.s32 $0x2780  }
0x349: {  	[spmem:s2] =	stream.indirect.scatter.add.f32 [tilespmem:s25], [sflag:$0x4], $0x80, s1, s24, $0x2000b8;
	[tilespmem:$0x1E400] =	vst v63  }
0x34a: {  	_ =	swait.ge [sflag:s30], $0x4000  }
0x34b: {  	[sflag:s30] =	ssyncset.done $0x0  }
0x34c: {  	[sflag:s30] =	ssyncadd.s32 $0xFFFFC000  }
0x34d: {  	_ =	swait.ge [sflag:s31], $0x4000  }
0x34e: {  	[sflag:s31] =	ssyncset.done $0x0  }
0x34f: {  	[sflag:s31] =	ssyncadd.s32 $0xFFFFC000  }
0x350: {  	_ =	swait.ge [sflag:s30], $0x4000  }
0x351: {  	[sflag:s30] =	ssyncset.done $0x0  }
0x352: {  	[sflag:s30] =	ssyncadd.s32 $0xFFFFC000  }
0x353: {  	_ =	swait.ge [sflag:s31], $0x4000  }
0x354: {  	[sflag:s31] =	ssyncset.done $0x0  }
0x355: {  	[sflag:s31] =	ssyncadd.s32 $0xFFFFC000  }
0x356: {  	_ =	swait.ge [sflag:s30], $0x4000  }
0x357: {  	[sflag:s30] =	ssyncset.done $0x0  }
0x358: {  	[sflag:s30] =	ssyncadd.s32 $0xFFFFC000  }
0x359: {  	_ =	swait.ge [sflag:s31], $0x4000  }
0x35a: {  	[sflag:s31] =	ssyncset.done $0x0  }
0x35b: {  	[sflag:s31] =	ssyncadd.s32 $0xFFFFC000  }
0x35c: {  	_ =	swait.ge [sflag:s30], $0x4000  }
0x35d: {  	[sflag:s30] =	ssyncset.done $0x0  }
0x35e: {  	[sflag:s30] =	ssyncadd.s32 $0xFFFFC000  }
0x35f: {  	_ =	swait.ge [sflag:s31], $0x4000  }
0x360: {  	[sflag:s31] =	ssyncset.done $0x0  }
0x361: {  	[sflag:s31] =	ssyncadd.s32 $0xFFFFC000  }
0x362: {  	[bflag:$0x0] =	sbarrier.arrive $0xFFFF  }
0x363: {  	s21 =	rddreg [dreg:$0xa]  }
0x364: {  	[hbm:s21], [sflag:s8] =	dma.local [spmem:s18], $0x2780  }
0x365: {  	_ =	swait.ge [sflag:s22], $0x2780  }
0x366: {  	[sflag:s22] =	ssyncset.done $0x0  }
0x367: {  	[sflag:s22] =	ssyncadd.s32 $0xFFFFD880  }
0x368: {  	[spmem:s18], [sflag:s8] =	dma.local [hbm:s3], $0x2780  }
0x369: {  	_ =	swait.ge [sflag:s22], $0x2780  }
0x36a: {  	[sflag:s22] =	ssyncset.done $0x0  }
0x36b: {  	[sflag:s22] =	ssyncadd.s32 $0xFFFFD880  }
0x36c: {  	[bflag:$0x0] =	sbarrier.arrive $0xFFFF  }
0x36d: {  	_ =	strace $0x90000048  }
.LBB2_3:
0x36e: {  	_ =	strace $0x80000049  }
0x36f: {  	s6 =	simm.s32 $0x0;
	s14 =	rddreg [dreg:$0xb]  }
0x370: {  	[tilespmem:s6], [sflag:$0x5] =	stream.linear.gather [hbm4b:s14+s6], $0x1400, $0x200038;
	[tilespmem:$0x1E400] =	vst v63  }
0x371: {  	_ =	swait.ge [sflag:s22], $0x1400  }
0x372: {  	[sflag:s22] =	ssyncset.done $0x0  }
0x373: {  	s16 =	rddreg [dreg:$0xc];
	[sflag:s22] =	ssyncadd.s32 $0xFFFFEC00  }
0x374: {  	[tilespmem:s23], [sflag:$0x5] =	stream.linear.gather [hbm4b:s16+s6], $0x1400, $0x200038;
	[tilespmem:$0x1E400] =	vst v63  }
0x375: {  	_ =	swait.ge [sflag:s22], $0x1400  }
0x376: {  	[sflag:s22] =	ssyncset.done $0x0  }
0x377: {  	[sflag:s22] =	ssyncadd.s32 $0xFFFFEC00  }
0x378: {  	[tilespmem:s25], [sflag:$0x1] =	stream.indirect.gather [hbm4b:s5+s24], $0x80, s6, s24, $0x2000b8;
	[tilespmem:$0x1E400] =	vst v63  }
0x379: {  	_ = 	snop  }
0x37a: {  	[tilespmem:s26], [sflag:$0x2] =	stream.indirect.gather [hbm4b:s5+s24], $0x80, s24, s24, $0x2000b8;
	[tilespmem:$0x1E400] =	vst v63  }
0x37b: {  	_ =	swait.ge [sflag:s28], $0x4000  }
0x37c: {  	[sflag:s28] =	ssyncset.done $0x0  }
0x37d: {  	s19 =	simm.s32 $0x1400;
	[sflag:s28] =	ssyncadd.s32 $0xFFFFC000  }
0x37e: {  	[spmem:s2] =	stream.indirect.scatter.add.f32 [tilespmem:s25], [sflag:$0x3], $0x80, s19, s24, $0x2000b8;
	[tilespmem:$0x1E400] =	vst v63  }
0x37f: {  	_ =	swait.ge [sflag:s29], $0x4000  }
0x380: {  	[sflag:s29] =	ssyncset.done $0x0  }
0x381: {  	s20 =	simm.s32 $0x1480;
	[sflag:s29] =	ssyncadd.s32 $0xFFFFC000  }
0x382: {  	[spmem:s2] =	stream.indirect.scatter.add.f32 [tilespmem:s26], [sflag:$0x4], $0x80, s20, s24, $0x2000b8;
	[tilespmem:$0x1E400] =	vst v63  }
0x383: {  	_ =	swait.ge [sflag:s30], $0x4000  }
0x384: {  	[sflag:s30] =	ssyncset.done $0x0  }
0x385: {  	s21 =	simm.s32 $0x100;
	[sflag:s30] =	ssyncadd.s32 $0xFFFFC000  }
0x386: {  	[tilespmem:s25], [sflag:$0x1] =	stream.indirect.gather [hbm4b:s5+s24], $0x80, s21, s24, $0x2000b8;
	[tilespmem:$0x1E400] =	vst v63  }
0x387: {  	_ =	swait.ge [sflag:s31], $0x4000  }
0x388: {  	[sflag:s31] =	ssyncset.done $0x0  }
0x389: {  	s6 =	simm.s32 $0x180;
	s19 =	simm.s32 $0x400;
	[sflag:s31] =	ssyncadd.s32 $0xFFFFC000  }
.LBB2_4:
0x38a: {  	[tilespmem:s26], [sflag:$0x2] =	stream.indirect.gather [hbm4b:s5+s24], $0x80, s6, s24, $0x2000b8;
	[tilespmem:$0x1E400] =	vst v63  }
0x38b: {  	s6 =	smov.u32 s19  }
0x38c: {  	p2 =	sne.s32 s19, $0x4800;
	s19 =	sadd.s32 $0x400, s19;
	_ =	swait.ge [sflag:s28], $0x4000  }
0x38d: {  	s6 =	sshra.s32 s6, $0x2;
	[sflag:s28] =	ssyncset.done $0x0  }
0x38e: {  	s14 =	sadd.s32 $0x1400, s6;
	[sflag:s28] =	ssyncadd.s32 $0xFFFFC000  }
0x38f: {  	[spmem:s2] =	stream.indirect.scatter.add.f32 [tilespmem:s25], [sflag:$0x3], $0x80, s14, s24, $0x2000b8;
	[tilespmem:$0x1E400] =	vst v63  }
0x390: {  	_ =	swait.ge [sflag:s29], $0x4000  }
0x391: {  	[sflag:s29] =	ssyncset.done $0x0  }
0x392: {  	s14 =	sadd.s32 $0x1480, s6;
	[sflag:s29] =	ssyncadd.s32 $0xFFFFC000  }
0x393: {  	[spmem:s2] =	stream.indirect.scatter.add.f32 [tilespmem:s26], [sflag:$0x4], $0x80, s14, s24, $0x2000b8;
	[tilespmem:$0x1E400] =	vst v63  }
0x394: {  	_ =	swait.ge [sflag:s30], $0x4000  }
0x395: {  	[sflag:s30] =	ssyncset.done $0x0  }
.Ltmp3:
0x396: {  	s14 =	sadd.s32 $0x100, s6;
	[sflag:s30] =	ssyncadd.s32 $0xFFFFC000;
	(pc) =	sbr.rel @p2 .LBB2_4-.Ltmp3, $4  }
0x397: {  	[tilespmem:s25], [sflag:$0x1] =	stream.indirect.gather [hbm4b:s5+s24], $0x80, s14, s24, $0x2000b8;
	[tilespmem:$0x1E400] =	vst v63  }
0x398: {  	_ =	swait.ge [sflag:s31], $0x4000  }
0x399: {  	[sflag:s31] =	ssyncset.done $0x0  }
0x39a: {  	s6 =	sadd.s32 $0x180, s6;
	[sflag:s31] =	ssyncadd.s32 $0xFFFFC000  }
0x39b: {  	[tilespmem:s26], [sflag:$0x2] =	stream.indirect.gather [hbm4b:s5+s24], $0x80, s6, s24, $0x2000b8;
	[tilespmem:$0x1E400] =	vst v63  }
0x39c: {  	_ =	swait.ge [sflag:s28], $0x4000  }
0x39d: {  	[sflag:s28] =	ssyncset.done $0x0  }
0x39e: {  	[sflag:s28] =	ssyncadd.s32 $0xFFFFC000  }
0x39f: {  	[spmem:s2] =	stream.indirect.scatter.add.f32 [tilespmem:s25], [sflag:$0x3], $0x80, s0, s24, $0x2000b8;
	[tilespmem:$0x1E400] =	vst v63  }
0x3a0: {  	_ =	swait.ge [sflag:s29], $0x4000  }
0x3a1: {  	[sflag:s29] =	ssyncset.done $0x0  }
0x3a2: {  	[sflag:s29] =	ssyncadd.s32 $0xFFFFC000  }
0x3a3: {  	[spmem:s2] =	stream.indirect.scatter.add.f32 [tilespmem:s26], [sflag:$0x4], $0x80, s1, s24, $0x2000b8;
	[tilespmem:$0x1E400] =	vst v63  }
0x3a4: {  	_ =	swait.ge [sflag:s30], $0x4000  }
0x3a5: {  	[sflag:s30] =	ssyncset.done $0x0  }
0x3a6: {  	[sflag:s30] =	ssyncadd.s32 $0xFFFFC000  }
.Ltmp4:
0x3a7: {  	_ =	swait.ge [sflag:s31], $0x4000;
	(pc) =	sbr.rel @p1 .LBB2_11-.Ltmp4, $4  }
0x3a8: {  	[sflag:s31] =	ssyncset.done $0x0  }
0x3a9: {  	[sflag:s31] =	ssyncadd.s32 $0xFFFFC000  }
0x3aa: {  	_ =	strace $0x90000049  }
0x3ab: {  	_ =	strace $0x8000004A  }
0x3ac: {  	s6 =	simm.s32 $0x0;
	s14 =	rddreg [dreg:$0xd]  }
0x3ad: {  	[tilespmem:s6], [sflag:$0x5] =	stream.linear.gather [hbm4b:s14+s6], $0x1400, $0x200038;
	[tilespmem:$0x1E400] =	vst v63  }
0x3ae: {  	_ =	swait.ge [sflag:s22], $0x1400  }
0x3af: {  	[sflag:s22] =	ssyncset.done $0x0  }
0x3b0: {  	s16 =	rddreg [dreg:$0xe];
	[sflag:s22] =	ssyncadd.s32 $0xFFFFEC00  }
0x3b1: {  	[tilespmem:s23], [sflag:$0x5] =	stream.linear.gather [hbm4b:s16+s6], $0x1400, $0x200038;
	[tilespmem:$0x1E400] =	vst v63  }
0x3b2: {  	_ =	swait.ge [sflag:s22], $0x1400  }
0x3b3: {  	[sflag:s22] =	ssyncset.done $0x0  }
0x3b4: {  	[sflag:s22] =	ssyncadd.s32 $0xFFFFEC00  }
0x3b5: {  	[tilespmem:s25], [sflag:$0x1] =	stream.indirect.gather [hbm4b:s5+s24], $0x80, s6, s24, $0x2000b8;
	[tilespmem:$0x1E400] =	vst v63  }
0x3b6: {  	_ = 	snop  }
0x3b7: {  	[tilespmem:s26], [sflag:$0x2] =	stream.indirect.gather [hbm4b:s5+s24], $0x80, s24, s24, $0x2000b8;
	[tilespmem:$0x1E400] =	vst v63  }
0x3b8: {  	_ =	swait.ge [sflag:s28], $0x4000  }
0x3b9: {  	[sflag:s28] =	ssyncset.done $0x0  }
0x3ba: {  	s19 =	simm.s32 $0x1400;
	[sflag:s28] =	ssyncadd.s32 $0xFFFFC000  }
0x3bb: {  	[spmem:s2] =	stream.indirect.scatter.add.f32 [tilespmem:s25], [sflag:$0x3], $0x80, s19, s24, $0x2000b8;
	[tilespmem:$0x1E400] =	vst v63  }
0x3bc: {  	_ =	swait.ge [sflag:s29], $0x4000  }
0x3bd: {  	[sflag:s29] =	ssyncset.done $0x0  }
0x3be: {  	s20 =	simm.s32 $0x1480;
	[sflag:s29] =	ssyncadd.s32 $0xFFFFC000  }
0x3bf: {  	[spmem:s2] =	stream.indirect.scatter.add.f32 [tilespmem:s26], [sflag:$0x4], $0x80, s20, s24, $0x2000b8;
	[tilespmem:$0x1E400] =	vst v63  }
0x3c0: {  	_ =	swait.ge [sflag:s30], $0x4000  }
0x3c1: {  	[sflag:s30] =	ssyncset.done $0x0  }
0x3c2: {  	s21 =	simm.s32 $0x100;
	[sflag:s30] =	ssyncadd.s32 $0xFFFFC000  }
0x3c3: {  	[tilespmem:s25], [sflag:$0x1] =	stream.indirect.gather [hbm4b:s5+s24], $0x80, s21, s24, $0x2000b8;
	[tilespmem:$0x1E400] =	vst v63  }
0x3c4: {  	_ =	swait.ge [sflag:s31], $0x4000  }
0x3c5: {  	[sflag:s31] =	ssyncset.done $0x0  }
0x3c6: {  	s6 =	simm.s32 $0x180;
	s19 =	simm.s32 $0x400;
	[sflag:s31] =	ssyncadd.s32 $0xFFFFC000  }
.LBB2_7:
0x3c7: {  	[tilespmem:s26], [sflag:$0x2] =	stream.indirect.gather [hbm4b:s5+s24], $0x80, s6, s24, $0x2000b8;
	[tilespmem:$0x1E400] =	vst v63  }
0x3c8: {  	s6 =	smov.u32 s19  }
0x3c9: {  	p2 =	sne.s32 s19, $0x4800;
	s19 =	sadd.s32 $0x400, s19;
	_ =	swait.ge [sflag:s28], $0x4000  }
0x3ca: {  	s6 =	sshra.s32 s6, $0x2;
	[sflag:s28] =	ssyncset.done $0x0  }
0x3cb: {  	s14 =	sadd.s32 $0x1400, s6;
	[sflag:s28] =	ssyncadd.s32 $0xFFFFC000  }
0x3cc: {  	[spmem:s2] =	stream.indirect.scatter.add.f32 [tilespmem:s25], [sflag:$0x3], $0x80, s14, s24, $0x2000b8;
	[tilespmem:$0x1E400] =	vst v63  }
0x3cd: {  	_ =	swait.ge [sflag:s29], $0x4000  }
0x3ce: {  	[sflag:s29] =	ssyncset.done $0x0  }
0x3cf: {  	s14 =	sadd.s32 $0x1480, s6;
	[sflag:s29] =	ssyncadd.s32 $0xFFFFC000  }
0x3d0: {  	[spmem:s2] =	stream.indirect.scatter.add.f32 [tilespmem:s26], [sflag:$0x4], $0x80, s14, s24, $0x2000b8;
	[tilespmem:$0x1E400] =	vst v63  }
0x3d1: {  	_ =	swait.ge [sflag:s30], $0x4000  }
0x3d2: {  	[sflag:s30] =	ssyncset.done $0x0  }
.Ltmp5:
0x3d3: {  	s14 =	sadd.s32 $0x100, s6;
	[sflag:s30] =	ssyncadd.s32 $0xFFFFC000;
	(pc) =	sbr.rel @p2 .LBB2_7-.Ltmp5, $4  }
0x3d4: {  	[tilespmem:s25], [sflag:$0x1] =	stream.indirect.gather [hbm4b:s5+s24], $0x80, s14, s24, $0x2000b8;
	[tilespmem:$0x1E400] =	vst v63  }
0x3d5: {  	_ =	swait.ge [sflag:s31], $0x4000  }
0x3d6: {  	[sflag:s31] =	ssyncset.done $0x0  }
0x3d7: {  	s6 =	sadd.s32 $0x180, s6;
	[sflag:s31] =	ssyncadd.s32 $0xFFFFC000  }
0x3d8: {  	[tilespmem:s26], [sflag:$0x2] =	stream.indirect.gather [hbm4b:s5+s24], $0x80, s6, s24, $0x2000b8;
	[tilespmem:$0x1E400] =	vst v63  }
0x3d9: {  	_ =	swait.ge [sflag:s28], $0x4000  }
0x3da: {  	[sflag:s28] =	ssyncset.done $0x0  }
0x3db: {  	[sflag:s28] =	ssyncadd.s32 $0xFFFFC000  }
0x3dc: {  	[spmem:s2] =	stream.indirect.scatter.add.f32 [tilespmem:s25], [sflag:$0x3], $0x80, s0, s24, $0x2000b8;
	[tilespmem:$0x1E400] =	vst v63  }
0x3dd: {  	_ =	swait.ge [sflag:s29], $0x4000  }
0x3de: {  	[sflag:s29] =	ssyncset.done $0x0  }
0x3df: {  	[sflag:s29] =	ssyncadd.s32 $0xFFFFC000  }
0x3e0: {  	[spmem:s2] =	stream.indirect.scatter.add.f32 [tilespmem:s26], [sflag:$0x4], $0x80, s1, s24, $0x2000b8;
	[tilespmem:$0x1E400] =	vst v63  }
0x3e1: {  	_ =	swait.ge [sflag:s30], $0x4000  }
0x3e2: {  	[sflag:s30] =	ssyncset.done $0x0  }
0x3e3: {  	[sflag:s30] =	ssyncadd.s32 $0xFFFFC000  }
0x3e4: {  	_ =	swait.ge [sflag:s31], $0x4000  }
0x3e5: {  	[sflag:s31] =	ssyncset.done $0x0  }
0x3e6: {  	s15 =	simm.s32 $0x0;
	s14 =	rddreg [dreg:$0xf];
	[sflag:s31] =	ssyncadd.s32 $0xFFFFC000  }
0x3e7: {  	[tilespmem:s15], [sflag:$0x5] =	stream.linear.gather [hbm4b:s14+s15], $0x1400, $0x200038;
	[tilespmem:$0x1E400] =	vst v63  }
0x3e8: {  	_ =	swait.ge [sflag:s22], $0x1400  }
0x3e9: {  	[sflag:s22] =	ssyncset.done $0x0  }
0x3ea: {  	s16 =	rddreg [dreg:$0x10];
	[sflag:s22] =	ssyncadd.s32 $0xFFFFEC00  }
0x3eb: {  	[tilespmem:s23], [sflag:$0x5] =	stream.linear.gather [hbm4b:s16+s15], $0x1400, $0x200038;
	[tilespmem:$0x1E400] =	vst v63  }
0x3ec: {  	_ =	swait.ge [sflag:s22], $0x1400  }
0x3ed: {  	[sflag:s22] =	ssyncset.done $0x0  }
0x3ee: {  	[sflag:s22] =	ssyncadd.s32 $0xFFFFEC00  }
0x3ef: {  	[tilespmem:s25], [sflag:$0x1] =	stream.indirect.gather [hbm4b:s5+s24], $0x80, s15, s24, $0x2000b8;
	[tilespmem:$0x1E400] =	vst v63  }
0x3f0: {  	_ = 	snop  }
0x3f1: {  	[tilespmem:s26], [sflag:$0x2] =	stream.indirect.gather [hbm4b:s5+s24], $0x80, s24, s24, $0x2000b8;
	[tilespmem:$0x1E400] =	vst v63  }
0x3f2: {  	_ =	swait.ge [sflag:s28], $0x4000  }
0x3f3: {  	[sflag:s28] =	ssyncset.done $0x0  }
0x3f4: {  	s19 =	simm.s32 $0x1400;
	[sflag:s28] =	ssyncadd.s32 $0xFFFFC000  }
0x3f5: {  	[spmem:s2] =	stream.indirect.scatter.add.f32 [tilespmem:s25], [sflag:$0x3], $0x80, s19, s24, $0x2000b8;
	[tilespmem:$0x1E400] =	vst v63  }
0x3f6: {  	_ =	swait.ge [sflag:s29], $0x4000  }
0x3f7: {  	[sflag:s29] =	ssyncset.done $0x0  }
0x3f8: {  	s20 =	simm.s32 $0x1480;
	[sflag:s29] =	ssyncadd.s32 $0xFFFFC000  }
0x3f9: {  	[spmem:s2] =	stream.indirect.scatter.add.f32 [tilespmem:s26], [sflag:$0x4], $0x80, s20, s24, $0x2000b8;
	[tilespmem:$0x1E400] =	vst v63  }
0x3fa: {  	_ =	swait.ge [sflag:s30], $0x4000  }
0x3fb: {  	[sflag:s30] =	ssyncset.done $0x0  }
0x3fc: {  	s21 =	simm.s32 $0x100;
	[sflag:s30] =	ssyncadd.s32 $0xFFFFC000  }
0x3fd: {  	[tilespmem:s25], [sflag:$0x1] =	stream.indirect.gather [hbm4b:s5+s24], $0x80, s21, s24, $0x2000b8;
	[tilespmem:$0x1E400] =	vst v63  }
0x3fe: {  	_ =	swait.ge [sflag:s31], $0x4000  }
0x3ff: {  	[sflag:s31] =	ssyncset.done $0x0  }
0x400: {  	s6 =	simm.s32 $0x180;
	s19 =	simm.s32 $0x400;
	[sflag:s31] =	ssyncadd.s32 $0xFFFFC000  }
.LBB2_9:
0x401: {  	[tilespmem:s26], [sflag:$0x2] =	stream.indirect.gather [hbm4b:s5+s24], $0x80, s6, s24, $0x2000b8;
	[tilespmem:$0x1E400] =	vst v63  }
0x402: {  	s6 =	smov.u32 s19  }
0x403: {  	p2 =	sne.s32 s19, $0x4800;
	s19 =	sadd.s32 $0x400, s19;
	_ =	swait.ge [sflag:s28], $0x4000  }
0x404: {  	s6 =	sshra.s32 s6, $0x2;
	[sflag:s28] =	ssyncset.done $0x0  }
0x405: {  	s14 =	sadd.s32 $0x1400, s6;
	[sflag:s28] =	ssyncadd.s32 $0xFFFFC000  }
0x406: {  	[spmem:s2] =	stream.indirect.scatter.add.f32 [tilespmem:s25], [sflag:$0x3], $0x80, s14, s24, $0x2000b8;
	[tilespmem:$0x1E400] =	vst v63  }
0x407: {  	_ =	swait.ge [sflag:s29], $0x4000  }
0x408: {  	[sflag:s29] =	ssyncset.done $0x0  }
0x409: {  	s14 =	sadd.s32 $0x1480, s6;
	[sflag:s29] =	ssyncadd.s32 $0xFFFFC000  }
0x40a: {  	[spmem:s2] =	stream.indirect.scatter.add.f32 [tilespmem:s26], [sflag:$0x4], $0x80, s14, s24, $0x2000b8;
	[tilespmem:$0x1E400] =	vst v63  }
0x40b: {  	_ =	swait.ge [sflag:s30], $0x4000  }
0x40c: {  	[sflag:s30] =	ssyncset.done $0x0  }
.Ltmp6:
0x40d: {  	s14 =	sadd.s32 $0x100, s6;
	[sflag:s30] =	ssyncadd.s32 $0xFFFFC000;
	(pc) =	sbr.rel @p2 .LBB2_9-.Ltmp6, $4  }
0x40e: {  	[tilespmem:s25], [sflag:$0x1] =	stream.indirect.gather [hbm4b:s5+s24], $0x80, s14, s24, $0x2000b8;
	[tilespmem:$0x1E400] =	vst v63  }
0x40f: {  	_ =	swait.ge [sflag:s31], $0x4000  }
0x410: {  	[sflag:s31] =	ssyncset.done $0x0  }
0x411: {  	s6 =	sadd.s32 $0x180, s6;
	[sflag:s31] =	ssyncadd.s32 $0xFFFFC000  }
.Ltmp7:
0x412: {  	_ = 	snop;
	(pc) =	sbr.rel .LBB2_10-.Ltmp7, $1  }
0x413: {  	_ =	sdelay $0x3  }
.LBB2_12:
0x414: {  	_ =	sfence.sel $0x180000  }
0x415: {  	[bflag:$0x0] =	sbarrier.arrive $0xFFFF  }
0x416: {  	_ =	strace $0x90000047  }
0x417: {  	s0 =	stileid.u32;
	[bflag:$0x2] =	sbarrier.arrive $0xFFFF  }
0x418: {  	p0 =	sne.s32 s0, $0x0;
	s0 =	rddreg [dreg:$0x4]  }
0x419: {  	s0 =	sadd.s32 @!p0 $0x100000, s0  }
0x41a: {  	[sflag:s0] =	ssyncadd.tile.s32 @!p0 $0x1;
	_ =	shalt  }
.Lfunc_end2:
_tile_overlayer_lowered:
.L_overlay_start_2:
0x41b: {  	(tag) =	ssettag $0x2  }
0x41c: {  	s0 =	rddreg [dreg:$0x0];
	s2 =	stileid.u32  }
0x41d: {  	s1 =	rddreg [dreg:$0x1];
	p0 =	sne.s32 s2, $0x0  }
0x41e: {  	s3 =	rddreg [dreg:$0x2];
	[bflag:$0x3] =	sbarrier.arrive $0xFFFF;
	s2 =	simm.s32 @!p0 $0x1C05  }
0x41f: {  	[timem:s3], [sflag:s2] =	dma.local @!p0 [hbm:s0], s1  }
0x420: {  	s0 =	simm.s32 @!p0 $0x5  }
0x421: {  	_ =	swait.ge @!p0 [sflag:s0], s1  }
0x422: {  	s1 =	ssub.s32 @!p0 $0x0, s1;
	[sflag:s0] =	ssyncset.done @!p0 $0x0  }
0x423: {  	[sflag:s0] =	ssyncadd.s32 @!p0 s1  }
0x424: {  	[bflag:$0x3] =	sbarrier.arrive $0xFFFF  }
0x425: {  	_ =	shalt  }

</sc_bundles>
